<compile_context>
chip_gen: v7x
topology: tpu7x:2x2x1
jax: 0.10.2.dev20260603
libtpu: 0.0.44.dev20260713+nightly
codegen_flags: <defaults>
</compile_context>

<pallas_src>
import functools

import jax
import jax.numpy as jnp
from jax import lax
from jax.experimental import pallas as pl
from jax.experimental.pallas import tpu as pltpu
from jax.experimental.pallas import tpu_sc as plsc

LLE_PERCENT = 0.5
K = 10
BN = 1024
GN = 128
BIGI = 2 ** 30



def _dist_body(nvalid, ngb, feats_ref, db_ref, dout_ref, gmin_ref):
    j = pl.program_id(0)
    fb = feats_ref[...]
    db = db_ref[...]
    norms = jnp.sum(db * db, axis=1, keepdims=True)
    dots = lax.dot_general(fb, db.astype(jnp.bfloat16),
                           (((1,), (1,)), ((), ())),
                           preferred_element_type=jnp.float32)
    d = jnp.transpose(norms) - 2.0 * dots
    nb = pl.num_programs(0)

    @pl.when(j < nb - 1)
    def _store_plain():
        d3 = d.reshape(d.shape[0], ngb, GN)
        dout_ref[...] = d3
        gmin_ref[...] = jnp.min(d3, axis=2)[None]

    @pl.when(j == nb - 1)
    def _store_masked():
        col = j * BN + lax.broadcasted_iota(jnp.int32, d.shape, 1)
        dm = jnp.where(col >= nvalid, jnp.inf, d)
        d3 = dm.reshape(d.shape[0], ngb, GN)
        dout_ref[...] = d3
        gmin_ref[...] = jnp.min(d3, axis=2)[None]


def _distances_and_group_minima(feats_bf, db):
    f = feats_bf.shape[0]
    n, dd = db.shape
    nb = -(-n // BN)
    ngb = BN // GN
    dout, gmin = pl.pallas_call(
        functools.partial(_dist_body, n, ngb),
        grid=(nb,),
        in_specs=[
            pl.BlockSpec((f, dd), lambda j: (0, 0)),
            pl.BlockSpec((BN, dd), lambda j: (j, 0)),
        ],
        out_specs=[
            pl.BlockSpec((f, ngb, GN), lambda j: (0, j, 0)),
            pl.BlockSpec((1, f, ngb), lambda j: (j, 0, 0)),
        ],
        out_shape=[
            jax.ShapeDtypeStruct((f, nb * ngb, GN), jnp.float32),
            jax.ShapeDtypeStruct((nb, f, ngb), jnp.float32),
        ],
    )(feats_bf, db)
    return dout, jnp.transpose(gmin, (1, 0, 2)).reshape(f, nb * ngb)



def _topg_body(gmin_ref, gid_ref):
    m = gmin_ref[...]
    lane = lax.broadcasted_iota(jnp.int32, m.shape, 1)
    cols = []
    for _ in range(K):
        mn = jnp.min(m, axis=1, keepdims=True)
        pick = jnp.min(jnp.where(m == mn, lane, BIGI), axis=1, keepdims=True)
        cols.append(pick)
        m = jnp.where(lane == pick, jnp.inf, m)
    gid_ref[...] = jnp.concatenate(cols, axis=1)


def _top_groups(gmin):
    f = gmin.shape[0]
    return pl.pallas_call(
        _topg_body,
        out_shape=jax.ShapeDtypeStruct((f, K), jnp.int32),
    )(gmin)


def _topc_body(cand_ref, gid_ref, ind_ref):
    c = cand_ref[...]
    gid = gid_ref[...]
    f = c.shape[0]
    g3 = jnp.broadcast_to(gid[:, :, None], (f, K, GN)).reshape(f, K * GN)
    off = lax.broadcasted_iota(jnp.int32, c.shape, 1) % GN
    eidx = g3 * GN + off
    cols = []
    for _ in range(K):
        mn = jnp.min(c, axis=1, keepdims=True)
        pick = jnp.min(jnp.where(c == mn, eidx, BIGI), axis=1, keepdims=True)
        cols.append(pick)
        c = jnp.where(eidx == pick, jnp.inf, c)
    ind_ref[...] = jnp.concatenate(cols, axis=1)


def _top_candidates(cand, gid):
    f = cand.shape[0]
    return pl.pallas_call(
        _topc_body,
        out_shape=jax.ShapeDtypeStruct((f, K), jnp.int32),
    )(cand, gid)



def _sc_gather(table, idx, rows_out, row_width):
    info = plsc.get_sparse_core_info()
    nc, ns = info.num_cores, info.num_subcores
    nw = nc * ns
    b = idx.shape[0]
    b_per_w = b // nw
    cb = min(b_per_w, 128)
    chunks = b_per_w // cb
    mesh = plsc.VectorSubcoreMesh(core_axis_name="c", subcore_axis_name="s")

    @functools.partial(
        pl.kernel, mesh=mesh,
        out_type=jax.ShapeDtypeStruct((b, row_width), jnp.float32),
        scratch_types=[
            pltpu.VMEM((cb,), jnp.int32),
            pltpu.VMEM((cb, row_width), jnp.float32),
            pltpu.SemaphoreType.DMA,
        ],
    )
    def gather_k(table_hbm, idx_hbm, out_hbm, idx_v, rows_v, sem):
        wid = lax.axis_index("s") * nc + lax.axis_index("c")
        base = wid * b_per_w
        for ch in range(chunks):
            pltpu.sync_copy(idx_hbm.at[pl.ds(base + ch * cb, cb)], idx_v)
            pltpu.async_copy(table_hbm.at[idx_v], rows_v, sem).wait()
            pltpu.sync_copy(rows_v, out_hbm.at[pl.ds(base + ch * cb, cb)])

    del rows_out
    return gather_k(table, idx)



def _lle_body(featsT_ref, fbT_ref, outT_ref):
    ft = featsT_ref[...]
    xs = [fbT_ref[k] for k in range(K)]
    q = [jnp.sum(x * ft, axis=0, keepdims=True) for x in xs]
    gram = {}
    for a in range(K):
        for bb in range(a, K):
            gram[(a, bb)] = jnp.sum(xs[a] * xs[bb], axis=0, keepdims=True)

    def g(a, bb):
        return gram[(min(a, bb), max(a, bb))]

    m = [[g(j, k) - g(j, 0) - g(0, k) + g(0, 0) for k in range(1, K)]
         for j in range(1, K)]
    rhs = [q[j] - q[0] - g(j, 0) + g(0, 0) for j in range(1, K)]
    nv = K - 1
    for p in range(nv):
        inv = 1.0 / m[p][p]
        for r in range(nv):
            if r == p:
                continue
            fac = m[r][p] * inv
            for cc in range(p, nv):
                m[r][cc] = m[r][cc] - fac * m[p][cc]
            rhs[r] = rhs[r] - fac * rhs[p]
    w_rest = [rhs[p] / m[p][p] for p in range(nv)]
    w0 = 1.0 - functools.reduce(lambda a_, b_: a_ + b_, w_rest)
    w = [w0] + w_rest
    fuse = w[0] * xs[0]
    for k in range(1, K):
        fuse = fuse + w[k] * xs[k]
    outT_ref[...] = ft * (1.0 - LLE_PERCENT) + fuse * LLE_PERCENT


def _lle_solve(featsT, fbT):
    dd, f = featsT.shape
    return pl.pallas_call(
        _lle_body,
        out_shape=jax.ShapeDtypeStruct((dd, f), jnp.float32),
    )(featsT, fbT)



def kernel(audio_features, feature_database):
    feats = audio_features
    if feats.ndim == 3:
        feats = feats[0]
    f, dd = feats.shape
    n = feature_database.shape[0]
    nb = -(-n // BN)
    ng = nb * (BN // GN)

    feats_bf = feats.astype(jnp.bfloat16)
    dout, gmin = _distances_and_group_minima(feats_bf, feature_database)

    gid = _top_groups(gmin)

    frame_base = (jnp.arange(f, dtype=jnp.int32) * ng)[:, None]
    drill_idx = (frame_base + gid).reshape(-1)
    dview = dout.reshape(f * ng, GN)
    cand = _sc_gather(dview, drill_idx, None, GN).reshape(f, K * GN)

    ind = _top_candidates(cand, gid)

    gather_idx = jnp.transpose(ind).reshape(-1)
    fb = _sc_gather(feature_database, gather_idx, None, dd)
    fbT = jnp.transpose(fb.reshape(K, f, dd), (0, 2, 1))

    outT = _lle_solve(jnp.transpose(feats), fbT)
    return jnp.transpose(outT)

# --- scband reference (transcript-rebuilt; emitter-appended) ---
"""Pipeline reference for scband-manifold-projection-24945170055751 (READ-ONLY COPY).

The authoritative reference and input builder live on the scoring server;
editing this copy changes nothing except your own understanding.
"""

import jax, jax.numpy as jnp
import numpy as np

LLE_PERCENT = 0.5
K = 10


def setup_inputs(seed: int = 0) -> dict:
    key = jax.random.key(seed)
    k1, k2 = jax.random.split(key)
    audio_features = jax.random.normal(k1, (2048, 256), dtype=jnp.float32)
    # learned/stored parameter: the feature database normally loaded via torch.load
    feature_database = jax.random.normal(k2, (100000, 256), dtype=jnp.float32)
    return {"audio_features": audio_features, "feature_database": feature_database}


def reference(audio_features, feature_database):
    feats = audio_features
    if feats.ndim == 3:
        feats = feats[0]
    # KNN_torch: squared euclidean distances + smallest-K via top_k on negated distances
    feat_base_norm = (feature_database ** 2).sum(-1)
    feats_norm = (feats ** 2).sum(-1)
    diss = feats_norm[:, None] + feat_base_norm[None, :] - 2.0 * (feats @ feature_database.T)
    _, ind = jax.lax.top_k(-diss, K)  # [nframe, K] indices of nearest neighbors
    # LLE_projection, vectorized over frames (original loops per frame)
    feat_base = feature_database[ind]            # [N, K, d] gather
    f0 = feat_base[:, 0, :]                      # [N, d]
    B = feats - f0                               # [N, d]
    A = jnp.transpose(feat_base[:, 1:, :] - f0[:, None, :], (0, 2, 1))  # [N, d, K-1]
    AT = jnp.transpose(A, (0, 2, 1))             # [N, K-1, d]
    ATA = AT @ A                                 # [N, K-1, K-1]
    ATB = jnp.einsum('nkd,nd->nk', AT, B)        # [N, K-1]
    w_rest = jnp.linalg.solve(ATA, ATB[..., None])[..., 0]  # [N, K-1]
    w0 = 1.0 - w_rest.sum(-1, keepdims=True)
    w = jnp.concatenate([w0, w_rest], axis=-1)   # [N, K], sums to 1
    feat_fuse = jnp.einsum('nk,nkd->nd', w, feat_base)       # [N, d]
    # project
    out = feats * (1.0 - LLE_PERCENT) + feat_fuse * LLE_PERCENT
    return out

if __name__ == "__main__":
    import jax
    _d = setup_inputs()
    print(jax.jit(kernel)(*tuple(_d.values())))

</pallas_src>

<mosaic_0001>
#map = affine_map<(d0, d1) -> (0, 0)>
#map1 = affine_map<(d0, d1) -> (0)>
module attributes {stable_mosaic.version = 14 : i64} {
  func.func @gather_k(%arg0: i32, %arg1: i32, %arg2: memref<100000x256xf32, #tpu.memory_space<hbm>>, %arg3: memref<20480xi32, #tpu.memory_space<hbm>>, %arg4: memref<20480x256xf32, #tpu.memory_space<hbm>>, %arg5: memref<128xi32, #tpu.memory_space<vmem>>, %arg6: memref<128x256xf32, #tpu.memory_space<vmem>>, %arg7: memref<!tpu.dma_semaphore, #tpu.memory_space<semaphore_mem>>) attributes {dimension_semantics = [#tpu.dimension_semantics<core_parallel>, #tpu.dimension_semantics<subcore_parallel>], iteration_bounds = array<i64: 2, 16>, scalar_prefetch = 0 : i64, scratch_operands = 3 : i64, tpu.core_type = #tpu.core_type<sc_vector_subcore>, window_params = [{transform_indices = #map}, {transform_indices = #map1}, {transform_indices = #map}]} {
    %mul3A = arith.constant 2 : i32
    %mul3A_0 = arith.muli %arg1, %mul3A : i32
    %add3A = arith.addi %mul3A_0, %arg0 : i32
    %mul3A_1 = arith.constant 640 : i32
    %mul3A_2 = arith.muli %add3A, %mul3A_1 : i32
    %add3A_3 = arith.constant 0 : i32
    %add3A_4 = arith.addi %mul3A_2, %add3A_3 : i32
    "tpu.region"() ({
      %run_scoped3A = tpu.sem_alloc : memref<!tpu.dma_semaphore, #tpu.memory_space<semaphore_mem>>
      %dma_start3A_51 = tpu.memref_slice %arg3[%add3A_4] : memref<20480xi32, #tpu.memory_space<hbm>> -> memref<128xi32, #tpu.memory_space<hbm>>
      %dma_start3A_52 = tpu.memref_slice %arg3[%add3A_4] : memref<20480xi32, #tpu.memory_space<hbm>> -> memref<128xi32, #tpu.memory_space<hbm>>
      tpu.enqueue_dma source(%dma_start3A_52 : memref<128xi32, #tpu.memory_space<hbm>>) target(%arg5 : memref<128xi32, #tpu.memory_space<vmem>>) target_semaphore(%run_scoped3A : memref<!tpu.dma_semaphore, #tpu.memory_space<semaphore_mem>>)
      %dma_wait3A_53 = tpu.memref_slice %arg3[%add3A_4] : memref<20480xi32, #tpu.memory_space<hbm>> -> memref<128xi32, #tpu.memory_space<hbm>>
      %dma_wait3A_54 = tpu.memref_slice %arg3[%add3A_4] : memref<20480xi32, #tpu.memory_space<hbm>> -> memref<128xi32, #tpu.memory_space<hbm>>
      tpu.wait_dma2 semaphore(%run_scoped3A : memref<!tpu.dma_semaphore, #tpu.memory_space<semaphore_mem>>) src(%dma_wait3A_54 : memref<128xi32, #tpu.memory_space<hbm>>) dst(%arg5 : memref<128xi32, #tpu.memory_space<vmem>>)
      tpu.yield
    }) : () -> ()
    %dma_start3A = arith.constant 0 : i32
    %dma_start3A_5 = arith.constant 0 : i32
    %dma_start3A_6 = tpu.memref_slice %arg2[%dma_start3A, %dma_start3A_5] : memref<100000x256xf32, #tpu.memory_space<hbm>> -> memref<100000x256xf32, #tpu.memory_space<hbm>>
    tpu.enqueue_indirect_dma source(%dma_start3A_6 : memref<100000x256xf32, #tpu.memory_space<hbm>>) target(%arg6 : memref<128x256xf32, #tpu.memory_space<vmem>>) offsets(%arg5 : memref<128xi32, #tpu.memory_space<vmem>>) semaphore(%arg7 : memref<!tpu.dma_semaphore, #tpu.memory_space<semaphore_mem>>)
    %dma_wait3A = arith.constant 0 : i32
    %dma_wait3A_7 = arith.constant 0 : i32
    %dma_wait3A_8 = tpu.memref_slice %arg2[%dma_wait3A, %dma_wait3A_7] : memref<100000x256xf32, #tpu.memory_space<hbm>> -> memref<100000x256xf32, #tpu.memory_space<hbm>>
    tpu.wait_indirect_dma semaphore(%arg7 : memref<!tpu.dma_semaphore, #tpu.memory_space<semaphore_mem>>) src(%dma_wait3A_8 : memref<100000x256xf32, #tpu.memory_space<hbm>>) dst(%arg6 : memref<128x256xf32, #tpu.memory_space<vmem>>)
    %add3A_9 = arith.constant 0 : i32
    %add3A_10 = arith.addi %mul3A_2, %add3A_9 : i32
    "tpu.region"() ({
      %run_scoped3A = tpu.sem_alloc : memref<!tpu.dma_semaphore, #tpu.memory_space<semaphore_mem>>
      %dma_start3A_51 = arith.constant 0 : i32
      %dma_start3A_52 = tpu.memref_slice %arg4[%add3A_10, %dma_start3A_51] : memref<20480x256xf32, #tpu.memory_space<hbm>> -> memref<128x256xf32, #tpu.memory_space<hbm>>
      %dma_start3A_53 = arith.constant 0 : i32
      %dma_start3A_54 = tpu.memref_slice %arg4[%add3A_10, %dma_start3A_53] : memref<20480x256xf32, #tpu.memory_space<hbm>> -> memref<128x256xf32, #tpu.memory_space<hbm>>
      tpu.enqueue_dma source(%arg6 : memref<128x256xf32, #tpu.memory_space<vmem>>) target(%dma_start3A_54 : memref<128x256xf32, #tpu.memory_space<hbm>>) target_semaphore(%run_scoped3A : memref<!tpu.dma_semaphore, #tpu.memory_space<semaphore_mem>>)
      %dma_wait3A_55 = arith.constant 0 : i32
      %dma_wait3A_56 = tpu.memref_slice %arg4[%add3A_10, %dma_wait3A_55] : memref<20480x256xf32, #tpu.memory_space<hbm>> -> memref<128x256xf32, #tpu.memory_space<hbm>>
      %dma_wait3A_57 = arith.constant 0 : i32
      %dma_wait3A_58 = tpu.memref_slice %arg4[%add3A_10, %dma_wait3A_57] : memref<20480x256xf32, #tpu.memory_space<hbm>> -> memref<128x256xf32, #tpu.memory_space<hbm>>
      tpu.wait_dma2 semaphore(%run_scoped3A : memref<!tpu.dma_semaphore, #tpu.memory_space<semaphore_mem>>) src(%arg6 : memref<128x256xf32, #tpu.memory_space<vmem>>) dst(%dma_wait3A_58 : memref<128x256xf32, #tpu.memory_space<hbm>>)
      tpu.yield
    }) : () -> ()
    %add3A_11 = arith.constant 128 : i32
    %add3A_12 = arith.addi %mul3A_2, %add3A_11 : i32
    "tpu.region"() ({
      %run_scoped3A = tpu.sem_alloc : memref<!tpu.dma_semaphore, #tpu.memory_space<semaphore_mem>>
      %dma_start3A_51 = tpu.memref_slice %arg3[%add3A_12] : memref<20480xi32, #tpu.memory_space<hbm>> -> memref<128xi32, #tpu.memory_space<hbm>>
      %dma_start3A_52 = tpu.memref_slice %arg3[%add3A_12] : memref<20480xi32, #tpu.memory_space<hbm>> -> memref<128xi32, #tpu.memory_space<hbm>>
      tpu.enqueue_dma source(%dma_start3A_52 : memref<128xi32, #tpu.memory_space<hbm>>) target(%arg5 : memref<128xi32, #tpu.memory_space<vmem>>) target_semaphore(%run_scoped3A : memref<!tpu.dma_semaphore, #tpu.memory_space<semaphore_mem>>)
      %dma_wait3A_53 = tpu.memref_slice %arg3[%add3A_12] : memref<20480xi32, #tpu.memory_space<hbm>> -> memref<128xi32, #tpu.memory_space<hbm>>
      %dma_wait3A_54 = tpu.memref_slice %arg3[%add3A_12] : memref<20480xi32, #tpu.memory_space<hbm>> -> memref<128xi32, #tpu.memory_space<hbm>>
      tpu.wait_dma2 semaphore(%run_scoped3A : memref<!tpu.dma_semaphore, #tpu.memory_space<semaphore_mem>>) src(%dma_wait3A_54 : memref<128xi32, #tpu.memory_space<hbm>>) dst(%arg5 : memref<128xi32, #tpu.memory_space<vmem>>)
      tpu.yield
    }) : () -> ()
    %dma_start3A_13 = arith.constant 0 : i32
    %dma_start3A_14 = arith.constant 0 : i32
    %dma_start3A_15 = tpu.memref_slice %arg2[%dma_start3A_13, %dma_start3A_14] : memref<100000x256xf32, #tpu.memory_space<hbm>> -> memref<100000x256xf32, #tpu.memory_space<hbm>>
    tpu.enqueue_indirect_dma source(%dma_start3A_15 : memref<100000x256xf32, #tpu.memory_space<hbm>>) target(%arg6 : memref<128x256xf32, #tpu.memory_space<vmem>>) offsets(%arg5 : memref<128xi32, #tpu.memory_space<vmem>>) semaphore(%arg7 : memref<!tpu.dma_semaphore, #tpu.memory_space<semaphore_mem>>)
    %dma_wait3A_16 = arith.constant 0 : i32
    %dma_wait3A_17 = arith.constant 0 : i32
    %dma_wait3A_18 = tpu.memref_slice %arg2[%dma_wait3A_16, %dma_wait3A_17] : memref<100000x256xf32, #tpu.memory_space<hbm>> -> memref<100000x256xf32, #tpu.memory_space<hbm>>
    tpu.wait_indirect_dma semaphore(%arg7 : memref<!tpu.dma_semaphore, #tpu.memory_space<semaphore_mem>>) src(%dma_wait3A_18 : memref<100000x256xf32, #tpu.memory_space<hbm>>) dst(%arg6 : memref<128x256xf32, #tpu.memory_space<vmem>>)
    %add3A_19 = arith.constant 128 : i32
    %add3A_20 = arith.addi %mul3A_2, %add3A_19 : i32
    "tpu.region"() ({
      %run_scoped3A = tpu.sem_alloc : memref<!tpu.dma_semaphore, #tpu.memory_space<semaphore_mem>>
      %dma_start3A_51 = arith.constant 0 : i32
      %dma_start3A_52 = tpu.memref_slice %arg4[%add3A_20, %dma_start3A_51] : memref<20480x256xf32, #tpu.memory_space<hbm>> -> memref<128x256xf32, #tpu.memory_space<hbm>>
      %dma_start3A_53 = arith.constant 0 : i32
      %dma_start3A_54 = tpu.memref_slice %arg4[%add3A_20, %dma_start3A_53] : memref<20480x256xf32, #tpu.memory_space<hbm>> -> memref<128x256xf32, #tpu.memory_space<hbm>>
      tpu.enqueue_dma source(%arg6 : memref<128x256xf32, #tpu.memory_space<vmem>>) target(%dma_start3A_54 : memref<128x256xf32, #tpu.memory_space<hbm>>) target_semaphore(%run_scoped3A : memref<!tpu.dma_semaphore, #tpu.memory_space<semaphore_mem>>)
      %dma_wait3A_55 = arith.constant 0 : i32
      %dma_wait3A_56 = tpu.memref_slice %arg4[%add3A_20, %dma_wait3A_55] : memref<20480x256xf32, #tpu.memory_space<hbm>> -> memref<128x256xf32, #tpu.memory_space<hbm>>
      %dma_wait3A_57 = arith.constant 0 : i32
      %dma_wait3A_58 = tpu.memref_slice %arg4[%add3A_20, %dma_wait3A_57] : memref<20480x256xf32, #tpu.memory_space<hbm>> -> memref<128x256xf32, #tpu.memory_space<hbm>>
      tpu.wait_dma2 semaphore(%run_scoped3A : memref<!tpu.dma_semaphore, #tpu.memory_space<semaphore_mem>>) src(%arg6 : memref<128x256xf32, #tpu.memory_space<vmem>>) dst(%dma_wait3A_58 : memref<128x256xf32, #tpu.memory_space<hbm>>)
      tpu.yield
    }) : () -> ()
    %add3A_21 = arith.constant 256 : i32
    %add3A_22 = arith.addi %mul3A_2, %add3A_21 : i32
    "tpu.region"() ({
      %run_scoped3A = tpu.sem_alloc : memref<!tpu.dma_semaphore, #tpu.memory_space<semaphore_mem>>
      %dma_start3A_51 = tpu.memref_slice %arg3[%add3A_22] : memref<20480xi32, #tpu.memory_space<hbm>> -> memref<128xi32, #tpu.memory_space<hbm>>
      %dma_start3A_52 = tpu.memref_slice %arg3[%add3A_22] : memref<20480xi32, #tpu.memory_space<hbm>> -> memref<128xi32, #tpu.memory_space<hbm>>
      tpu.enqueue_dma source(%dma_start3A_52 : memref<128xi32, #tpu.memory_space<hbm>>) target(%arg5 : memref<128xi32, #tpu.memory_space<vmem>>) target_semaphore(%run_scoped3A : memref<!tpu.dma_semaphore, #tpu.memory_space<semaphore_mem>>)
      %dma_wait3A_53 = tpu.memref_slice %arg3[%add3A_22] : memref<20480xi32, #tpu.memory_space<hbm>> -> memref<128xi32, #tpu.memory_space<hbm>>
      %dma_wait3A_54 = tpu.memref_slice %arg3[%add3A_22] : memref<20480xi32, #tpu.memory_space<hbm>> -> memref<128xi32, #tpu.memory_space<hbm>>
      tpu.wait_dma2 semaphore(%run_scoped3A : memref<!tpu.dma_semaphore, #tpu.memory_space<semaphore_mem>>) src(%dma_wait3A_54 : memref<128xi32, #tpu.memory_space<hbm>>) dst(%arg5 : memref<128xi32, #tpu.memory_space<vmem>>)
      tpu.yield
    }) : () -> ()
    %dma_start3A_23 = arith.constant 0 : i32
    %dma_start3A_24 = arith.constant 0 : i32
    %dma_start3A_25 = tpu.memref_slice %arg2[%dma_start3A_23, %dma_start3A_24] : memref<100000x256xf32, #tpu.memory_space<hbm>> -> memref<100000x256xf32, #tpu.memory_space<hbm>>
    tpu.enqueue_indirect_dma source(%dma_start3A_25 : memref<100000x256xf32, #tpu.memory_space<hbm>>) target(%arg6 : memref<128x256xf32, #tpu.memory_space<vmem>>) offsets(%arg5 : memref<128xi32, #tpu.memory_space<vmem>>) semaphore(%arg7 : memref<!tpu.dma_semaphore, #tpu.memory_space<semaphore_mem>>)
    %dma_wait3A_26 = arith.constant 0 : i32
    %dma_wait3A_27 = arith.constant 0 : i32
    %dma_wait3A_28 = tpu.memref_slice %arg2[%dma_wait3A_26, %dma_wait3A_27] : memref<100000x256xf32, #tpu.memory_space<hbm>> -> memref<100000x256xf32, #tpu.memory_space<hbm>>
    tpu.wait_indirect_dma semaphore(%arg7 : memref<!tpu.dma_semaphore, #tpu.memory_space<semaphore_mem>>) src(%dma_wait3A_28 : memref<100000x256xf32, #tpu.memory_space<hbm>>) dst(%arg6 : memref<128x256xf32, #tpu.memory_space<vmem>>)
    %add3A_29 = arith.constant 256 : i32
    %add3A_30 = arith.addi %mul3A_2, %add3A_29 : i32
    "tpu.region"() ({
      %run_scoped3A = tpu.sem_alloc : memref<!tpu.dma_semaphore, #tpu.memory_space<semaphore_mem>>
      %dma_start3A_51 = arith.constant 0 : i32
      %dma_start3A_52 = tpu.memref_slice %arg4[%add3A_30, %dma_start3A_51] : memref<20480x256xf32, #tpu.memory_space<hbm>> -> memref<128x256xf32, #tpu.memory_space<hbm>>
      %dma_start3A_53 = arith.constant 0 : i32
      %dma_start3A_54 = tpu.memref_slice %arg4[%add3A_30, %dma_start3A_53] : memref<20480x256xf32, #tpu.memory_space<hbm>> -> memref<128x256xf32, #tpu.memory_space<hbm>>
      tpu.enqueue_dma source(%arg6 : memref<128x256xf32, #tpu.memory_space<vmem>>) target(%dma_start3A_54 : memref<128x256xf32, #tpu.memory_space<hbm>>) target_semaphore(%run_scoped3A : memref<!tpu.dma_semaphore, #tpu.memory_space<semaphore_mem>>)
      %dma_wait3A_55 = arith.constant 0 : i32
      %dma_wait3A_56 = tpu.memref_slice %arg4[%add3A_30, %dma_wait3A_55] : memref<20480x256xf32, #tpu.memory_space<hbm>> -> memref<128x256xf32, #tpu.memory_space<hbm>>
      %dma_wait3A_57 = arith.constant 0 : i32
      %dma_wait3A_58 = tpu.memref_slice %arg4[%add3A_30, %dma_wait3A_57] : memref<20480x256xf32, #tpu.memory_space<hbm>> -> memref<128x256xf32, #tpu.memory_space<hbm>>
      tpu.wait_dma2 semaphore(%run_scoped3A : memref<!tpu.dma_semaphore, #tpu.memory_space<semaphore_mem>>) src(%arg6 : memref<128x256xf32, #tpu.memory_space<vmem>>) dst(%dma_wait3A_58 : memref<128x256xf32, #tpu.memory_space<hbm>>)
      tpu.yield
    }) : () -> ()
    %add3A_31 = arith.constant 384 : i32
    %add3A_32 = arith.addi %mul3A_2, %add3A_31 : i32
    "tpu.region"() ({
      %run_scoped3A = tpu.sem_alloc : memref<!tpu.dma_semaphore, #tpu.memory_space<semaphore_mem>>
      %dma_start3A_51 = tpu.memref_slice %arg3[%add3A_32] : memref<20480xi32, #tpu.memory_space<hbm>> -> memref<128xi32, #tpu.memory_space<hbm>>
      %dma_start3A_52 = tpu.memref_slice %arg3[%add3A_32] : memref<20480xi32, #tpu.memory_space<hbm>> -> memref<128xi32, #tpu.memory_space<hbm>>
      tpu.enqueue_dma source(%dma_start3A_52 : memref<128xi32, #tpu.memory_space<hbm>>) target(%arg5 : memref<128xi32, #tpu.memory_space<vmem>>) target_semaphore(%run_scoped3A : memref<!tpu.dma_semaphore, #tpu.memory_space<semaphore_mem>>)
      %dma_wait3A_53 = tpu.memref_slice %arg3[%add3A_32] : memref<20480xi32, #tpu.memory_space<hbm>> -> memref<128xi32, #tpu.memory_space<hbm>>
      %dma_wait3A_54 = tpu.memref_slice %arg3[%add3A_32] : memref<20480xi32, #tpu.memory_space<hbm>> -> memref<128xi32, #tpu.memory_space<hbm>>
      tpu.wait_dma2 semaphore(%run_scoped3A : memref<!tpu.dma_semaphore, #tpu.memory_space<semaphore_mem>>) src(%dma_wait3A_54 : memref<128xi32, #tpu.memory_space<hbm>>) dst(%arg5 : memref<128xi32, #tpu.memory_space<vmem>>)
      tpu.yield
    }) : () -> ()
    %dma_start3A_33 = arith.constant 0 : i32
    %dma_start3A_34 = arith.constant 0 : i32
    %dma_start3A_35 = tpu.memref_slice %arg2[%dma_start3A_33, %dma_start3A_34] : memref<100000x256xf32, #tpu.memory_space<hbm>> -> memref<100000x256xf32, #tpu.memory_space<hbm>>
    tpu.enqueue_indirect_dma source(%dma_start3A_35 : memref<100000x256xf32, #tpu.memory_space<hbm>>) target(%arg6 : memref<128x256xf32, #tpu.memory_space<vmem>>) offsets(%arg5 : memref<128xi32, #tpu.memory_space<vmem>>) semaphore(%arg7 : memref<!tpu.dma_semaphore, #tpu.memory_space<semaphore_mem>>)
    %dma_wait3A_36 = arith.constant 0 : i32
    %dma_wait3A_37 = arith.constant 0 : i32
    %dma_wait3A_38 = tpu.memref_slice %arg2[%dma_wait3A_36, %dma_wait3A_37] : memref<100000x256xf32, #tpu.memory_space<hbm>> -> memref<100000x256xf32, #tpu.memory_space<hbm>>
    tpu.wait_indirect_dma semaphore(%arg7 : memref<!tpu.dma_semaphore, #tpu.memory_space<semaphore_mem>>) src(%dma_wait3A_38 : memref<100000x256xf32, #tpu.memory_space<hbm>>) dst(%arg6 : memref<128x256xf32, #tpu.memory_space<vmem>>)
    %add3A_39 = arith.constant 384 : i32
    %add3A_40 = arith.addi %mul3A_2, %add3A_39 : i32
    "tpu.region"() ({
      %run_scoped3A = tpu.sem_alloc : memref<!tpu.dma_semaphore, #tpu.memory_space<semaphore_mem>>
      %dma_start3A_51 = arith.constant 0 : i32
      %dma_start3A_52 = tpu.memref_slice %arg4[%add3A_40, %dma_start3A_51] : memref<20480x256xf32, #tpu.memory_space<hbm>> -> memref<128x256xf32, #tpu.memory_space<hbm>>
      %dma_start3A_53 = arith.constant 0 : i32
      %dma_start3A_54 = tpu.memref_slice %arg4[%add3A_40, %dma_start3A_53] : memref<20480x256xf32, #tpu.memory_space<hbm>> -> memref<128x256xf32, #tpu.memory_space<hbm>>
      tpu.enqueue_dma source(%arg6 : memref<128x256xf32, #tpu.memory_space<vmem>>) target(%dma_start3A_54 : memref<128x256xf32, #tpu.memory_space<hbm>>) target_semaphore(%run_scoped3A : memref<!tpu.dma_semaphore, #tpu.memory_space<semaphore_mem>>)
      %dma_wait3A_55 = arith.constant 0 : i32
      %dma_wait3A_56 = tpu.memref_slice %arg4[%add3A_40, %dma_wait3A_55] : memref<20480x256xf32, #tpu.memory_space<hbm>> -> memref<128x256xf32, #tpu.memory_space<hbm>>
      %dma_wait3A_57 = arith.constant 0 : i32
      %dma_wait3A_58 = tpu.memref_slice %arg4[%add3A_40, %dma_wait3A_57] : memref<20480x256xf32, #tpu.memory_space<hbm>> -> memref<128x256xf32, #tpu.memory_space<hbm>>
      tpu.wait_dma2 semaphore(%run_scoped3A : memref<!tpu.dma_semaphore, #tpu.memory_space<semaphore_mem>>) src(%arg6 : memref<128x256xf32, #tpu.memory_space<vmem>>) dst(%dma_wait3A_58 : memref<128x256xf32, #tpu.memory_space<hbm>>)
      tpu.yield
    }) : () -> ()
    %add3A_41 = arith.constant 512 : i32
    %add3A_42 = arith.addi %mul3A_2, %add3A_41 : i32
    "tpu.region"() ({
      %run_scoped3A = tpu.sem_alloc : memref<!tpu.dma_semaphore, #tpu.memory_space<semaphore_mem>>
      %dma_start3A_51 = tpu.memref_slice %arg3[%add3A_42] : memref<20480xi32, #tpu.memory_space<hbm>> -> memref<128xi32, #tpu.memory_space<hbm>>
      %dma_start3A_52 = tpu.memref_slice %arg3[%add3A_42] : memref<20480xi32, #tpu.memory_space<hbm>> -> memref<128xi32, #tpu.memory_space<hbm>>
      tpu.enqueue_dma source(%dma_start3A_52 : memref<128xi32, #tpu.memory_space<hbm>>) target(%arg5 : memref<128xi32, #tpu.memory_space<vmem>>) target_semaphore(%run_scoped3A : memref<!tpu.dma_semaphore, #tpu.memory_space<semaphore_mem>>)
      %dma_wait3A_53 = tpu.memref_slice %arg3[%add3A_42] : memref<20480xi32, #tpu.memory_space<hbm>> -> memref<128xi32, #tpu.memory_space<hbm>>
      %dma_wait3A_54 = tpu.memref_slice %arg3[%add3A_42] : memref<20480xi32, #tpu.memory_space<hbm>> -> memref<128xi32, #tpu.memory_space<hbm>>
      tpu.wait_dma2 semaphore(%run_scoped3A : memref<!tpu.dma_semaphore, #tpu.memory_space<semaphore_mem>>) src(%dma_wait3A_54 : memref<128xi32, #tpu.memory_space<hbm>>) dst(%arg5 : memref<128xi32, #tpu.memory_space<vmem>>)
      tpu.yield
    }) : () -> ()
    %dma_start3A_43 = arith.constant 0 : i32
    %dma_start3A_44 = arith.constant 0 : i32
    %dma_start3A_45 = tpu.memref_slice %arg2[%dma_start3A_43, %dma_start3A_44] : memref<100000x256xf32, #tpu.memory_space<hbm>> -> memref<100000x256xf32, #tpu.memory_space<hbm>>
    tpu.enqueue_indirect_dma source(%dma_start3A_45 : memref<100000x256xf32, #tpu.memory_space<hbm>>) target(%arg6 : memref<128x256xf32, #tpu.memory_space<vmem>>) offsets(%arg5 : memref<128xi32, #tpu.memory_space<vmem>>) semaphore(%arg7 : memref<!tpu.dma_semaphore, #tpu.memory_space<semaphore_mem>>)
    %dma_wait3A_46 = arith.constant 0 : i32
    %dma_wait3A_47 = arith.constant 0 : i32
    %dma_wait3A_48 = tpu.memref_slice %arg2[%dma_wait3A_46, %dma_wait3A_47] : memref<100000x256xf32, #tpu.memory_space<hbm>> -> memref<100000x256xf32, #tpu.memory_space<hbm>>
    tpu.wait_indirect_dma semaphore(%arg7 : memref<!tpu.dma_semaphore, #tpu.memory_space<semaphore_mem>>) src(%dma_wait3A_48 : memref<100000x256xf32, #tpu.memory_space<hbm>>) dst(%arg6 : memref<128x256xf32, #tpu.memory_space<vmem>>)
    %add3A_49 = arith.constant 512 : i32
    %add3A_50 = arith.addi %mul3A_2, %add3A_49 : i32
    "tpu.region"() ({
      %run_scoped3A = tpu.sem_alloc : memref<!tpu.dma_semaphore, #tpu.memory_space<semaphore_mem>>
      %dma_start3A_51 = arith.constant 0 : i32
      %dma_start3A_52 = tpu.memref_slice %arg4[%add3A_50, %dma_start3A_51] : memref<20480x256xf32, #tpu.memory_space<hbm>> -> memref<128x256xf32, #tpu.memory_space<hbm>>
      %dma_start3A_53 = arith.constant 0 : i32
      %dma_start3A_54 = tpu.memref_slice %arg4[%add3A_50, %dma_start3A_53] : memref<20480x256xf32, #tpu.memory_space<hbm>> -> memref<128x256xf32, #tpu.memory_space<hbm>>
      tpu.enqueue_dma source(%arg6 : memref<128x256xf32, #tpu.memory_space<vmem>>) target(%dma_start3A_54 : memref<128x256xf32, #tpu.memory_space<hbm>>) target_semaphore(%run_scoped3A : memref<!tpu.dma_semaphore, #tpu.memory_space<semaphore_mem>>)
      %dma_wait3A_55 = arith.constant 0 : i32
      %dma_wait3A_56 = tpu.memref_slice %arg4[%add3A_50, %dma_wait3A_55] : memref<20480x256xf32, #tpu.memory_space<hbm>> -> memref<128x256xf32, #tpu.memory_space<hbm>>
      %dma_wait3A_57 = arith.constant 0 : i32
      %dma_wait3A_58 = tpu.memref_slice %arg4[%add3A_50, %dma_wait3A_57] : memref<20480x256xf32, #tpu.memory_space<hbm>> -> memref<128x256xf32, #tpu.memory_space<hbm>>
      tpu.wait_dma2 semaphore(%run_scoped3A : memref<!tpu.dma_semaphore, #tpu.memory_space<semaphore_mem>>) src(%arg6 : memref<128x256xf32, #tpu.memory_space<vmem>>) dst(%dma_wait3A_58 : memref<128x256xf32, #tpu.memory_space<hbm>>)
      tpu.yield
    }) : () -> ()
    return
  }
}

#map = affine_map<(d0, d1) -> (0, 0)>
#map1 = affine_map<(d0, d1) -> (0)>
module attributes {stable_mosaic.version = 14 : i64} {
  func.func @gather_k(%arg0: i32, %arg1: i32, %arg2: memref<1605632x128xf32, #tpu.memory_space<hbm>>, %arg3: memref<20480xi32, #tpu.memory_space<hbm>>, %arg4: memref<20480x128xf32, #tpu.memory_space<hbm>>, %arg5: memref<128xi32, #tpu.memory_space<vmem>>, %arg6: memref<128x128xf32, #tpu.memory_space<vmem>>, %arg7: memref<!tpu.dma_semaphore, #tpu.memory_space<semaphore_mem>>) attributes {dimension_semantics = [#tpu.dimension_semantics<core_parallel>, #tpu.dimension_semantics<subcore_parallel>], iteration_bounds = array<i64: 2, 16>, scalar_prefetch = 0 : i64, scratch_operands = 3 : i64, tpu.core_type = #tpu.core_type<sc_vector_subcore>, window_params = [{transform_indices = #map}, {transform_indices = #map1}, {transform_indices = #map}]} {
    %mul3A = arith.constant 2 : i32
    %mul3A_0 = arith.muli %arg1, %mul3A : i32
    %add3A = arith.addi %mul3A_0, %arg0 : i32
    %mul3A_1 = arith.constant 640 : i32
    %mul3A_2 = arith.muli %add3A, %mul3A_1 : i32
    %add3A_3 = arith.constant 0 : i32
    %add3A_4 = arith.addi %mul3A_2, %add3A_3 : i32
    "tpu.region"() ({
      %run_scoped3A = tpu.sem_alloc : memref<!tpu.dma_semaphore, #tpu.memory_space<semaphore_mem>>
      %dma_start3A_51 = tpu.memref_slice %arg3[%add3A_4] : memref<20480xi32, #tpu.memory_space<hbm>> -> memref<128xi32, #tpu.memory_space<hbm>>
      %dma_start3A_52 = tpu.memref_slice %arg3[%add3A_4] : memref<20480xi32, #tpu.memory_space<hbm>> -> memref<128xi32, #tpu.memory_space<hbm>>
      tpu.enqueue_dma source(%dma_start3A_52 : memref<128xi32, #tpu.memory_space<hbm>>) target(%arg5 : memref<128xi32, #tpu.memory_space<vmem>>) target_semaphore(%run_scoped3A : memref<!tpu.dma_semaphore, #tpu.memory_space<semaphore_mem>>)
      %dma_wait3A_53 = tpu.memref_slice %arg3[%add3A_4] : memref<20480xi32, #tpu.memory_space<hbm>> -> memref<128xi32, #tpu.memory_space<hbm>>
      %dma_wait3A_54 = tpu.memref_slice %arg3[%add3A_4] : memref<20480xi32, #tpu.memory_space<hbm>> -> memref<128xi32, #tpu.memory_space<hbm>>
      tpu.wait_dma2 semaphore(%run_scoped3A : memref<!tpu.dma_semaphore, #tpu.memory_space<semaphore_mem>>) src(%dma_wait3A_54 : memref<128xi32, #tpu.memory_space<hbm>>) dst(%arg5 : memref<128xi32, #tpu.memory_space<vmem>>)
      tpu.yield
    }) : () -> ()
    %dma_start3A = arith.constant 0 : i32
    %dma_start3A_5 = arith.constant 0 : i32
    %dma_start3A_6 = tpu.memref_slice %arg2[%dma_start3A, %dma_start3A_5] : memref<1605632x128xf32, #tpu.memory_space<hbm>> -> memref<1605632x128xf32, #tpu.memory_space<hbm>>
    tpu.enqueue_indirect_dma source(%dma_start3A_6 : memref<1605632x128xf32, #tpu.memory_space<hbm>>) target(%arg6 : memref<128x128xf32, #tpu.memory_space<vmem>>) offsets(%arg5 : memref<128xi32, #tpu.memory_space<vmem>>) semaphore(%arg7 : memref<!tpu.dma_semaphore, #tpu.memory_space<semaphore_mem>>)
    %dma_wait3A = arith.constant 0 : i32
    %dma_wait3A_7 = arith.constant 0 : i32
    %dma_wait3A_8 = tpu.memref_slice %arg2[%dma_wait3A, %dma_wait3A_7] : memref<1605632x128xf32, #tpu.memory_space<hbm>> -> memref<1605632x128xf32, #tpu.memory_space<hbm>>
    tpu.wait_indirect_dma semaphore(%arg7 : memref<!tpu.dma_semaphore, #tpu.memory_space<semaphore_mem>>) src(%dma_wait3A_8 : memref<1605632x128xf32, #tpu.memory_space<hbm>>) dst(%arg6 : memref<128x128xf32, #tpu.memory_space<vmem>>)
    %add3A_9 = arith.constant 0 : i32
    %add3A_10 = arith.addi %mul3A_2, %add3A_9 : i32
    "tpu.region"() ({
      %run_scoped3A = tpu.sem_alloc : memref<!tpu.dma_semaphore, #tpu.memory_space<semaphore_mem>>
      %dma_start3A_51 = arith.constant 0 : i32
      %dma_start3A_52 = tpu.memref_slice %arg4[%add3A_10, %dma_start3A_51] : memref<20480x128xf32, #tpu.memory_space<hbm>> -> memref<128x128xf32, #tpu.memory_space<hbm>>
      %dma_start3A_53 = arith.constant 0 : i32
      %dma_start3A_54 = tpu.memref_slice %arg4[%add3A_10, %dma_start3A_53] : memref<20480x128xf32, #tpu.memory_space<hbm>> -> memref<128x128xf32, #tpu.memory_space<hbm>>
      tpu.enqueue_dma source(%arg6 : memref<128x128xf32, #tpu.memory_space<vmem>>) target(%dma_start3A_54 : memref<128x128xf32, #tpu.memory_space<hbm>>) target_semaphore(%run_scoped3A : memref<!tpu.dma_semaphore, #tpu.memory_space<semaphore_mem>>)
      %dma_wait3A_55 = arith.constant 0 : i32
      %dma_wait3A_56 = tpu.memref_slice %arg4[%add3A_10, %dma_wait3A_55] : memref<20480x128xf32, #tpu.memory_space<hbm>> -> memref<128x128xf32, #tpu.memory_space<hbm>>
      %dma_wait3A_57 = arith.constant 0 : i32
      %dma_wait3A_58 = tpu.memref_slice %arg4[%add3A_10, %dma_wait3A_57] : memref<20480x128xf32, #tpu.memory_space<hbm>> -> memref<128x128xf32, #tpu.memory_space<hbm>>
      tpu.wait_dma2 semaphore(%run_scoped3A : memref<!tpu.dma_semaphore, #tpu.memory_space<semaphore_mem>>) src(%arg6 : memref<128x128xf32, #tpu.memory_space<vmem>>) dst(%dma_wait3A_58 : memref<128x128xf32, #tpu.memory_space<hbm>>)
      tpu.yield
    }) : () -> ()
    %add3A_11 = arith.constant 128 : i32
    %add3A_12 = arith.addi %mul3A_2, %add3A_11 : i32
    "tpu.region"() ({
      %run_scoped3A = tpu.sem_alloc : memref<!tpu.dma_semaphore, #tpu.memory_space<semaphore_mem>>
      %dma_start3A_51 = tpu.memref_slice %arg3[%add3A_12] : memref<20480xi32, #tpu.memory_space<hbm>> -> memref<128xi32, #tpu.memory_space<hbm>>
      %dma_start3A_52 = tpu.memref_slice %arg3[%add3A_12] : memref<20480xi32, #tpu.memory_space<hbm>> -> memref<128xi32, #tpu.memory_space<hbm>>
      tpu.enqueue_dma source(%dma_start3A_52 : memref<128xi32, #tpu.memory_space<hbm>>) target(%arg5 : memref<128xi32, #tpu.memory_space<vmem>>) target_semaphore(%run_scoped3A : memref<!tpu.dma_semaphore, #tpu.memory_space<semaphore_mem>>)
      %dma_wait3A_53 = tpu.memref_slice %arg3[%add3A_12] : memref<20480xi32, #tpu.memory_space<hbm>> -> memref<128xi32, #tpu.memory_space<hbm>>
      %dma_wait3A_54 = tpu.memref_slice %arg3[%add3A_12] : memref<20480xi32, #tpu.memory_space<hbm>> -> memref<128xi32, #tpu.memory_space<hbm>>
      tpu.wait_dma2 semaphore(%run_scoped3A : memref<!tpu.dma_semaphore, #tpu.memory_space<semaphore_mem>>) src(%dma_wait3A_54 : memref<128xi32, #tpu.memory_space<hbm>>) dst(%arg5 : memref<128xi32, #tpu.memory_space<vmem>>)
      tpu.yield
    }) : () -> ()
    %dma_start3A_13 = arith.constant 0 : i32
    %dma_start3A_14 = arith.constant 0 : i32
    %dma_start3A_15 = tpu.memref_slice %arg2[%dma_start3A_13, %dma_start3A_14] : memref<1605632x128xf32, #tpu.memory_space<hbm>> -> memref<1605632x128xf32, #tpu.memory_space<hbm>>
    tpu.enqueue_indirect_dma source(%dma_start3A_15 : memref<1605632x128xf32, #tpu.memory_space<hbm>>) target(%arg6 : memref<128x128xf32, #tpu.memory_space<vmem>>) offsets(%arg5 : memref<128xi32, #tpu.memory_space<vmem>>) semaphore(%arg7 : memref<!tpu.dma_semaphore, #tpu.memory_space<semaphore_mem>>)
    %dma_wait3A_16 = arith.constant 0 : i32
    %dma_wait3A_17 = arith.constant 0 : i32
    %dma_wait3A_18 = tpu.memref_slice %arg2[%dma_wait3A_16, %dma_wait3A_17] : memref<1605632x128xf32, #tpu.memory_space<hbm>> -> memref<1605632x128xf32, #tpu.memory_space<hbm>>
    tpu.wait_indirect_dma semaphore(%arg7 : memref<!tpu.dma_semaphore, #tpu.memory_space<semaphore_mem>>) src(%dma_wait3A_18 : memref<1605632x128xf32, #tpu.memory_space<hbm>>) dst(%arg6 : memref<128x128xf32, #tpu.memory_space<vmem>>)
    %add3A_19 = arith.constant 128 : i32
    %add3A_20 = arith.addi %mul3A_2, %add3A_19 : i32
    "tpu.region"() ({
      %run_scoped3A = tpu.sem_alloc : memref<!tpu.dma_semaphore, #tpu.memory_space<semaphore_mem>>
      %dma_start3A_51 = arith.constant 0 : i32
      %dma_start3A_52 = tpu.memref_slice %arg4[%add3A_20, %dma_start3A_51] : memref<20480x128xf32, #tpu.memory_space<hbm>> -> memref<128x128xf32, #tpu.memory_space<hbm>>
      %dma_start3A_53 = arith.constant 0 : i32
      %dma_start3A_54 = tpu.memref_slice %arg4[%add3A_20, %dma_start3A_53] : memref<20480x128xf32, #tpu.memory_space<hbm>> -> memref<128x128xf32, #tpu.memory_space<hbm>>
      tpu.enqueue_dma source(%arg6 : memref<128x128xf32, #tpu.memory_space<vmem>>) target(%dma_start3A_54 : memref<128x128xf32, #tpu.memory_space<hbm>>) target_semaphore(%run_scoped3A : memref<!tpu.dma_semaphore, #tpu.memory_space<semaphore_mem>>)
      %dma_wait3A_55 = arith.constant 0 : i32
      %dma_wait3A_56 = tpu.memref_slice %arg4[%add3A_20, %dma_wait3A_55] : memref<20480x128xf32, #tpu.memory_space<hbm>> -> memref<128x128xf32, #tpu.memory_space<hbm>>
      %dma_wait3A_57 = arith.constant 0 : i32
      %dma_wait3A_58 = tpu.memref_slice %arg4[%add3A_20, %dma_wait3A_57] : memref<20480x128xf32, #tpu.memory_space<hbm>> -> memref<128x128xf32, #tpu.memory_space<hbm>>
      tpu.wait_dma2 semaphore(%run_scoped3A : memref<!tpu.dma_semaphore, #tpu.memory_space<semaphore_mem>>) src(%arg6 : memref<128x128xf32, #tpu.memory_space<vmem>>) dst(%dma_wait3A_58 : memref<128x128xf32, #tpu.memory_space<hbm>>)
      tpu.yield
    }) : () -> ()
    %add3A_21 = arith.constant 256 : i32
    %add3A_22 = arith.addi %mul3A_2, %add3A_21 : i32
    "tpu.region"() ({
      %run_scoped3A = tpu.sem_alloc : memref<!tpu.dma_semaphore, #tpu.memory_space<semaphore_mem>>
      %dma_start3A_51 = tpu.memref_slice %arg3[%add3A_22] : memref<20480xi32, #tpu.memory_space<hbm>> -> memref<128xi32, #tpu.memory_space<hbm>>
      %dma_start3A_52 = tpu.memref_slice %arg3[%add3A_22] : memref<20480xi32, #tpu.memory_space<hbm>> -> memref<128xi32, #tpu.memory_space<hbm>>
      tpu.enqueue_dma source(%dma_start3A_52 : memref<128xi32, #tpu.memory_space<hbm>>) target(%arg5 : memref<128xi32, #tpu.memory_space<vmem>>) target_semaphore(%run_scoped3A : memref<!tpu.dma_semaphore, #tpu.memory_space<semaphore_mem>>)
      %dma_wait3A_53 = tpu.memref_slice %arg3[%add3A_22] : memref<20480xi32, #tpu.memory_space<hbm>> -> memref<128xi32, #tpu.memory_space<hbm>>
      %dma_wait3A_54 = tpu.memref_slice %arg3[%add3A_22] : memref<20480xi32, #tpu.memory_space<hbm>> -> memref<128xi32, #tpu.memory_space<hbm>>
      tpu.wait_dma2 semaphore(%run_scoped3A : memref<!tpu.dma_semaphore, #tpu.memory_space<semaphore_mem>>) src(%dma_wait3A_54 : memref<128xi32, #tpu.memory_space<hbm>>) dst(%arg5 : memref<128xi32, #tpu.memory_space<vmem>>)
      tpu.yield
    }) : () -> ()
    %dma_start3A_23 = arith.constant 0 : i32
    %dma_start3A_24 = arith.constant 0 : i32
    %dma_start3A_25 = tpu.memref_slice %arg2[%dma_start3A_23, %dma_start3A_24] : memref<1605632x128xf32, #tpu.memory_space<hbm>> -> memref<1605632x128xf32, #tpu.memory_space<hbm>>
    tpu.enqueue_indirect_dma source(%dma_start3A_25 : memref<1605632x128xf32, #tpu.memory_space<hbm>>) target(%arg6 : memref<128x128xf32, #tpu.memory_space<vmem>>) offsets(%arg5 : memref<128xi32, #tpu.memory_space<vmem>>) semaphore(%arg7 : memref<!tpu.dma_semaphore, #tpu.memory_space<semaphore_mem>>)
    %dma_wait3A_26 = arith.constant 0 : i32
    %dma_wait3A_27 = arith.constant 0 : i32
    %dma_wait3A_28 = tpu.memref_slice %arg2[%dma_wait3A_26, %dma_wait3A_27] : memref<1605632x128xf32, #tpu.memory_space<hbm>> -> memref<1605632x128xf32, #tpu.memory_space<hbm>>
    tpu.wait_indirect_dma semaphore(%arg7 : memref<!tpu.dma_semaphore, #tpu.memory_space<semaphore_mem>>) src(%dma_wait3A_28 : memref<1605632x128xf32, #tpu.memory_space<hbm>>) dst(%arg6 : memref<128x128xf32, #tpu.memory_space<vmem>>)
    %add3A_29 = arith.constant 256 : i32
    %add3A_30 = arith.addi %mul3A_2, %add3A_29 : i32
    "tpu.region"() ({
      %run_scoped3A = tpu.sem_alloc : memref<!tpu.dma_semaphore, #tpu.memory_space<semaphore_mem>>
      %dma_start3A_51 = arith.constant 0 : i32
      %dma_start3A_52 = tpu.memref_slice %arg4[%add3A_30, %dma_start3A_51] : memref<20480x128xf32, #tpu.memory_space<hbm>> -> memref<128x128xf32, #tpu.memory_space<hbm>>
      %dma_start3A_53 = arith.constant 0 : i32
      %dma_start3A_54 = tpu.memref_slice %arg4[%add3A_30, %dma_start3A_53] : memref<20480x128xf32, #tpu.memory_space<hbm>> -> memref<128x128xf32, #tpu.memory_space<hbm>>
      tpu.enqueue_dma source(%arg6 : memref<128x128xf32, #tpu.memory_space<vmem>>) target(%dma_start3A_54 : memref<128x128xf32, #tpu.memory_space<hbm>>) target_semaphore(%run_scoped3A : memref<!tpu.dma_semaphore, #tpu.memory_space<semaphore_mem>>)
      %dma_wait3A_55 = arith.constant 0 : i32
      %dma_wait3A_56 = tpu.memref_slice %arg4[%add3A_30, %dma_wait3A_55] : memref<20480x128xf32, #tpu.memory_space<hbm>> -> memref<128x128xf32, #tpu.memory_space<hbm>>
      %dma_wait3A_57 = arith.constant 0 : i32
      %dma_wait3A_58 = tpu.memref_slice %arg4[%add3A_30, %dma_wait3A_57] : memref<20480x128xf32, #tpu.memory_space<hbm>> -> memref<128x128xf32, #tpu.memory_space<hbm>>
      tpu.wait_dma2 semaphore(%run_scoped3A : memref<!tpu.dma_semaphore, #tpu.memory_space<semaphore_mem>>) src(%arg6 : memref<128x128xf32, #tpu.memory_space<vmem>>) dst(%dma_wait3A_58 : memref<128x128xf32, #tpu.memory_space<hbm>>)
      tpu.yield
    }) : () -> ()
    %add3A_31 = arith.constant 384 : i32
    %add3A_32 = arith.addi %mul3A_2, %add3A_31 : i32
    "tpu.region"() ({
      %run_scoped3A = tpu.sem_alloc : memref<!tpu.dma_semaphore, #tpu.memory_space<semaphore_mem>>
      %dma_start3A_51 = tpu.memref_slice %arg3[%add3A_32] : memref<20480xi32, #tpu.memory_space<hbm>> -> memref<128xi32, #tpu.memory_space<hbm>>
      %dma_start3A_52 = tpu.memref_slice %arg3[%add3A_32] : memref<20480xi32, #tpu.memory_space<hbm>> -> memref<128xi32, #tpu.memory_space<hbm>>
      tpu.enqueue_dma source(%dma_start3A_52 : memref<128xi32, #tpu.memory_space<hbm>>) target(%arg5 : memref<128xi32, #tpu.memory_space<vmem>>) target_semaphore(%run_scoped3A : memref<!tpu.dma_semaphore, #tpu.memory_space<semaphore_mem>>)
      %dma_wait3A_53 = tpu.memref_slice %arg3[%add3A_32] : memref<20480xi32, #tpu.memory_space<hbm>> -> memref<128xi32, #tpu.memory_space<hbm>>
      %dma_wait3A_54 = tpu.memref_slice %arg3[%add3A_32] : memref<20480xi32, #tpu.memory_space<hbm>> -> memref<128xi32, #tpu.memory_space<hbm>>
      tpu.wait_dma2 semaphore(%run_scoped3A : memref<!tpu.dma_semaphore, #tpu.memory_space<semaphore_mem>>) src(%dma_wait3A_54 : memref<128xi32, #tpu.memory_space<hbm>>) dst(%arg5 : memref<128xi32, #tpu.memory_space<vmem>>)
      tpu.yield
    }) : () -> ()
    %dma_start3A_33 = arith.constant 0 : i32
    %dma_start3A_34 = arith.constant 0 : i32
    %dma_start3A_35 = tpu.memref_slice %arg2[%dma_start3A_33, %dma_start3A_34] : memref<1605632x128xf32, #tpu.memory_space<hbm>> -> memref<1605632x128xf32, #tpu.memory_space<hbm>>
    tpu.enqueue_indirect_dma source(%dma_start3A_35 : memref<1605632x128xf32, #tpu.memory_space<hbm>>) target(%arg6 : memref<128x128xf32, #tpu.memory_space<vmem>>) offsets(%arg5 : memref<128xi32, #tpu.memory_space<vmem>>) semaphore(%arg7 : memref<!tpu.dma_semaphore, #tpu.memory_space<semaphore_mem>>)
    %dma_wait3A_36 = arith.constant 0 : i32
    %dma_wait3A_37 = arith.constant 0 : i32
    %dma_wait3A_38 = tpu.memref_slice %arg2[%dma_wait3A_36, %dma_wait3A_37] : memref<1605632x128xf32, #tpu.memory_space<hbm>> -> memref<1605632x128xf32, #tpu.memory_space<hbm>>
    tpu.wait_indirect_dma semaphore(%arg7 : memref<!tpu.dma_semaphore, #tpu.memory_space<semaphore_mem>>) src(%dma_wait3A_38 : memref<1605632x128xf32, #tpu.memory_space<hbm>>) dst(%arg6 : memref<128x128xf32, #tpu.memory_space<vmem>>)
    %add3A_39 = arith.constant 384 : i32
    %add3A_40 = arith.addi %mul3A_2, %add3A_39 : i32
    "tpu.region"() ({
      %run_scoped3A = tpu.sem_alloc : memref<!tpu.dma_semaphore, #tpu.memory_space<semaphore_mem>>
      %dma_start3A_51 = arith.constant 0 : i32
      %dma_start3A_52 = tpu.memref_slice %arg4[%add3A_40, %dma_start3A_51] : memref<20480x128xf32, #tpu.memory_space<hbm>> -> memref<128x128xf32, #tpu.memory_space<hbm>>
      %dma_start3A_53 = arith.constant 0 : i32
      %dma_start3A_54 = tpu.memref_slice %arg4[%add3A_40, %dma_start3A_53] : memref<20480x128xf32, #tpu.memory_space<hbm>> -> memref<128x128xf32, #tpu.memory_space<hbm>>
      tpu.enqueue_dma source(%arg6 : memref<128x128xf32, #tpu.memory_space<vmem>>) target(%dma_start3A_54 : memref<128x128xf32, #tpu.memory_space<hbm>>) target_semaphore(%run_scoped3A : memref<!tpu.dma_semaphore, #tpu.memory_space<semaphore_mem>>)
      %dma_wait3A_55 = arith.constant 0 : i32
      %dma_wait3A_56 = tpu.memref_slice %arg4[%add3A_40, %dma_wait3A_55] : memref<20480x128xf32, #tpu.memory_space<hbm>> -> memref<128x128xf32, #tpu.memory_space<hbm>>
      %dma_wait3A_57 = arith.constant 0 : i32
      %dma_wait3A_58 = tpu.memref_slice %arg4[%add3A_40, %dma_wait3A_57] : memref<20480x128xf32, #tpu.memory_space<hbm>> -> memref<128x128xf32, #tpu.memory_space<hbm>>
      tpu.wait_dma2 semaphore(%run_scoped3A : memref<!tpu.dma_semaphore, #tpu.memory_space<semaphore_mem>>) src(%arg6 : memref<128x128xf32, #tpu.memory_space<vmem>>) dst(%dma_wait3A_58 : memref<128x128xf32, #tpu.memory_space<hbm>>)
      tpu.yield
    }) : () -> ()
    %add3A_41 = arith.constant 512 : i32
    %add3A_42 = arith.addi %mul3A_2, %add3A_41 : i32
    "tpu.region"() ({
      %run_scoped3A = tpu.sem_alloc : memref<!tpu.dma_semaphore, #tpu.memory_space<semaphore_mem>>
      %dma_start3A_51 = tpu.memref_slice %arg3[%add3A_42] : memref<20480xi32, #tpu.memory_space<hbm>> -> memref<128xi32, #tpu.memory_space<hbm>>
      %dma_start3A_52 = tpu.memref_slice %arg3[%add3A_42] : memref<20480xi32, #tpu.memory_space<hbm>> -> memref<128xi32, #tpu.memory_space<hbm>>
      tpu.enqueue_dma source(%dma_start3A_52 : memref<128xi32, #tpu.memory_space<hbm>>) target(%arg5 : memref<128xi32, #tpu.memory_space<vmem>>) target_semaphore(%run_scoped3A : memref<!tpu.dma_semaphore, #tpu.memory_space<semaphore_mem>>)
      %dma_wait3A_53 = tpu.memref_slice %arg3[%add3A_42] : memref<20480xi32, #tpu.memory_space<hbm>> -> memref<128xi32, #tpu.memory_space<hbm>>
      %dma_wait3A_54 = tpu.memref_slice %arg3[%add3A_42] : memref<20480xi32, #tpu.memory_space<hbm>> -> memref<128xi32, #tpu.memory_space<hbm>>
      tpu.wait_dma2 semaphore(%run_scoped3A : memref<!tpu.dma_semaphore, #tpu.memory_space<semaphore_mem>>) src(%dma_wait3A_54 : memref<128xi32, #tpu.memory_space<hbm>>) dst(%arg5 : memref<128xi32, #tpu.memory_space<vmem>>)
      tpu.yield
    }) : () -> ()
    %dma_start3A_43 = arith.constant 0 : i32
    %dma_start3A_44 = arith.constant 0 : i32
    %dma_start3A_45 = tpu.memref_slice %arg2[%dma_start3A_43, %dma_start3A_44] : memref<1605632x128xf32, #tpu.memory_space<hbm>> -> memref<1605632x128xf32, #tpu.memory_space<hbm>>
    tpu.enqueue_indirect_dma source(%dma_start3A_45 : memref<1605632x128xf32, #tpu.memory_space<hbm>>) target(%arg6 : memref<128x128xf32, #tpu.memory_space<vmem>>) offsets(%arg5 : memref<128xi32, #tpu.memory_space<vmem>>) semaphore(%arg7 : memref<!tpu.dma_semaphore, #tpu.memory_space<semaphore_mem>>)
    %dma_wait3A_46 = arith.constant 0 : i32
    %dma_wait3A_47 = arith.constant 0 : i32
    %dma_wait3A_48 = tpu.memref_slice %arg2[%dma_wait3A_46, %dma_wait3A_47] : memref<1605632x128xf32, #tpu.memory_space<hbm>> -> memref<1605632x128xf32, #tpu.memory_space<hbm>>
    tpu.wait_indirect_dma semaphore(%arg7 : memref<!tpu.dma_semaphore, #tpu.memory_space<semaphore_mem>>) src(%dma_wait3A_48 : memref<1605632x128xf32, #tpu.memory_space<hbm>>) dst(%arg6 : memref<128x128xf32, #tpu.memory_space<vmem>>)
    %add3A_49 = arith.constant 512 : i32
    %add3A_50 = arith.addi %mul3A_2, %add3A_49 : i32
    "tpu.region"() ({
      %run_scoped3A = tpu.sem_alloc : memref<!tpu.dma_semaphore, #tpu.memory_space<semaphore_mem>>
      %dma_start3A_51 = arith.constant 0 : i32
      %dma_start3A_52 = tpu.memref_slice %arg4[%add3A_50, %dma_start3A_51] : memref<20480x128xf32, #tpu.memory_space<hbm>> -> memref<128x128xf32, #tpu.memory_space<hbm>>
      %dma_start3A_53 = arith.constant 0 : i32
      %dma_start3A_54 = tpu.memref_slice %arg4[%add3A_50, %dma_start3A_53] : memref<20480x128xf32, #tpu.memory_space<hbm>> -> memref<128x128xf32, #tpu.memory_space<hbm>>
      tpu.enqueue_dma source(%arg6 : memref<128x128xf32, #tpu.memory_space<vmem>>) target(%dma_start3A_54 : memref<128x128xf32, #tpu.memory_space<hbm>>) target_semaphore(%run_scoped3A : memref<!tpu.dma_semaphore, #tpu.memory_space<semaphore_mem>>)
      %dma_wait3A_55 = arith.constant 0 : i32
      %dma_wait3A_56 = tpu.memref_slice %arg4[%add3A_50, %dma_wait3A_55] : memref<20480x128xf32, #tpu.memory_space<hbm>> -> memref<128x128xf32, #tpu.memory_space<hbm>>
      %dma_wait3A_57 = arith.constant 0 : i32
      %dma_wait3A_58 = tpu.memref_slice %arg4[%add3A_50, %dma_wait3A_57] : memref<20480x128xf32, #tpu.memory_space<hbm>> -> memref<128x128xf32, #tpu.memory_space<hbm>>
      tpu.wait_dma2 semaphore(%run_scoped3A : memref<!tpu.dma_semaphore, #tpu.memory_space<semaphore_mem>>) src(%arg6 : memref<128x128xf32, #tpu.memory_space<vmem>>) dst(%dma_wait3A_58 : memref<128x128xf32, #tpu.memory_space<hbm>>)
      tpu.yield
    }) : () -> ()
    return
  }
}

module attributes {stable_mosaic.version = 14 : i64} {
  func.func @_dist_body(%arg0: i32, %arg1: memref<2048x256xbf16, #tpu.memory_space<vmem>>, %arg2: memref<1024x256xf32, #tpu.memory_space<vmem>>, %arg3: memref<2048x8x128xf32, #tpu.memory_space<vmem>>, %arg4: memref<1x2048x8xf32, #tpu.memory_space<vmem>>) attributes {dimension_semantics = [#tpu.dimension_semantics<arbitrary>], iteration_bounds = array<i64: 98>, scalar_prefetch = 0 : i64, scratch_operands = 0 : i64, tpu.core_type = #tpu.core_type<tc>, window_params = [{pipeline_mode = #tpu.pipeline_mode<synchronous>, transform_indices = @transform_0, window_bounds = array<i64: 2048, 256>}, {transform_indices = @transform_1, window_bounds = array<i64: 1024, 256>}, {transform_indices = @transform_2, window_bounds = array<i64: 2048, 8, 128>}, {transform_indices = @transform_3, window_bounds = array<i64: 1, 2048, 8>}]} {
    %get3A = arith.constant 0 : index
    %get3A_0 = arith.constant 0 : index
    %get3A_1 = vector.load %arg1[%get3A, %get3A_0] : memref<2048x256xbf16, #tpu.memory_space<vmem>>, vector<2048x256xbf16>
    %get3A_2 = arith.constant 0 : index
    %get3A_3 = arith.constant 0 : index
    %get3A_4 = vector.load %arg2[%get3A_2, %get3A_3] : memref<1024x256xf32, #tpu.memory_space<vmem>>, vector<1024x256xf32>
    %mul3A = arith.mulf %get3A_4, %get3A_4 : vector<1024x256xf32>
    %reduce_sum3A = arith.constant dense<0.000000e+00> : vector<1024xf32>
    %reduce_sum3A_5 = vector.multi_reduction <add>, %mul3A, %reduce_sum3A [1] : vector<1024x256xf32> to vector<1024xf32>
    %broadcast_in_dim3A = vector.shape_cast %reduce_sum3A_5 : vector<1024xf32> to vector<1024x1xf32>
    %convert_element_type3A = arith.truncf %get3A_4 : vector<1024x256xf32> to vector<1024x256xbf16>
    %dot_general3A = arith.constant dense<0.000000e+00> : vector<2048x1024xf32>
    %dot_general3A_6 = tpu.matmul %get3A_1, %convert_element_type3A, %dot_general3A {dimension_numbers = #tpu.dot_dimension_numbers<[1], [1], [0], [0], [0, 0, 1, 0], [], []>, transpose_lhs_hint = false} : vector<2048x256xbf16>, vector<1024x256xbf16>, vector<2048x1024xf32> -> vector<2048x1024xf32>
    %transpose3A = tpu.transpose %broadcast_in_dim3A, [1, 0] : vector<1024x1xf32> -> vector<1x1024xf32>
    %mul3A_7 = arith.constant 2.000000e+00 : f32
    %mul3A_8 = vector.broadcast %mul3A_7 : f32 to vector<2048x1024xf32>
    %mul3A_9 = arith.mulf %mul3A_8, %dot_general3A_6 : vector<2048x1024xf32>
    %sub3A = vector.broadcast %transpose3A : vector<1x1024xf32> to vector<2048x1024xf32>
    %sub3A_10 = arith.subf %sub3A, %mul3A_9 : vector<2048x1024xf32>
    %lt3A = arith.constant 97 : i32
    %lt3A_11 = arith.cmpi slt, %arg0, %lt3A : i32
    %convert_element_type3A_12 = arith.extui %lt3A_11 : i1 to i32
    %cond3A = arith.constant 0 : i32
    %cond3A_13 = arith.cmpi ne, %convert_element_type3A_12, %cond3A : i32
    scf.if %cond3A_13 {
      %reshape3A = vector.shape_cast %sub3A_10 : vector<2048x1024xf32> to vector<2048x8x128xf32>
      %swap3A = arith.constant 0 : index
      %swap3A_18 = arith.constant 0 : index
      %swap3A_19 = arith.constant 0 : index
      %swap3A_20 = vector.load %arg3[%swap3A, %swap3A_18, %swap3A_19] : memref<2048x8x128xf32, #tpu.memory_space<vmem>>, vector<2048x8x128xf32>
      tpu.vector_store %arg3[%swap3A, %swap3A_18, %swap3A_19], %reshape3A {strides = array<i32>} : memref<2048x8x128xf32, #tpu.memory_space<vmem>>, vector<2048x8x128xf32>,
      %reduce_min3A = arith.constant dense<0x7F800000> : vector<2048x8xf32>
      %reduce_min3A_21 = vector.multi_reduction <minimumf>, %reshape3A, %reduce_min3A [2] : vector<2048x8x128xf32> to vector<2048x8xf32>
      %broadcast_in_dim3A_22 = vector.shape_cast %reduce_min3A_21 : vector<2048x8xf32> to vector<1x2048x8xf32>
      %swap3A_23 = arith.constant 0 : index
      %swap3A_24 = arith.constant 0 : index
      %swap3A_25 = arith.constant 0 : index
      %swap3A_26 = vector.load %arg4[%swap3A_23, %swap3A_24, %swap3A_25] : memref<1x2048x8xf32, #tpu.memory_space<vmem>>, vector<1x2048x8xf32>
      tpu.vector_store %arg4[%swap3A_23, %swap3A_24, %swap3A_25], %broadcast_in_dim3A_22 {strides = array<i32>} : memref<1x2048x8xf32, #tpu.memory_space<vmem>>, vector<1x2048x8xf32>,
    } else {
    }
    %eq3A = arith.constant 97 : i32
    %eq3A_14 = arith.cmpi eq, %arg0, %eq3A : i32
    %convert_element_type3A_15 = arith.extui %eq3A_14 : i1 to i32
    %cond3A_16 = arith.constant 0 : i32
    %cond3A_17 = arith.cmpi ne, %convert_element_type3A_15, %cond3A_16 : i32
    scf.if %cond3A_17 {
      %mul3A_18 = arith.constant 1024 : i32
      %mul3A_19 = arith.muli %arg0, %mul3A_18 : i32
      %iota3A = tpu.iota {dimensions = array<i32: 1>} : vector<2048x1024xi32>
      %add3A = vector.broadcast %mul3A_19 : i32 to vector<2048x1024xi32>
      %add3A_20 = arith.addi %add3A, %iota3A : vector<2048x1024xi32>
      %ge3A = arith.constant 100000 : i32
      %ge3A_21 = vector.broadcast %ge3A : i32 to vector<2048x1024xi32>
      %ge3A_22 = arith.cmpi sge, %add3A_20, %ge3A_21 : vector<2048x1024xi32>
      %jit3A = arith.constant 0x7F800000 : f32
      %broadcast_in_dim3A_23 = vector.broadcast %jit3A : f32 to vector<2048x1024xf32>
      %select_n3A = arith.select %ge3A_22, %broadcast_in_dim3A_23, %sub3A_10 : vector<2048x1024xi1>, vector<2048x1024xf32>
      %reshape3A = vector.shape_cast %select_n3A : vector<2048x1024xf32> to vector<2048x8x128xf32>
      %swap3A = arith.constant 0 : index
      %swap3A_24 = arith.constant 0 : index
      %swap3A_25 = arith.constant 0 : index
      %swap3A_26 = vector.load %arg3[%swap3A, %swap3A_24, %swap3A_25] : memref<2048x8x128xf32, #tpu.memory_space<vmem>>, vector<2048x8x128xf32>
      tpu.vector_store %arg3[%swap3A, %swap3A_24, %swap3A_25], %reshape3A {strides = array<i32>} : memref<2048x8x128xf32, #tpu.memory_space<vmem>>, vector<2048x8x128xf32>,
      %reduce_min3A = arith.constant dense<0x7F800000> : vector<2048x8xf32>
      %reduce_min3A_27 = vector.multi_reduction <minimumf>, %reshape3A, %reduce_min3A [2] : vector<2048x8x128xf32> to vector<2048x8xf32>
      %broadcast_in_dim3A_28 = vector.shape_cast %reduce_min3A_27 : vector<2048x8xf32> to vector<1x2048x8xf32>
      %swap3A_29 = arith.constant 0 : index
      %swap3A_30 = arith.constant 0 : index
      %swap3A_31 = arith.constant 0 : index
      %swap3A_32 = vector.load %arg4[%swap3A_29, %swap3A_30, %swap3A_31] : memref<1x2048x8xf32, #tpu.memory_space<vmem>>, vector<1x2048x8xf32>
      tpu.vector_store %arg4[%swap3A_29, %swap3A_30, %swap3A_31], %broadcast_in_dim3A_28 {strides = array<i32>} : memref<1x2048x8xf32, #tpu.memory_space<vmem>>, vector<1x2048x8xf32>,
    } else {
    }
    return
  }
  func.func @transform_0(%arg0: i32) -> (i32, i32) {
    %c0_i32 = arith.constant 0 : i32
    %c0_i32_0 = arith.constant 0 : i32
    %c0_i32_1 = arith.constant 0 : i32
    return %c0_i32, %c0_i32_0 : i32, i32
  }
  func.func @transform_1(%arg0: i32) -> (i32, i32) {
    %c0_i32 = arith.constant 0 : i32
    %c0_i32_0 = arith.constant 0 : i32
    return %arg0, %c0_i32 : i32, i32
  }
  func.func @transform_2(%arg0: i32) -> (i32, i32, i32) {
    %c0_i32 = arith.constant 0 : i32
    %c0_i32_0 = arith.constant 0 : i32
    %c0_i32_1 = arith.constant 0 : i32
    return %c0_i32, %arg0, %c0_i32_0 : i32, i32, i32
  }
  func.func @transform_3(%arg0: i32) -> (i32, i32, i32) {
    %c0_i32 = arith.constant 0 : i32
    %c0_i32_0 = arith.constant 0 : i32
    %c0_i32_1 = arith.constant 0 : i32
    return %arg0, %c0_i32, %c0_i32_0 : i32, i32, i32
  }
}

module attributes {stable_mosaic.version = 14 : i64} {
  func.func @_topg_body(%arg0: memref<2048x784xf32, #tpu.memory_space<vmem>>, %arg1: memref<2048x10xi32, #tpu.memory_space<vmem>>) attributes {dimension_semantics = [], scalar_prefetch = 0 : i64, scratch_operands = 0 : i64, tpu.core_type = #tpu.core_type<tc>} {
    %get3A = arith.constant 0 : index
    %get3A_0 = arith.constant 0 : index
    %get3A_1 = vector.load %arg0[%get3A, %get3A_0] : memref<2048x784xf32, #tpu.memory_space<vmem>>, vector<2048x784xf32>
    %iota3A = tpu.iota {dimensions = array<i32: 1>} : vector<2048x784xi32>
    %reduce_min3A = arith.constant dense<0x7F800000> : vector<2048xf32>
    %reduce_min3A_2 = vector.multi_reduction <minimumf>, %get3A_1, %reduce_min3A [1] : vector<2048x784xf32> to vector<2048xf32>
    %broadcast_in_dim3A = vector.shape_cast %reduce_min3A_2 : vector<2048xf32> to vector<2048x1xf32>
    %eq3A = vector.broadcast %broadcast_in_dim3A : vector<2048x1xf32> to vector<2048x784xf32>
    %eq3A_3 = arith.cmpf oeq, %get3A_1, %eq3A : vector<2048x784xf32>
    %jit3A = arith.constant 1073741824 : i32
    %broadcast_in_dim3A_4 = vector.broadcast %jit3A : i32 to vector<2048x784xi32>
    %select_n3A = arith.select %eq3A_3, %iota3A, %broadcast_in_dim3A_4 : vector<2048x784xi1>, vector<2048x784xi32>
    %reduce_min3A_5 = arith.constant dense<2147483647> : vector<2048xi32>
    %reduce_min3A_6 = vector.multi_reduction <minsi>, %select_n3A, %reduce_min3A_5 [1] : vector<2048x784xi32> to vector<2048xi32>
    %broadcast_in_dim3A_7 = vector.shape_cast %reduce_min3A_6 : vector<2048xi32> to vector<2048x1xi32>
    %eq3A_8 = vector.broadcast %broadcast_in_dim3A_7 : vector<2048x1xi32> to vector<2048x784xi32>
    %eq3A_9 = arith.cmpi eq, %iota3A, %eq3A_8 : vector<2048x784xi32>
    %jit3A_10 = arith.constant 0x7F800000 : f32
    %broadcast_in_dim3A_11 = vector.broadcast %jit3A_10 : f32 to vector<2048x784xf32>
    %select_n3A_12 = arith.select %eq3A_9, %broadcast_in_dim3A_11, %get3A_1 : vector<2048x784xi1>, vector<2048x784xf32>
    %reduce_min3A_13 = arith.constant dense<0x7F800000> : vector<2048xf32>
    %reduce_min3A_14 = vector.multi_reduction <minimumf>, %select_n3A_12, %reduce_min3A_13 [1] : vector<2048x784xf32> to vector<2048xf32>
    %broadcast_in_dim3A_15 = vector.shape_cast %reduce_min3A_14 : vector<2048xf32> to vector<2048x1xf32>
    %eq3A_16 = vector.broadcast %broadcast_in_dim3A_15 : vector<2048x1xf32> to vector<2048x784xf32>
    %eq3A_17 = arith.cmpf oeq, %select_n3A_12, %eq3A_16 : vector<2048x784xf32>
    %jit3A_18 = arith.constant 1073741824 : i32
    %broadcast_in_dim3A_19 = vector.broadcast %jit3A_18 : i32 to vector<2048x784xi32>
    %select_n3A_20 = arith.select %eq3A_17, %iota3A, %broadcast_in_dim3A_19 : vector<2048x784xi1>, vector<2048x784xi32>
    %reduce_min3A_21 = arith.constant dense<2147483647> : vector<2048xi32>
    %reduce_min3A_22 = vector.multi_reduction <minsi>, %select_n3A_20, %reduce_min3A_21 [1] : vector<2048x784xi32> to vector<2048xi32>
    %broadcast_in_dim3A_23 = vector.shape_cast %reduce_min3A_22 : vector<2048xi32> to vector<2048x1xi32>
    %eq3A_24 = vector.broadcast %broadcast_in_dim3A_23 : vector<2048x1xi32> to vector<2048x784xi32>
    %eq3A_25 = arith.cmpi eq, %iota3A, %eq3A_24 : vector<2048x784xi32>
    %jit3A_26 = arith.constant 0x7F800000 : f32
    %broadcast_in_dim3A_27 = vector.broadcast %jit3A_26 : f32 to vector<2048x784xf32>
    %select_n3A_28 = arith.select %eq3A_25, %broadcast_in_dim3A_27, %select_n3A_12 : vector<2048x784xi1>, vector<2048x784xf32>
    %reduce_min3A_29 = arith.constant dense<0x7F800000> : vector<2048xf32>
    %reduce_min3A_30 = vector.multi_reduction <minimumf>, %select_n3A_28, %reduce_min3A_29 [1] : vector<2048x784xf32> to vector<2048xf32>
    %broadcast_in_dim3A_31 = vector.shape_cast %reduce_min3A_30 : vector<2048xf32> to vector<2048x1xf32>
    %eq3A_32 = vector.broadcast %broadcast_in_dim3A_31 : vector<2048x1xf32> to vector<2048x784xf32>
    %eq3A_33 = arith.cmpf oeq, %select_n3A_28, %eq3A_32 : vector<2048x784xf32>
    %jit3A_34 = arith.constant 1073741824 : i32
    %broadcast_in_dim3A_35 = vector.broadcast %jit3A_34 : i32 to vector<2048x784xi32>
    %select_n3A_36 = arith.select %eq3A_33, %iota3A, %broadcast_in_dim3A_35 : vector<2048x784xi1>, vector<2048x784xi32>
    %reduce_min3A_37 = arith.constant dense<2147483647> : vector<2048xi32>
    %reduce_min3A_38 = vector.multi_reduction <minsi>, %select_n3A_36, %reduce_min3A_37 [1] : vector<2048x784xi32> to vector<2048xi32>
    %broadcast_in_dim3A_39 = vector.shape_cast %reduce_min3A_38 : vector<2048xi32> to vector<2048x1xi32>
    %eq3A_40 = vector.broadcast %broadcast_in_dim3A_39 : vector<2048x1xi32> to vector<2048x784xi32>
    %eq3A_41 = arith.cmpi eq, %iota3A, %eq3A_40 : vector<2048x784xi32>
    %jit3A_42 = arith.constant 0x7F800000 : f32
    %broadcast_in_dim3A_43 = vector.broadcast %jit3A_42 : f32 to vector<2048x784xf32>
    %select_n3A_44 = arith.select %eq3A_41, %broadcast_in_dim3A_43, %select_n3A_28 : vector<2048x784xi1>, vector<2048x784xf32>
    %reduce_min3A_45 = arith.constant dense<0x7F800000> : vector<2048xf32>
    %reduce_min3A_46 = vector.multi_reduction <minimumf>, %select_n3A_44, %reduce_min3A_45 [1] : vector<2048x784xf32> to vector<2048xf32>
    %broadcast_in_dim3A_47 = vector.shape_cast %reduce_min3A_46 : vector<2048xf32> to vector<2048x1xf32>
    %eq3A_48 = vector.broadcast %broadcast_in_dim3A_47 : vector<2048x1xf32> to vector<2048x784xf32>
    %eq3A_49 = arith.cmpf oeq, %select_n3A_44, %eq3A_48 : vector<2048x784xf32>
    %jit3A_50 = arith.constant 1073741824 : i32
    %broadcast_in_dim3A_51 = vector.broadcast %jit3A_50 : i32 to vector<2048x784xi32>
    %select_n3A_52 = arith.select %eq3A_49, %iota3A, %broadcast_in_dim3A_51 : vector<2048x784xi1>, vector<2048x784xi32>
    %reduce_min3A_53 = arith.constant dense<2147483647> : vector<2048xi32>
    %reduce_min3A_54 = vector.multi_reduction <minsi>, %select_n3A_52, %reduce_min3A_53 [1] : vector<2048x784xi32> to vector<2048xi32>
    %broadcast_in_dim3A_55 = vector.shape_cast %reduce_min3A_54 : vector<2048xi32> to vector<2048x1xi32>
    %eq3A_56 = vector.broadcast %broadcast_in_dim3A_55 : vector<2048x1xi32> to vector<2048x784xi32>
    %eq3A_57 = arith.cmpi eq, %iota3A, %eq3A_56 : vector<2048x784xi32>
    %jit3A_58 = arith.constant 0x7F800000 : f32
    %broadcast_in_dim3A_59 = vector.broadcast %jit3A_58 : f32 to vector<2048x784xf32>
    %select_n3A_60 = arith.select %eq3A_57, %broadcast_in_dim3A_59, %select_n3A_44 : vector<2048x784xi1>, vector<2048x784xf32>
    %reduce_min3A_61 = arith.constant dense<0x7F800000> : vector<2048xf32>
    %reduce_min3A_62 = vector.multi_reduction <minimumf>, %select_n3A_60, %reduce_min3A_61 [1] : vector<2048x784xf32> to vector<2048xf32>
    %broadcast_in_dim3A_63 = vector.shape_cast %reduce_min3A_62 : vector<2048xf32> to vector<2048x1xf32>
    %eq3A_64 = vector.broadcast %broadcast_in_dim3A_63 : vector<2048x1xf32> to vector<2048x784xf32>
    %eq3A_65 = arith.cmpf oeq, %select_n3A_60, %eq3A_64 : vector<2048x784xf32>
    %jit3A_66 = arith.constant 1073741824 : i32
    %broadcast_in_dim3A_67 = vector.broadcast %jit3A_66 : i32 to vector<2048x784xi32>
    %select_n3A_68 = arith.select %eq3A_65, %iota3A, %broadcast_in_dim3A_67 : vector<2048x784xi1>, vector<2048x784xi32>
    %reduce_min3A_69 = arith.constant dense<2147483647> : vector<2048xi32>
    %reduce_min3A_70 = vector.multi_reduction <minsi>, %select_n3A_68, %reduce_min3A_69 [1] : vector<2048x784xi32> to vector<2048xi32>
    %broadcast_in_dim3A_71 = vector.shape_cast %reduce_min3A_70 : vector<2048xi32> to vector<2048x1xi32>
    %eq3A_72 = vector.broadcast %broadcast_in_dim3A_71 : vector<2048x1xi32> to vector<2048x784xi32>
    %eq3A_73 = arith.cmpi eq, %iota3A, %eq3A_72 : vector<2048x784xi32>
    %jit3A_74 = arith.constant 0x7F800000 : f32
    %broadcast_in_dim3A_75 = vector.broadcast %jit3A_74 : f32 to vector<2048x784xf32>
    %select_n3A_76 = arith.select %eq3A_73, %broadcast_in_dim3A_75, %select_n3A_60 : vector<2048x784xi1>, vector<2048x784xf32>
    %reduce_min3A_77 = arith.constant dense<0x7F800000> : vector<2048xf32>
    %reduce_min3A_78 = vector.multi_reduction <minimumf>, %select_n3A_76, %reduce_min3A_77 [1] : vector<2048x784xf32> to vector<2048xf32>
    %broadcast_in_dim3A_79 = vector.shape_cast %reduce_min3A_78 : vector<2048xf32> to vector<2048x1xf32>
    %eq3A_80 = vector.broadcast %broadcast_in_dim3A_79 : vector<2048x1xf32> to vector<2048x784xf32>
    %eq3A_81 = arith.cmpf oeq, %select_n3A_76, %eq3A_80 : vector<2048x784xf32>
    %jit3A_82 = arith.constant 1073741824 : i32
    %broadcast_in_dim3A_83 = vector.broadcast %jit3A_82 : i32 to vector<2048x784xi32>
    %select_n3A_84 = arith.select %eq3A_81, %iota3A, %broadcast_in_dim3A_83 : vector<2048x784xi1>, vector<2048x784xi32>
    %reduce_min3A_85 = arith.constant dense<2147483647> : vector<2048xi32>
    %reduce_min3A_86 = vector.multi_reduction <minsi>, %select_n3A_84, %reduce_min3A_85 [1] : vector<2048x784xi32> to vector<2048xi32>
    %broadcast_in_dim3A_87 = vector.shape_cast %reduce_min3A_86 : vector<2048xi32> to vector<2048x1xi32>
    %eq3A_88 = vector.broadcast %broadcast_in_dim3A_87 : vector<2048x1xi32> to vector<2048x784xi32>
    %eq3A_89 = arith.cmpi eq, %iota3A, %eq3A_88 : vector<2048x784xi32>
    %jit3A_90 = arith.constant 0x7F800000 : f32
    %broadcast_in_dim3A_91 = vector.broadcast %jit3A_90 : f32 to vector<2048x784xf32>
    %select_n3A_92 = arith.select %eq3A_89, %broadcast_in_dim3A_91, %select_n3A_76 : vector<2048x784xi1>, vector<2048x784xf32>
    %reduce_min3A_93 = arith.constant dense<0x7F800000> : vector<2048xf32>
    %reduce_min3A_94 = vector.multi_reduction <minimumf>, %select_n3A_92, %reduce_min3A_93 [1] : vector<2048x784xf32> to vector<2048xf32>
    %broadcast_in_dim3A_95 = vector.shape_cast %reduce_min3A_94 : vector<2048xf32> to vector<2048x1xf32>
    %eq3A_96 = vector.broadcast %broadcast_in_dim3A_95 : vector<2048x1xf32> to vector<2048x784xf32>
    %eq3A_97 = arith.cmpf oeq, %select_n3A_92, %eq3A_96 : vector<2048x784xf32>
    %jit3A_98 = arith.constant 1073741824 : i32
    %broadcast_in_dim3A_99 = vector.broadcast %jit3A_98 : i32 to vector<2048x784xi32>
    %select_n3A_100 = arith.select %eq3A_97, %iota3A, %broadcast_in_dim3A_99 : vector<2048x784xi1>, vector<2048x784xi32>
    %reduce_min3A_101 = arith.constant dense<2147483647> : vector<2048xi32>
    %reduce_min3A_102 = vector.multi_reduction <minsi>, %select_n3A_100, %reduce_min3A_101 [1] : vector<2048x784xi32> to vector<2048xi32>
    %broadcast_in_dim3A_103 = vector.shape_cast %reduce_min3A_102 : vector<2048xi32> to vector<2048x1xi32>
    %eq3A_104 = vector.broadcast %broadcast_in_dim3A_103 : vector<2048x1xi32> to vector<2048x784xi32>
    %eq3A_105 = arith.cmpi eq, %iota3A, %eq3A_104 : vector<2048x784xi32>
    %jit3A_106 = arith.constant 0x7F800000 : f32
    %broadcast_in_dim3A_107 = vector.broadcast %jit3A_106 : f32 to vector<2048x784xf32>
    %select_n3A_108 = arith.select %eq3A_105, %broadcast_in_dim3A_107, %select_n3A_92 : vector<2048x784xi1>, vector<2048x784xf32>
    %reduce_min3A_109 = arith.constant dense<0x7F800000> : vector<2048xf32>
    %reduce_min3A_110 = vector.multi_reduction <minimumf>, %select_n3A_108, %reduce_min3A_109 [1] : vector<2048x784xf32> to vector<2048xf32>
    %broadcast_in_dim3A_111 = vector.shape_cast %reduce_min3A_110 : vector<2048xf32> to vector<2048x1xf32>
    %eq3A_112 = vector.broadcast %broadcast_in_dim3A_111 : vector<2048x1xf32> to vector<2048x784xf32>
    %eq3A_113 = arith.cmpf oeq, %select_n3A_108, %eq3A_112 : vector<2048x784xf32>
    %jit3A_114 = arith.constant 1073741824 : i32
    %broadcast_in_dim3A_115 = vector.broadcast %jit3A_114 : i32 to vector<2048x784xi32>
    %select_n3A_116 = arith.select %eq3A_113, %iota3A, %broadcast_in_dim3A_115 : vector<2048x784xi1>, vector<2048x784xi32>
    %reduce_min3A_117 = arith.constant dense<2147483647> : vector<2048xi32>
    %reduce_min3A_118 = vector.multi_reduction <minsi>, %select_n3A_116, %reduce_min3A_117 [1] : vector<2048x784xi32> to vector<2048xi32>
    %broadcast_in_dim3A_119 = vector.shape_cast %reduce_min3A_118 : vector<2048xi32> to vector<2048x1xi32>
    %eq3A_120 = vector.broadcast %broadcast_in_dim3A_119 : vector<2048x1xi32> to vector<2048x784xi32>
    %eq3A_121 = arith.cmpi eq, %iota3A, %eq3A_120 : vector<2048x784xi32>
    %jit3A_122 = arith.constant 0x7F800000 : f32
    %broadcast_in_dim3A_123 = vector.broadcast %jit3A_122 : f32 to vector<2048x784xf32>
    %select_n3A_124 = arith.select %eq3A_121, %broadcast_in_dim3A_123, %select_n3A_108 : vector<2048x784xi1>, vector<2048x784xf32>
    %reduce_min3A_125 = arith.constant dense<0x7F800000> : vector<2048xf32>
    %reduce_min3A_126 = vector.multi_reduction <minimumf>, %select_n3A_124, %reduce_min3A_125 [1] : vector<2048x784xf32> to vector<2048xf32>
    %broadcast_in_dim3A_127 = vector.shape_cast %reduce_min3A_126 : vector<2048xf32> to vector<2048x1xf32>
    %eq3A_128 = vector.broadcast %broadcast_in_dim3A_127 : vector<2048x1xf32> to vector<2048x784xf32>
    %eq3A_129 = arith.cmpf oeq, %select_n3A_124, %eq3A_128 : vector<2048x784xf32>
    %jit3A_130 = arith.constant 1073741824 : i32
    %broadcast_in_dim3A_131 = vector.broadcast %jit3A_130 : i32 to vector<2048x784xi32>
    %select_n3A_132 = arith.select %eq3A_129, %iota3A, %broadcast_in_dim3A_131 : vector<2048x784xi1>, vector<2048x784xi32>
    %reduce_min3A_133 = arith.constant dense<2147483647> : vector<2048xi32>
    %reduce_min3A_134 = vector.multi_reduction <minsi>, %select_n3A_132, %reduce_min3A_133 [1] : vector<2048x784xi32> to vector<2048xi32>
    %broadcast_in_dim3A_135 = vector.shape_cast %reduce_min3A_134 : vector<2048xi32> to vector<2048x1xi32>
    %eq3A_136 = vector.broadcast %broadcast_in_dim3A_135 : vector<2048x1xi32> to vector<2048x784xi32>
    %eq3A_137 = arith.cmpi eq, %iota3A, %eq3A_136 : vector<2048x784xi32>
    %jit3A_138 = arith.constant 0x7F800000 : f32
    %broadcast_in_dim3A_139 = vector.broadcast %jit3A_138 : f32 to vector<2048x784xf32>
    %select_n3A_140 = arith.select %eq3A_137, %broadcast_in_dim3A_139, %select_n3A_124 : vector<2048x784xi1>, vector<2048x784xf32>
    %reduce_min3A_141 = arith.constant dense<0x7F800000> : vector<2048xf32>
    %reduce_min3A_142 = vector.multi_reduction <minimumf>, %select_n3A_140, %reduce_min3A_141 [1] : vector<2048x784xf32> to vector<2048xf32>
    %broadcast_in_dim3A_143 = vector.shape_cast %reduce_min3A_142 : vector<2048xf32> to vector<2048x1xf32>
    %eq3A_144 = vector.broadcast %broadcast_in_dim3A_143 : vector<2048x1xf32> to vector<2048x784xf32>
    %eq3A_145 = arith.cmpf oeq, %select_n3A_140, %eq3A_144 : vector<2048x784xf32>
    %jit3A_146 = arith.constant 1073741824 : i32
    %broadcast_in_dim3A_147 = vector.broadcast %jit3A_146 : i32 to vector<2048x784xi32>
    %select_n3A_148 = arith.select %eq3A_145, %iota3A, %broadcast_in_dim3A_147 : vector<2048x784xi1>, vector<2048x784xi32>
    %reduce_min3A_149 = arith.constant dense<2147483647> : vector<2048xi32>
    %reduce_min3A_150 = vector.multi_reduction <minsi>, %select_n3A_148, %reduce_min3A_149 [1] : vector<2048x784xi32> to vector<2048xi32>
    %broadcast_in_dim3A_151 = vector.shape_cast %reduce_min3A_150 : vector<2048xi32> to vector<2048x1xi32>
    %concatenate3A = tpu.concatenate %broadcast_in_dim3A_7, %broadcast_in_dim3A_23, %broadcast_in_dim3A_39, %broadcast_in_dim3A_55, %broadcast_in_dim3A_71, %broadcast_in_dim3A_87, %broadcast_in_dim3A_103, %broadcast_in_dim3A_119, %broadcast_in_dim3A_135, %broadcast_in_dim3A_151 in 1 : vector<2048x1xi32>, vector<2048x1xi32>, vector<2048x1xi32>, vector<2048x1xi32>, vector<2048x1xi32>, vector<2048x1xi32>, vector<2048x1xi32>, vector<2048x1xi32>, vector<2048x1xi32>, vector<2048x1xi32> -> vector<2048x10xi32>
    %swap3A = arith.constant 0 : index
    %swap3A_152 = arith.constant 0 : index
    %swap3A_153 = vector.load %arg1[%swap3A, %swap3A_152] : memref<2048x10xi32, #tpu.memory_space<vmem>>, vector<2048x10xi32>
    tpu.vector_store %arg1[%swap3A, %swap3A_152], %concatenate3A {strides = array<i32>} : memref<2048x10xi32, #tpu.memory_space<vmem>>, vector<2048x10xi32>,
    return
  }
}

module attributes {stable_mosaic.version = 14 : i64} {
  func.func @_topc_body(%arg0: memref<2048x1280xf32, #tpu.memory_space<vmem>>, %arg1: memref<2048x10xi32, #tpu.memory_space<vmem>>, %arg2: memref<2048x10xi32, #tpu.memory_space<vmem>>) attributes {dimension_semantics = [], scalar_prefetch = 0 : i64, scratch_operands = 0 : i64, tpu.core_type = #tpu.core_type<tc>} {
    %get3A = arith.constant 0 : index
    %get3A_0 = arith.constant 0 : index
    %get3A_1 = vector.load %arg0[%get3A, %get3A_0] : memref<2048x1280xf32, #tpu.memory_space<vmem>>, vector<2048x1280xf32>
    %get3A_2 = arith.constant 0 : index
    %get3A_3 = arith.constant 0 : index
    %get3A_4 = vector.load %arg1[%get3A_2, %get3A_3] : memref<2048x10xi32, #tpu.memory_space<vmem>>, vector<2048x10xi32>
    %broadcast_in_dim3A = vector.shape_cast %get3A_4 : vector<2048x10xi32> to vector<2048x10x1xi32>
    %broadcast_in_dim3A_5 = vector.shape_cast %broadcast_in_dim3A : vector<2048x10x1xi32> to vector<2048x10x1xi32>
    %broadcast_in_dim3A_6 = vector.broadcast %broadcast_in_dim3A_5 : vector<2048x10x1xi32> to vector<2048x10x128xi32>
    %reshape3A = vector.shape_cast %broadcast_in_dim3A_6 : vector<2048x10x128xi32> to vector<2048x1280xi32>
    %iota3A = tpu.iota {dimensions = array<i32: 1>} : vector<2048x1280xi32>
    %jit3A = arith.constant 128 : i32
    %eq3A = arith.constant 0 : i32
    %eq3A_7 = arith.cmpi eq, %jit3A, %eq3A : i32
    %jit3A_8 = arith.constant 1 : i32
    %select_n3A = arith.select %eq3A_7, %jit3A_8, %jit3A : i32
    %rem3A = vector.broadcast %select_n3A : i32 to vector<2048x1280xi32>
    %rem3A_9 = arith.remsi %iota3A, %rem3A : vector<2048x1280xi32>
    %ne3A = arith.constant 0 : i32
    %ne3A_10 = vector.broadcast %ne3A : i32 to vector<2048x1280xi32>
    %ne3A_11 = arith.cmpi ne, %rem3A_9, %ne3A_10 : vector<2048x1280xi32>
    %lt3A = arith.constant 0 : i32
    %lt3A_12 = vector.broadcast %lt3A : i32 to vector<2048x1280xi32>
    %lt3A_13 = arith.cmpi slt, %rem3A_9, %lt3A_12 : vector<2048x1280xi32>
    %lt3A_14 = arith.constant 0 : i32
    %lt3A_15 = arith.cmpi slt, %select_n3A, %lt3A_14 : i32
    %ne3A_16 = vector.broadcast %lt3A_15 : i1 to vector<2048x1280xi1>
    %ne3A_17 = vector.broadcast %ne3A_16 : vector<2048x1280xi1> to vector<2048x1280xi1>
    %ne3A_18 = arith.xori %lt3A_13, %ne3A_17 : vector<2048x1280xi1>
    %and3A = arith.andi %ne3A_18, %ne3A_11 : vector<2048x1280xi1>
    %add3A = vector.broadcast %select_n3A : i32 to vector<2048x1280xi32>
    %add3A_19 = arith.addi %rem3A_9, %add3A : vector<2048x1280xi32>
    %select_n3A_20 = arith.select %and3A, %add3A_19, %rem3A_9 : vector<2048x1280xi1>, vector<2048x1280xi32>
    %mul3A = arith.constant 128 : i32
    %mul3A_21 = vector.broadcast %mul3A : i32 to vector<2048x1280xi32>
    %mul3A_22 = arith.muli %reshape3A, %mul3A_21 : vector<2048x1280xi32>
    %add3A_23 = arith.addi %mul3A_22, %select_n3A_20 : vector<2048x1280xi32>
    %reduce_min3A = arith.constant dense<0x7F800000> : vector<2048xf32>
    %reduce_min3A_24 = vector.multi_reduction <minimumf>, %get3A_1, %reduce_min3A [1] : vector<2048x1280xf32> to vector<2048xf32>
    %broadcast_in_dim3A_25 = vector.shape_cast %reduce_min3A_24 : vector<2048xf32> to vector<2048x1xf32>
    %eq3A_26 = vector.broadcast %broadcast_in_dim3A_25 : vector<2048x1xf32> to vector<2048x1280xf32>
    %eq3A_27 = arith.cmpf oeq, %get3A_1, %eq3A_26 : vector<2048x1280xf32>
    %jit3A_28 = arith.constant 1073741824 : i32
    %broadcast_in_dim3A_29 = vector.broadcast %jit3A_28 : i32 to vector<2048x1280xi32>
    %select_n3A_30 = arith.select %eq3A_27, %add3A_23, %broadcast_in_dim3A_29 : vector<2048x1280xi1>, vector<2048x1280xi32>
    %reduce_min3A_31 = arith.constant dense<2147483647> : vector<2048xi32>
    %reduce_min3A_32 = vector.multi_reduction <minsi>, %select_n3A_30, %reduce_min3A_31 [1] : vector<2048x1280xi32> to vector<2048xi32>
    %broadcast_in_dim3A_33 = vector.shape_cast %reduce_min3A_32 : vector<2048xi32> to vector<2048x1xi32>
    %eq3A_34 = vector.broadcast %broadcast_in_dim3A_33 : vector<2048x1xi32> to vector<2048x1280xi32>
    %eq3A_35 = arith.cmpi eq, %add3A_23, %eq3A_34 : vector<2048x1280xi32>
    %jit3A_36 = arith.constant 0x7F800000 : f32
    %broadcast_in_dim3A_37 = vector.broadcast %jit3A_36 : f32 to vector<2048x1280xf32>
    %select_n3A_38 = arith.select %eq3A_35, %broadcast_in_dim3A_37, %get3A_1 : vector<2048x1280xi1>, vector<2048x1280xf32>
    %reduce_min3A_39 = arith.constant dense<0x7F800000> : vector<2048xf32>
    %reduce_min3A_40 = vector.multi_reduction <minimumf>, %select_n3A_38, %reduce_min3A_39 [1] : vector<2048x1280xf32> to vector<2048xf32>
    %broadcast_in_dim3A_41 = vector.shape_cast %reduce_min3A_40 : vector<2048xf32> to vector<2048x1xf32>
    %eq3A_42 = vector.broadcast %broadcast_in_dim3A_41 : vector<2048x1xf32> to vector<2048x1280xf32>
    %eq3A_43 = arith.cmpf oeq, %select_n3A_38, %eq3A_42 : vector<2048x1280xf32>
    %jit3A_44 = arith.constant 1073741824 : i32
    %broadcast_in_dim3A_45 = vector.broadcast %jit3A_44 : i32 to vector<2048x1280xi32>
    %select_n3A_46 = arith.select %eq3A_43, %add3A_23, %broadcast_in_dim3A_45 : vector<2048x1280xi1>, vector<2048x1280xi32>
    %reduce_min3A_47 = arith.constant dense<2147483647> : vector<2048xi32>
    %reduce_min3A_48 = vector.multi_reduction <minsi>, %select_n3A_46, %reduce_min3A_47 [1] : vector<2048x1280xi32> to vector<2048xi32>
    %broadcast_in_dim3A_49 = vector.shape_cast %reduce_min3A_48 : vector<2048xi32> to vector<2048x1xi32>
    %eq3A_50 = vector.broadcast %broadcast_in_dim3A_49 : vector<2048x1xi32> to vector<2048x1280xi32>
    %eq3A_51 = arith.cmpi eq, %add3A_23, %eq3A_50 : vector<2048x1280xi32>
    %jit3A_52 = arith.constant 0x7F800000 : f32
    %broadcast_in_dim3A_53 = vector.broadcast %jit3A_52 : f32 to vector<2048x1280xf32>
    %select_n3A_54 = arith.select %eq3A_51, %broadcast_in_dim3A_53, %select_n3A_38 : vector<2048x1280xi1>, vector<2048x1280xf32>
    %reduce_min3A_55 = arith.constant dense<0x7F800000> : vector<2048xf32>
    %reduce_min3A_56 = vector.multi_reduction <minimumf>, %select_n3A_54, %reduce_min3A_55 [1] : vector<2048x1280xf32> to vector<2048xf32>
    %broadcast_in_dim3A_57 = vector.shape_cast %reduce_min3A_56 : vector<2048xf32> to vector<2048x1xf32>
    %eq3A_58 = vector.broadcast %broadcast_in_dim3A_57 : vector<2048x1xf32> to vector<2048x1280xf32>
    %eq3A_59 = arith.cmpf oeq, %select_n3A_54, %eq3A_58 : vector<2048x1280xf32>
    %jit3A_60 = arith.constant 1073741824 : i32
    %broadcast_in_dim3A_61 = vector.broadcast %jit3A_60 : i32 to vector<2048x1280xi32>
    %select_n3A_62 = arith.select %eq3A_59, %add3A_23, %broadcast_in_dim3A_61 : vector<2048x1280xi1>, vector<2048x1280xi32>
    %reduce_min3A_63 = arith.constant dense<2147483647> : vector<2048xi32>
    %reduce_min3A_64 = vector.multi_reduction <minsi>, %select_n3A_62, %reduce_min3A_63 [1] : vector<2048x1280xi32> to vector<2048xi32>
    %broadcast_in_dim3A_65 = vector.shape_cast %reduce_min3A_64 : vector<2048xi32> to vector<2048x1xi32>
    %eq3A_66 = vector.broadcast %broadcast_in_dim3A_65 : vector<2048x1xi32> to vector<2048x1280xi32>
    %eq3A_67 = arith.cmpi eq, %add3A_23, %eq3A_66 : vector<2048x1280xi32>
    %jit3A_68 = arith.constant 0x7F800000 : f32
    %broadcast_in_dim3A_69 = vector.broadcast %jit3A_68 : f32 to vector<2048x1280xf32>
    %select_n3A_70 = arith.select %eq3A_67, %broadcast_in_dim3A_69, %select_n3A_54 : vector<2048x1280xi1>, vector<2048x1280xf32>
    %reduce_min3A_71 = arith.constant dense<0x7F800000> : vector<2048xf32>
    %reduce_min3A_72 = vector.multi_reduction <minimumf>, %select_n3A_70, %reduce_min3A_71 [1] : vector<2048x1280xf32> to vector<2048xf32>
    %broadcast_in_dim3A_73 = vector.shape_cast %reduce_min3A_72 : vector<2048xf32> to vector<2048x1xf32>
    %eq3A_74 = vector.broadcast %broadcast_in_dim3A_73 : vector<2048x1xf32> to vector<2048x1280xf32>
    %eq3A_75 = arith.cmpf oeq, %select_n3A_70, %eq3A_74 : vector<2048x1280xf32>
    %jit3A_76 = arith.constant 1073741824 : i32
    %broadcast_in_dim3A_77 = vector.broadcast %jit3A_76 : i32 to vector<2048x1280xi32>
    %select_n3A_78 = arith.select %eq3A_75, %add3A_23, %broadcast_in_dim3A_77 : vector<2048x1280xi1>, vector<2048x1280xi32>
    %reduce_min3A_79 = arith.constant dense<2147483647> : vector<2048xi32>
    %reduce_min3A_80 = vector.multi_reduction <minsi>, %select_n3A_78, %reduce_min3A_79 [1] : vector<2048x1280xi32> to vector<2048xi32>
    %broadcast_in_dim3A_81 = vector.shape_cast %reduce_min3A_80 : vector<2048xi32> to vector<2048x1xi32>
    %eq3A_82 = vector.broadcast %broadcast_in_dim3A_81 : vector<2048x1xi32> to vector<2048x1280xi32>
    %eq3A_83 = arith.cmpi eq, %add3A_23, %eq3A_82 : vector<2048x1280xi32>
    %jit3A_84 = arith.constant 0x7F800000 : f32
    %broadcast_in_dim3A_85 = vector.broadcast %jit3A_84 : f32 to vector<2048x1280xf32>
    %select_n3A_86 = arith.select %eq3A_83, %broadcast_in_dim3A_85, %select_n3A_70 : vector<2048x1280xi1>, vector<2048x1280xf32>
    %reduce_min3A_87 = arith.constant dense<0x7F800000> : vector<2048xf32>
    %reduce_min3A_88 = vector.multi_reduction <minimumf>, %select_n3A_86, %reduce_min3A_87 [1] : vector<2048x1280xf32> to vector<2048xf32>
    %broadcast_in_dim3A_89 = vector.shape_cast %reduce_min3A_88 : vector<2048xf32> to vector<2048x1xf32>
    %eq3A_90 = vector.broadcast %broadcast_in_dim3A_89 : vector<2048x1xf32> to vector<2048x1280xf32>
    %eq3A_91 = arith.cmpf oeq, %select_n3A_86, %eq3A_90 : vector<2048x1280xf32>
    %jit3A_92 = arith.constant 1073741824 : i32
    %broadcast_in_dim3A_93 = vector.broadcast %jit3A_92 : i32 to vector<2048x1280xi32>
    %select_n3A_94 = arith.select %eq3A_91, %add3A_23, %broadcast_in_dim3A_93 : vector<2048x1280xi1>, vector<2048x1280xi32>
    %reduce_min3A_95 = arith.constant dense<2147483647> : vector<2048xi32>
    %reduce_min3A_96 = vector.multi_reduction <minsi>, %select_n3A_94, %reduce_min3A_95 [1] : vector<2048x1280xi32> to vector<2048xi32>
    %broadcast_in_dim3A_97 = vector.shape_cast %reduce_min3A_96 : vector<2048xi32> to vector<2048x1xi32>
    %eq3A_98 = vector.broadcast %broadcast_in_dim3A_97 : vector<2048x1xi32> to vector<2048x1280xi32>
    %eq3A_99 = arith.cmpi eq, %add3A_23, %eq3A_98 : vector<2048x1280xi32>
    %jit3A_100 = arith.constant 0x7F800000 : f32
    %broadcast_in_dim3A_101 = vector.broadcast %jit3A_100 : f32 to vector<2048x1280xf32>
    %select_n3A_102 = arith.select %eq3A_99, %broadcast_in_dim3A_101, %select_n3A_86 : vector<2048x1280xi1>, vector<2048x1280xf32>
    %reduce_min3A_103 = arith.constant dense<0x7F800000> : vector<2048xf32>
    %reduce_min3A_104 = vector.multi_reduction <minimumf>, %select_n3A_102, %reduce_min3A_103 [1] : vector<2048x1280xf32> to vector<2048xf32>
    %broadcast_in_dim3A_105 = vector.shape_cast %reduce_min3A_104 : vector<2048xf32> to vector<2048x1xf32>
    %eq3A_106 = vector.broadcast %broadcast_in_dim3A_105 : vector<2048x1xf32> to vector<2048x1280xf32>
    %eq3A_107 = arith.cmpf oeq, %select_n3A_102, %eq3A_106 : vector<2048x1280xf32>
    %jit3A_108 = arith.constant 1073741824 : i32
    %broadcast_in_dim3A_109 = vector.broadcast %jit3A_108 : i32 to vector<2048x1280xi32>
    %select_n3A_110 = arith.select %eq3A_107, %add3A_23, %broadcast_in_dim3A_109 : vector<2048x1280xi1>, vector<2048x1280xi32>
    %reduce_min3A_111 = arith.constant dense<2147483647> : vector<2048xi32>
    %reduce_min3A_112 = vector.multi_reduction <minsi>, %select_n3A_110, %reduce_min3A_111 [1] : vector<2048x1280xi32> to vector<2048xi32>
    %broadcast_in_dim3A_113 = vector.shape_cast %reduce_min3A_112 : vector<2048xi32> to vector<2048x1xi32>
    %eq3A_114 = vector.broadcast %broadcast_in_dim3A_113 : vector<2048x1xi32> to vector<2048x1280xi32>
    %eq3A_115 = arith.cmpi eq, %add3A_23, %eq3A_114 : vector<2048x1280xi32>
    %jit3A_116 = arith.constant 0x7F800000 : f32
    %broadcast_in_dim3A_117 = vector.broadcast %jit3A_116 : f32 to vector<2048x1280xf32>
    %select_n3A_118 = arith.select %eq3A_115, %broadcast_in_dim3A_117, %select_n3A_102 : vector<2048x1280xi1>, vector<2048x1280xf32>
    %reduce_min3A_119 = arith.constant dense<0x7F800000> : vector<2048xf32>
    %reduce_min3A_120 = vector.multi_reduction <minimumf>, %select_n3A_118, %reduce_min3A_119 [1] : vector<2048x1280xf32> to vector<2048xf32>
    %broadcast_in_dim3A_121 = vector.shape_cast %reduce_min3A_120 : vector<2048xf32> to vector<2048x1xf32>
    %eq3A_122 = vector.broadcast %broadcast_in_dim3A_121 : vector<2048x1xf32> to vector<2048x1280xf32>
    %eq3A_123 = arith.cmpf oeq, %select_n3A_118, %eq3A_122 : vector<2048x1280xf32>
    %jit3A_124 = arith.constant 1073741824 : i32
    %broadcast_in_dim3A_125 = vector.broadcast %jit3A_124 : i32 to vector<2048x1280xi32>
    %select_n3A_126 = arith.select %eq3A_123, %add3A_23, %broadcast_in_dim3A_125 : vector<2048x1280xi1>, vector<2048x1280xi32>
    %reduce_min3A_127 = arith.constant dense<2147483647> : vector<2048xi32>
    %reduce_min3A_128 = vector.multi_reduction <minsi>, %select_n3A_126, %reduce_min3A_127 [1] : vector<2048x1280xi32> to vector<2048xi32>
    %broadcast_in_dim3A_129 = vector.shape_cast %reduce_min3A_128 : vector<2048xi32> to vector<2048x1xi32>
    %eq3A_130 = vector.broadcast %broadcast_in_dim3A_129 : vector<2048x1xi32> to vector<2048x1280xi32>
    %eq3A_131 = arith.cmpi eq, %add3A_23, %eq3A_130 : vector<2048x1280xi32>
    %jit3A_132 = arith.constant 0x7F800000 : f32
    %broadcast_in_dim3A_133 = vector.broadcast %jit3A_132 : f32 to vector<2048x1280xf32>
    %select_n3A_134 = arith.select %eq3A_131, %broadcast_in_dim3A_133, %select_n3A_118 : vector<2048x1280xi1>, vector<2048x1280xf32>
    %reduce_min3A_135 = arith.constant dense<0x7F800000> : vector<2048xf32>
    %reduce_min3A_136 = vector.multi_reduction <minimumf>, %select_n3A_134, %reduce_min3A_135 [1] : vector<2048x1280xf32> to vector<2048xf32>
    %broadcast_in_dim3A_137 = vector.shape_cast %reduce_min3A_136 : vector<2048xf32> to vector<2048x1xf32>
    %eq3A_138 = vector.broadcast %broadcast_in_dim3A_137 : vector<2048x1xf32> to vector<2048x1280xf32>
    %eq3A_139 = arith.cmpf oeq, %select_n3A_134, %eq3A_138 : vector<2048x1280xf32>
    %jit3A_140 = arith.constant 1073741824 : i32
    %broadcast_in_dim3A_141 = vector.broadcast %jit3A_140 : i32 to vector<2048x1280xi32>
    %select_n3A_142 = arith.select %eq3A_139, %add3A_23, %broadcast_in_dim3A_141 : vector<2048x1280xi1>, vector<2048x1280xi32>
    %reduce_min3A_143 = arith.constant dense<2147483647> : vector<2048xi32>
    %reduce_min3A_144 = vector.multi_reduction <minsi>, %select_n3A_142, %reduce_min3A_143 [1] : vector<2048x1280xi32> to vector<2048xi32>
    %broadcast_in_dim3A_145 = vector.shape_cast %reduce_min3A_144 : vector<2048xi32> to vector<2048x1xi32>
    %eq3A_146 = vector.broadcast %broadcast_in_dim3A_145 : vector<2048x1xi32> to vector<2048x1280xi32>
    %eq3A_147 = arith.cmpi eq, %add3A_23, %eq3A_146 : vector<2048x1280xi32>
    %jit3A_148 = arith.constant 0x7F800000 : f32
    %broadcast_in_dim3A_149 = vector.broadcast %jit3A_148 : f32 to vector<2048x1280xf32>
    %select_n3A_150 = arith.select %eq3A_147, %broadcast_in_dim3A_149, %select_n3A_134 : vector<2048x1280xi1>, vector<2048x1280xf32>
    %reduce_min3A_151 = arith.constant dense<0x7F800000> : vector<2048xf32>
    %reduce_min3A_152 = vector.multi_reduction <minimumf>, %select_n3A_150, %reduce_min3A_151 [1] : vector<2048x1280xf32> to vector<2048xf32>
    %broadcast_in_dim3A_153 = vector.shape_cast %reduce_min3A_152 : vector<2048xf32> to vector<2048x1xf32>
    %eq3A_154 = vector.broadcast %broadcast_in_dim3A_153 : vector<2048x1xf32> to vector<2048x1280xf32>
    %eq3A_155 = arith.cmpf oeq, %select_n3A_150, %eq3A_154 : vector<2048x1280xf32>
    %jit3A_156 = arith.constant 1073741824 : i32
    %broadcast_in_dim3A_157 = vector.broadcast %jit3A_156 : i32 to vector<2048x1280xi32>
    %select_n3A_158 = arith.select %eq3A_155, %add3A_23, %broadcast_in_dim3A_157 : vector<2048x1280xi1>, vector<2048x1280xi32>
    %reduce_min3A_159 = arith.constant dense<2147483647> : vector<2048xi32>
    %reduce_min3A_160 = vector.multi_reduction <minsi>, %select_n3A_158, %reduce_min3A_159 [1] : vector<2048x1280xi32> to vector<2048xi32>
    %broadcast_in_dim3A_161 = vector.shape_cast %reduce_min3A_160 : vector<2048xi32> to vector<2048x1xi32>
    %eq3A_162 = vector.broadcast %broadcast_in_dim3A_161 : vector<2048x1xi32> to vector<2048x1280xi32>
    %eq3A_163 = arith.cmpi eq, %add3A_23, %eq3A_162 : vector<2048x1280xi32>
    %jit3A_164 = arith.constant 0x7F800000 : f32
    %broadcast_in_dim3A_165 = vector.broadcast %jit3A_164 : f32 to vector<2048x1280xf32>
    %select_n3A_166 = arith.select %eq3A_163, %broadcast_in_dim3A_165, %select_n3A_150 : vector<2048x1280xi1>, vector<2048x1280xf32>
    %reduce_min3A_167 = arith.constant dense<0x7F800000> : vector<2048xf32>
    %reduce_min3A_168 = vector.multi_reduction <minimumf>, %select_n3A_166, %reduce_min3A_167 [1] : vector<2048x1280xf32> to vector<2048xf32>
    %broadcast_in_dim3A_169 = vector.shape_cast %reduce_min3A_168 : vector<2048xf32> to vector<2048x1xf32>
    %eq3A_170 = vector.broadcast %broadcast_in_dim3A_169 : vector<2048x1xf32> to vector<2048x1280xf32>
    %eq3A_171 = arith.cmpf oeq, %select_n3A_166, %eq3A_170 : vector<2048x1280xf32>
    %jit3A_172 = arith.constant 1073741824 : i32
    %broadcast_in_dim3A_173 = vector.broadcast %jit3A_172 : i32 to vector<2048x1280xi32>
    %select_n3A_174 = arith.select %eq3A_171, %add3A_23, %broadcast_in_dim3A_173 : vector<2048x1280xi1>, vector<2048x1280xi32>
    %reduce_min3A_175 = arith.constant dense<2147483647> : vector<2048xi32>
    %reduce_min3A_176 = vector.multi_reduction <minsi>, %select_n3A_174, %reduce_min3A_175 [1] : vector<2048x1280xi32> to vector<2048xi32>
    %broadcast_in_dim3A_177 = vector.shape_cast %reduce_min3A_176 : vector<2048xi32> to vector<2048x1xi32>
    %concatenate3A = tpu.concatenate %broadcast_in_dim3A_33, %broadcast_in_dim3A_49, %broadcast_in_dim3A_65, %broadcast_in_dim3A_81, %broadcast_in_dim3A_97, %broadcast_in_dim3A_113, %broadcast_in_dim3A_129, %broadcast_in_dim3A_145, %broadcast_in_dim3A_161, %broadcast_in_dim3A_177 in 1 : vector<2048x1xi32>, vector<2048x1xi32>, vector<2048x1xi32>, vector<2048x1xi32>, vector<2048x1xi32>, vector<2048x1xi32>, vector<2048x1xi32>, vector<2048x1xi32>, vector<2048x1xi32>, vector<2048x1xi32> -> vector<2048x10xi32>
    %swap3A = arith.constant 0 : index
    %swap3A_178 = arith.constant 0 : index
    %swap3A_179 = vector.load %arg2[%swap3A, %swap3A_178] : memref<2048x10xi32, #tpu.memory_space<vmem>>, vector<2048x10xi32>
    tpu.vector_store %arg2[%swap3A, %swap3A_178], %concatenate3A {strides = array<i32>} : memref<2048x10xi32, #tpu.memory_space<vmem>>, vector<2048x10xi32>,
    return
  }
}

module attributes {stable_mosaic.version = 14 : i64} {
  func.func @_lle_body(%arg0: memref<256x2048xf32, #tpu.memory_space<vmem>>, %arg1: memref<10x256x2048xf32, #tpu.memory_space<vmem>>, %arg2: memref<256x2048xf32, #tpu.memory_space<vmem>>) attributes {dimension_semantics = [], scalar_prefetch = 0 : i64, scratch_operands = 0 : i64, tpu.core_type = #tpu.core_type<tc>} {
    %get3A = arith.constant 0 : index
    %get3A_0 = arith.constant 0 : index
    %get3A_1 = vector.load %arg0[%get3A, %get3A_0] : memref<256x2048xf32, #tpu.memory_space<vmem>>, vector<256x2048xf32>
    %get3A_2 = arith.constant 0 : index
    %get3A_3 = arith.constant 0 : index
    %get3A_4 = arith.constant 0 : index
    %get3A_5 = vector.load %arg1[%get3A_2, %get3A_3, %get3A_4] : memref<10x256x2048xf32, #tpu.memory_space<vmem>>, vector<1x256x2048xf32>
    %get3A_6 = vector.shape_cast %get3A_5 : vector<1x256x2048xf32> to vector<256x2048xf32>
    %get3A_7 = arith.constant 1 : index
    %get3A_8 = arith.constant 0 : index
    %get3A_9 = arith.constant 0 : index
    %get3A_10 = vector.load %arg1[%get3A_7, %get3A_8, %get3A_9] : memref<10x256x2048xf32, #tpu.memory_space<vmem>>, vector<1x256x2048xf32>
    %get3A_11 = vector.shape_cast %get3A_10 : vector<1x256x2048xf32> to vector<256x2048xf32>
    %get3A_12 = arith.constant 2 : index
    %get3A_13 = arith.constant 0 : index
    %get3A_14 = arith.constant 0 : index
    %get3A_15 = vector.load %arg1[%get3A_12, %get3A_13, %get3A_14] : memref<10x256x2048xf32, #tpu.memory_space<vmem>>, vector<1x256x2048xf32>
    %get3A_16 = vector.shape_cast %get3A_15 : vector<1x256x2048xf32> to vector<256x2048xf32>
    %get3A_17 = arith.constant 3 : index
    %get3A_18 = arith.constant 0 : index
    %get3A_19 = arith.constant 0 : index
    %get3A_20 = vector.load %arg1[%get3A_17, %get3A_18, %get3A_19] : memref<10x256x2048xf32, #tpu.memory_space<vmem>>, vector<1x256x2048xf32>
    %get3A_21 = vector.shape_cast %get3A_20 : vector<1x256x2048xf32> to vector<256x2048xf32>
    %get3A_22 = arith.constant 4 : index
    %get3A_23 = arith.constant 0 : index
    %get3A_24 = arith.constant 0 : index
    %get3A_25 = vector.load %arg1[%get3A_22, %get3A_23, %get3A_24] : memref<10x256x2048xf32, #tpu.memory_space<vmem>>, vector<1x256x2048xf32>
    %get3A_26 = vector.shape_cast %get3A_25 : vector<1x256x2048xf32> to vector<256x2048xf32>
    %get3A_27 = arith.constant 5 : index
    %get3A_28 = arith.constant 0 : index
    %get3A_29 = arith.constant 0 : index
    %get3A_30 = vector.load %arg1[%get3A_27, %get3A_28, %get3A_29] : memref<10x256x2048xf32, #tpu.memory_space<vmem>>, vector<1x256x2048xf32>
    %get3A_31 = vector.shape_cast %get3A_30 : vector<1x256x2048xf32> to vector<256x2048xf32>
    %get3A_32 = arith.constant 6 : index
    %get3A_33 = arith.constant 0 : index
    %get3A_34 = arith.constant 0 : index
    %get3A_35 = vector.load %arg1[%get3A_32, %get3A_33, %get3A_34] : memref<10x256x2048xf32, #tpu.memory_space<vmem>>, vector<1x256x2048xf32>
    %get3A_36 = vector.shape_cast %get3A_35 : vector<1x256x2048xf32> to vector<256x2048xf32>
    %get3A_37 = arith.constant 7 : index
    %get3A_38 = arith.constant 0 : index
    %get3A_39 = arith.constant 0 : index
    %get3A_40 = vector.load %arg1[%get3A_37, %get3A_38, %get3A_39] : memref<10x256x2048xf32, #tpu.memory_space<vmem>>, vector<1x256x2048xf32>
    %get3A_41 = vector.shape_cast %get3A_40 : vector<1x256x2048xf32> to vector<256x2048xf32>
    %get3A_42 = arith.constant 8 : index
    %get3A_43 = arith.constant 0 : index
    %get3A_44 = arith.constant 0 : index
    %get3A_45 = vector.load %arg1[%get3A_42, %get3A_43, %get3A_44] : memref<10x256x2048xf32, #tpu.memory_space<vmem>>, vector<1x256x2048xf32>
    %get3A_46 = vector.shape_cast %get3A_45 : vector<1x256x2048xf32> to vector<256x2048xf32>
    %get3A_47 = arith.constant 9 : index
    %get3A_48 = arith.constant 0 : index
    %get3A_49 = arith.constant 0 : index
    %get3A_50 = vector.load %arg1[%get3A_47, %get3A_48, %get3A_49] : memref<10x256x2048xf32, #tpu.memory_space<vmem>>, vector<1x256x2048xf32>
    %get3A_51 = vector.shape_cast %get3A_50 : vector<1x256x2048xf32> to vector<256x2048xf32>
    %mul3A = arith.mulf %get3A_6, %get3A_1 : vector<256x2048xf32>
    %reduce_sum3A = arith.constant dense<0.000000e+00> : vector<2048xf32>
    %reduce_sum3A_52 = vector.multi_reduction <add>, %mul3A, %reduce_sum3A [0] : vector<256x2048xf32> to vector<2048xf32>
    %broadcast_in_dim3A = vector.shape_cast %reduce_sum3A_52 : vector<2048xf32> to vector<1x2048xf32>
    %mul3A_53 = arith.mulf %get3A_11, %get3A_1 : vector<256x2048xf32>
    %reduce_sum3A_54 = arith.constant dense<0.000000e+00> : vector<2048xf32>
    %reduce_sum3A_55 = vector.multi_reduction <add>, %mul3A_53, %reduce_sum3A_54 [0] : vector<256x2048xf32> to vector<2048xf32>
    %broadcast_in_dim3A_56 = vector.shape_cast %reduce_sum3A_55 : vector<2048xf32> to vector<1x2048xf32>
    %mul3A_57 = arith.mulf %get3A_16, %get3A_1 : vector<256x2048xf32>
    %reduce_sum3A_58 = arith.constant dense<0.000000e+00> : vector<2048xf32>
    %reduce_sum3A_59 = vector.multi_reduction <add>, %mul3A_57, %reduce_sum3A_58 [0] : vector<256x2048xf32> to vector<2048xf32>
    %broadcast_in_dim3A_60 = vector.shape_cast %reduce_sum3A_59 : vector<2048xf32> to vector<1x2048xf32>
    %mul3A_61 = arith.mulf %get3A_21, %get3A_1 : vector<256x2048xf32>
    %reduce_sum3A_62 = arith.constant dense<0.000000e+00> : vector<2048xf32>
    %reduce_sum3A_63 = vector.multi_reduction <add>, %mul3A_61, %reduce_sum3A_62 [0] : vector<256x2048xf32> to vector<2048xf32>
    %broadcast_in_dim3A_64 = vector.shape_cast %reduce_sum3A_63 : vector<2048xf32> to vector<1x2048xf32>
    %mul3A_65 = arith.mulf %get3A_26, %get3A_1 : vector<256x2048xf32>
    %reduce_sum3A_66 = arith.constant dense<0.000000e+00> : vector<2048xf32>
    %reduce_sum3A_67 = vector.multi_reduction <add>, %mul3A_65, %reduce_sum3A_66 [0] : vector<256x2048xf32> to vector<2048xf32>
    %broadcast_in_dim3A_68 = vector.shape_cast %reduce_sum3A_67 : vector<2048xf32> to vector<1x2048xf32>
    %mul3A_69 = arith.mulf %get3A_31, %get3A_1 : vector<256x2048xf32>
    %reduce_sum3A_70 = arith.constant dense<0.000000e+00> : vector<2048xf32>
    %reduce_sum3A_71 = vector.multi_reduction <add>, %mul3A_69, %reduce_sum3A_70 [0] : vector<256x2048xf32> to vector<2048xf32>
    %broadcast_in_dim3A_72 = vector.shape_cast %reduce_sum3A_71 : vector<2048xf32> to vector<1x2048xf32>
    %mul3A_73 = arith.mulf %get3A_36, %get3A_1 : vector<256x2048xf32>
    %reduce_sum3A_74 = arith.constant dense<0.000000e+00> : vector<2048xf32>
    %reduce_sum3A_75 = vector.multi_reduction <add>, %mul3A_73, %reduce_sum3A_74 [0] : vector<256x2048xf32> to vector<2048xf32>
    %broadcast_in_dim3A_76 = vector.shape_cast %reduce_sum3A_75 : vector<2048xf32> to vector<1x2048xf32>
    %mul3A_77 = arith.mulf %get3A_41, %get3A_1 : vector<256x2048xf32>
    %reduce_sum3A_78 = arith.constant dense<0.000000e+00> : vector<2048xf32>
    %reduce_sum3A_79 = vector.multi_reduction <add>, %mul3A_77, %reduce_sum3A_78 [0] : vector<256x2048xf32> to vector<2048xf32>
    %broadcast_in_dim3A_80 = vector.shape_cast %reduce_sum3A_79 : vector<2048xf32> to vector<1x2048xf32>
    %mul3A_81 = arith.mulf %get3A_46, %get3A_1 : vector<256x2048xf32>
    %reduce_sum3A_82 = arith.constant dense<0.000000e+00> : vector<2048xf32>
    %reduce_sum3A_83 = vector.multi_reduction <add>, %mul3A_81, %reduce_sum3A_82 [0] : vector<256x2048xf32> to vector<2048xf32>
    %broadcast_in_dim3A_84 = vector.shape_cast %reduce_sum3A_83 : vector<2048xf32> to vector<1x2048xf32>
    %mul3A_85 = arith.mulf %get3A_51, %get3A_1 : vector<256x2048xf32>
    %reduce_sum3A_86 = arith.constant dense<0.000000e+00> : vector<2048xf32>
    %reduce_sum3A_87 = vector.multi_reduction <add>, %mul3A_85, %reduce_sum3A_86 [0] : vector<256x2048xf32> to vector<2048xf32>
    %broadcast_in_dim3A_88 = vector.shape_cast %reduce_sum3A_87 : vector<2048xf32> to vector<1x2048xf32>
    %mul3A_89 = arith.mulf %get3A_6, %get3A_6 : vector<256x2048xf32>
    %reduce_sum3A_90 = arith.constant dense<0.000000e+00> : vector<2048xf32>
    %reduce_sum3A_91 = vector.multi_reduction <add>, %mul3A_89, %reduce_sum3A_90 [0] : vector<256x2048xf32> to vector<2048xf32>
    %broadcast_in_dim3A_92 = vector.shape_cast %reduce_sum3A_91 : vector<2048xf32> to vector<1x2048xf32>
    %mul3A_93 = arith.mulf %get3A_6, %get3A_11 : vector<256x2048xf32>
    %reduce_sum3A_94 = arith.constant dense<0.000000e+00> : vector<2048xf32>
    %reduce_sum3A_95 = vector.multi_reduction <add>, %mul3A_93, %reduce_sum3A_94 [0] : vector<256x2048xf32> to vector<2048xf32>
    %broadcast_in_dim3A_96 = vector.shape_cast %reduce_sum3A_95 : vector<2048xf32> to vector<1x2048xf32>
    %mul3A_97 = arith.mulf %get3A_6, %get3A_16 : vector<256x2048xf32>
    %reduce_sum3A_98 = arith.constant dense<0.000000e+00> : vector<2048xf32>
    %reduce_sum3A_99 = vector.multi_reduction <add>, %mul3A_97, %reduce_sum3A_98 [0] : vector<256x2048xf32> to vector<2048xf32>
    %broadcast_in_dim3A_100 = vector.shape_cast %reduce_sum3A_99 : vector<2048xf32> to vector<1x2048xf32>
    %mul3A_101 = arith.mulf %get3A_6, %get3A_21 : vector<256x2048xf32>
    %reduce_sum3A_102 = arith.constant dense<0.000000e+00> : vector<2048xf32>
    %reduce_sum3A_103 = vector.multi_reduction <add>, %mul3A_101, %reduce_sum3A_102 [0] : vector<256x2048xf32> to vector<2048xf32>
    %broadcast_in_dim3A_104 = vector.shape_cast %reduce_sum3A_103 : vector<2048xf32> to vector<1x2048xf32>
    %mul3A_105 = arith.mulf %get3A_6, %get3A_26 : vector<256x2048xf32>
    %reduce_sum3A_106 = arith.constant dense<0.000000e+00> : vector<2048xf32>
    %reduce_sum3A_107 = vector.multi_reduction <add>, %mul3A_105, %reduce_sum3A_106 [0] : vector<256x2048xf32> to vector<2048xf32>
    %broadcast_in_dim3A_108 = vector.shape_cast %reduce_sum3A_107 : vector<2048xf32> to vector<1x2048xf32>
    %mul3A_109 = arith.mulf %get3A_6, %get3A_31 : vector<256x2048xf32>
    %reduce_sum3A_110 = arith.constant dense<0.000000e+00> : vector<2048xf32>
    %reduce_sum3A_111 = vector.multi_reduction <add>, %mul3A_109, %reduce_sum3A_110 [0] : vector<256x2048xf32> to vector<2048xf32>
    %broadcast_in_dim3A_112 = vector.shape_cast %reduce_sum3A_111 : vector<2048xf32> to vector<1x2048xf32>
    %mul3A_113 = arith.mulf %get3A_6, %get3A_36 : vector<256x2048xf32>
    %reduce_sum3A_114 = arith.constant dense<0.000000e+00> : vector<2048xf32>
    %reduce_sum3A_115 = vector.multi_reduction <add>, %mul3A_113, %reduce_sum3A_114 [0] : vector<256x2048xf32> to vector<2048xf32>
    %broadcast_in_dim3A_116 = vector.shape_cast %reduce_sum3A_115 : vector<2048xf32> to vector<1x2048xf32>
    %mul3A_117 = arith.mulf %get3A_6, %get3A_41 : vector<256x2048xf32>
    %reduce_sum3A_118 = arith.constant dense<0.000000e+00> : vector<2048xf32>
    %reduce_sum3A_119 = vector.multi_reduction <add>, %mul3A_117, %reduce_sum3A_118 [0] : vector<256x2048xf32> to vector<2048xf32>
    %broadcast_in_dim3A_120 = vector.shape_cast %reduce_sum3A_119 : vector<2048xf32> to vector<1x2048xf32>
    %mul3A_121 = arith.mulf %get3A_6, %get3A_46 : vector<256x2048xf32>
    %reduce_sum3A_122 = arith.constant dense<0.000000e+00> : vector<2048xf32>
    %reduce_sum3A_123 = vector.multi_reduction <add>, %mul3A_121, %reduce_sum3A_122 [0] : vector<256x2048xf32> to vector<2048xf32>
    %broadcast_in_dim3A_124 = vector.shape_cast %reduce_sum3A_123 : vector<2048xf32> to vector<1x2048xf32>
    %mul3A_125 = arith.mulf %get3A_6, %get3A_51 : vector<256x2048xf32>
    %reduce_sum3A_126 = arith.constant dense<0.000000e+00> : vector<2048xf32>
    %reduce_sum3A_127 = vector.multi_reduction <add>, %mul3A_125, %reduce_sum3A_126 [0] : vector<256x2048xf32> to vector<2048xf32>
    %broadcast_in_dim3A_128 = vector.shape_cast %reduce_sum3A_127 : vector<2048xf32> to vector<1x2048xf32>
    %mul3A_129 = arith.mulf %get3A_11, %get3A_11 : vector<256x2048xf32>
    %reduce_sum3A_130 = arith.constant dense<0.000000e+00> : vector<2048xf32>
    %reduce_sum3A_131 = vector.multi_reduction <add>, %mul3A_129, %reduce_sum3A_130 [0] : vector<256x2048xf32> to vector<2048xf32>
    %broadcast_in_dim3A_132 = vector.shape_cast %reduce_sum3A_131 : vector<2048xf32> to vector<1x2048xf32>
    %mul3A_133 = arith.mulf %get3A_11, %get3A_16 : vector<256x2048xf32>
    %reduce_sum3A_134 = arith.constant dense<0.000000e+00> : vector<2048xf32>
    %reduce_sum3A_135 = vector.multi_reduction <add>, %mul3A_133, %reduce_sum3A_134 [0] : vector<256x2048xf32> to vector<2048xf32>
    %broadcast_in_dim3A_136 = vector.shape_cast %reduce_sum3A_135 : vector<2048xf32> to vector<1x2048xf32>
    %mul3A_137 = arith.mulf %get3A_11, %get3A_21 : vector<256x2048xf32>
    %reduce_sum3A_138 = arith.constant dense<0.000000e+00> : vector<2048xf32>
    %reduce_sum3A_139 = vector.multi_reduction <add>, %mul3A_137, %reduce_sum3A_138 [0] : vector<256x2048xf32> to vector<2048xf32>
    %broadcast_in_dim3A_140 = vector.shape_cast %reduce_sum3A_139 : vector<2048xf32> to vector<1x2048xf32>
    %mul3A_141 = arith.mulf %get3A_11, %get3A_26 : vector<256x2048xf32>
    %reduce_sum3A_142 = arith.constant dense<0.000000e+00> : vector<2048xf32>
    %reduce_sum3A_143 = vector.multi_reduction <add>, %mul3A_141, %reduce_sum3A_142 [0] : vector<256x2048xf32> to vector<2048xf32>
    %broadcast_in_dim3A_144 = vector.shape_cast %reduce_sum3A_143 : vector<2048xf32> to vector<1x2048xf32>
    %mul3A_145 = arith.mulf %get3A_11, %get3A_31 : vector<256x2048xf32>
    %reduce_sum3A_146 = arith.constant dense<0.000000e+00> : vector<2048xf32>
    %reduce_sum3A_147 = vector.multi_reduction <add>, %mul3A_145, %reduce_sum3A_146 [0] : vector<256x2048xf32> to vector<2048xf32>
    %broadcast_in_dim3A_148 = vector.shape_cast %reduce_sum3A_147 : vector<2048xf32> to vector<1x2048xf32>
    %mul3A_149 = arith.mulf %get3A_11, %get3A_36 : vector<256x2048xf32>
    %reduce_sum3A_150 = arith.constant dense<0.000000e+00> : vector<2048xf32>
    %reduce_sum3A_151 = vector.multi_reduction <add>, %mul3A_149, %reduce_sum3A_150 [0] : vector<256x2048xf32> to vector<2048xf32>
    %broadcast_in_dim3A_152 = vector.shape_cast %reduce_sum3A_151 : vector<2048xf32> to vector<1x2048xf32>
    %mul3A_153 = arith.mulf %get3A_11, %get3A_41 : vector<256x2048xf32>
    %reduce_sum3A_154 = arith.constant dense<0.000000e+00> : vector<2048xf32>
    %reduce_sum3A_155 = vector.multi_reduction <add>, %mul3A_153, %reduce_sum3A_154 [0] : vector<256x2048xf32> to vector<2048xf32>
    %broadcast_in_dim3A_156 = vector.shape_cast %reduce_sum3A_155 : vector<2048xf32> to vector<1x2048xf32>
    %mul3A_157 = arith.mulf %get3A_11, %get3A_46 : vector<256x2048xf32>
    %reduce_sum3A_158 = arith.constant dense<0.000000e+00> : vector<2048xf32>
    %reduce_sum3A_159 = vector.multi_reduction <add>, %mul3A_157, %reduce_sum3A_158 [0] : vector<256x2048xf32> to vector<2048xf32>
    %broadcast_in_dim3A_160 = vector.shape_cast %reduce_sum3A_159 : vector<2048xf32> to vector<1x2048xf32>
    %mul3A_161 = arith.mulf %get3A_11, %get3A_51 : vector<256x2048xf32>
    %reduce_sum3A_162 = arith.constant dense<0.000000e+00> : vector<2048xf32>
    %reduce_sum3A_163 = vector.multi_reduction <add>, %mul3A_161, %reduce_sum3A_162 [0] : vector<256x2048xf32> to vector<2048xf32>
    %broadcast_in_dim3A_164 = vector.shape_cast %reduce_sum3A_163 : vector<2048xf32> to vector<1x2048xf32>
    %mul3A_165 = arith.mulf %get3A_16, %get3A_16 : vector<256x2048xf32>
    %reduce_sum3A_166 = arith.constant dense<0.000000e+00> : vector<2048xf32>
    %reduce_sum3A_167 = vector.multi_reduction <add>, %mul3A_165, %reduce_sum3A_166 [0] : vector<256x2048xf32> to vector<2048xf32>
    %broadcast_in_dim3A_168 = vector.shape_cast %reduce_sum3A_167 : vector<2048xf32> to vector<1x2048xf32>
    %mul3A_169 = arith.mulf %get3A_16, %get3A_21 : vector<256x2048xf32>
    %reduce_sum3A_170 = arith.constant dense<0.000000e+00> : vector<2048xf32>
    %reduce_sum3A_171 = vector.multi_reduction <add>, %mul3A_169, %reduce_sum3A_170 [0] : vector<256x2048xf32> to vector<2048xf32>
    %broadcast_in_dim3A_172 = vector.shape_cast %reduce_sum3A_171 : vector<2048xf32> to vector<1x2048xf32>
    %mul3A_173 = arith.mulf %get3A_16, %get3A_26 : vector<256x2048xf32>
    %reduce_sum3A_174 = arith.constant dense<0.000000e+00> : vector<2048xf32>
    %reduce_sum3A_175 = vector.multi_reduction <add>, %mul3A_173, %reduce_sum3A_174 [0] : vector<256x2048xf32> to vector<2048xf32>
    %broadcast_in_dim3A_176 = vector.shape_cast %reduce_sum3A_175 : vector<2048xf32> to vector<1x2048xf32>
    %mul3A_177 = arith.mulf %get3A_16, %get3A_31 : vector<256x2048xf32>
    %reduce_sum3A_178 = arith.constant dense<0.000000e+00> : vector<2048xf32>
    %reduce_sum3A_179 = vector.multi_reduction <add>, %mul3A_177, %reduce_sum3A_178 [0] : vector<256x2048xf32> to vector<2048xf32>
    %broadcast_in_dim3A_180 = vector.shape_cast %reduce_sum3A_179 : vector<2048xf32> to vector<1x2048xf32>
    %mul3A_181 = arith.mulf %get3A_16, %get3A_36 : vector<256x2048xf32>
    %reduce_sum3A_182 = arith.constant dense<0.000000e+00> : vector<2048xf32>
    %reduce_sum3A_183 = vector.multi_reduction <add>, %mul3A_181, %reduce_sum3A_182 [0] : vector<256x2048xf32> to vector<2048xf32>
    %broadcast_in_dim3A_184 = vector.shape_cast %reduce_sum3A_183 : vector<2048xf32> to vector<1x2048xf32>
    %mul3A_185 = arith.mulf %get3A_16, %get3A_41 : vector<256x2048xf32>
    %reduce_sum3A_186 = arith.constant dense<0.000000e+00> : vector<2048xf32>
    %reduce_sum3A_187 = vector.multi_reduction <add>, %mul3A_185, %reduce_sum3A_186 [0] : vector<256x2048xf32> to vector<2048xf32>
    %broadcast_in_dim3A_188 = vector.shape_cast %reduce_sum3A_187 : vector<2048xf32> to vector<1x2048xf32>
    %mul3A_189 = arith.mulf %get3A_16, %get3A_46 : vector<256x2048xf32>
    %reduce_sum3A_190 = arith.constant dense<0.000000e+00> : vector<2048xf32>
    %reduce_sum3A_191 = vector.multi_reduction <add>, %mul3A_189, %reduce_sum3A_190 [0] : vector<256x2048xf32> to vector<2048xf32>
    %broadcast_in_dim3A_192 = vector.shape_cast %reduce_sum3A_191 : vector<2048xf32> to vector<1x2048xf32>
    %mul3A_193 = arith.mulf %get3A_16, %get3A_51 : vector<256x2048xf32>
    %reduce_sum3A_194 = arith.constant dense<0.000000e+00> : vector<2048xf32>
    %reduce_sum3A_195 = vector.multi_reduction <add>, %mul3A_193, %reduce_sum3A_194 [0] : vector<256x2048xf32> to vector<2048xf32>
    %broadcast_in_dim3A_196 = vector.shape_cast %reduce_sum3A_195 : vector<2048xf32> to vector<1x2048xf32>
    %mul3A_197 = arith.mulf %get3A_21, %get3A_21 : vector<256x2048xf32>
    %reduce_sum3A_198 = arith.constant dense<0.000000e+00> : vector<2048xf32>
    %reduce_sum3A_199 = vector.multi_reduction <add>, %mul3A_197, %reduce_sum3A_198 [0] : vector<256x2048xf32> to vector<2048xf32>
    %broadcast_in_dim3A_200 = vector.shape_cast %reduce_sum3A_199 : vector<2048xf32> to vector<1x2048xf32>
    %mul3A_201 = arith.mulf %get3A_21, %get3A_26 : vector<256x2048xf32>
    %reduce_sum3A_202 = arith.constant dense<0.000000e+00> : vector<2048xf32>
    %reduce_sum3A_203 = vector.multi_reduction <add>, %mul3A_201, %reduce_sum3A_202 [0] : vector<256x2048xf32> to vector<2048xf32>
    %broadcast_in_dim3A_204 = vector.shape_cast %reduce_sum3A_203 : vector<2048xf32> to vector<1x2048xf32>
    %mul3A_205 = arith.mulf %get3A_21, %get3A_31 : vector<256x2048xf32>
    %reduce_sum3A_206 = arith.constant dense<0.000000e+00> : vector<2048xf32>
    %reduce_sum3A_207 = vector.multi_reduction <add>, %mul3A_205, %reduce_sum3A_206 [0] : vector<256x2048xf32> to vector<2048xf32>
    %broadcast_in_dim3A_208 = vector.shape_cast %reduce_sum3A_207 : vector<2048xf32> to vector<1x2048xf32>
    %mul3A_209 = arith.mulf %get3A_21, %get3A_36 : vector<256x2048xf32>
    %reduce_sum3A_210 = arith.constant dense<0.000000e+00> : vector<2048xf32>
    %reduce_sum3A_211 = vector.multi_reduction <add>, %mul3A_209, %reduce_sum3A_210 [0] : vector<256x2048xf32> to vector<2048xf32>
    %broadcast_in_dim3A_212 = vector.shape_cast %reduce_sum3A_211 : vector<2048xf32> to vector<1x2048xf32>
    %mul3A_213 = arith.mulf %get3A_21, %get3A_41 : vector<256x2048xf32>
    %reduce_sum3A_214 = arith.constant dense<0.000000e+00> : vector<2048xf32>
    %reduce_sum3A_215 = vector.multi_reduction <add>, %mul3A_213, %reduce_sum3A_214 [0] : vector<256x2048xf32> to vector<2048xf32>
    %broadcast_in_dim3A_216 = vector.shape_cast %reduce_sum3A_215 : vector<2048xf32> to vector<1x2048xf32>
    %mul3A_217 = arith.mulf %get3A_21, %get3A_46 : vector<256x2048xf32>
    %reduce_sum3A_218 = arith.constant dense<0.000000e+00> : vector<2048xf32>
    %reduce_sum3A_219 = vector.multi_reduction <add>, %mul3A_217, %reduce_sum3A_218 [0] : vector<256x2048xf32> to vector<2048xf32>
    %broadcast_in_dim3A_220 = vector.shape_cast %reduce_sum3A_219 : vector<2048xf32> to vector<1x2048xf32>
    %mul3A_221 = arith.mulf %get3A_21, %get3A_51 : vector<256x2048xf32>
    %reduce_sum3A_222 = arith.constant dense<0.000000e+00> : vector<2048xf32>
    %reduce_sum3A_223 = vector.multi_reduction <add>, %mul3A_221, %reduce_sum3A_222 [0] : vector<256x2048xf32> to vector<2048xf32>
    %broadcast_in_dim3A_224 = vector.shape_cast %reduce_sum3A_223 : vector<2048xf32> to vector<1x2048xf32>
    %mul3A_225 = arith.mulf %get3A_26, %get3A_26 : vector<256x2048xf32>
    %reduce_sum3A_226 = arith.constant dense<0.000000e+00> : vector<2048xf32>
    %reduce_sum3A_227 = vector.multi_reduction <add>, %mul3A_225, %reduce_sum3A_226 [0] : vector<256x2048xf32> to vector<2048xf32>
    %broadcast_in_dim3A_228 = vector.shape_cast %reduce_sum3A_227 : vector<2048xf32> to vector<1x2048xf32>
    %mul3A_229 = arith.mulf %get3A_26, %get3A_31 : vector<256x2048xf32>
    %reduce_sum3A_230 = arith.constant dense<0.000000e+00> : vector<2048xf32>
    %reduce_sum3A_231 = vector.multi_reduction <add>, %mul3A_229, %reduce_sum3A_230 [0] : vector<256x2048xf32> to vector<2048xf32>
    %broadcast_in_dim3A_232 = vector.shape_cast %reduce_sum3A_231 : vector<2048xf32> to vector<1x2048xf32>
    %mul3A_233 = arith.mulf %get3A_26, %get3A_36 : vector<256x2048xf32>
    %reduce_sum3A_234 = arith.constant dense<0.000000e+00> : vector<2048xf32>
    %reduce_sum3A_235 = vector.multi_reduction <add>, %mul3A_233, %reduce_sum3A_234 [0] : vector<256x2048xf32> to vector<2048xf32>
    %broadcast_in_dim3A_236 = vector.shape_cast %reduce_sum3A_235 : vector<2048xf32> to vector<1x2048xf32>
    %mul3A_237 = arith.mulf %get3A_26, %get3A_41 : vector<256x2048xf32>
    %reduce_sum3A_238 = arith.constant dense<0.000000e+00> : vector<2048xf32>
    %reduce_sum3A_239 = vector.multi_reduction <add>, %mul3A_237, %reduce_sum3A_238 [0] : vector<256x2048xf32> to vector<2048xf32>
    %broadcast_in_dim3A_240 = vector.shape_cast %reduce_sum3A_239 : vector<2048xf32> to vector<1x2048xf32>
    %mul3A_241 = arith.mulf %get3A_26, %get3A_46 : vector<256x2048xf32>
    %reduce_sum3A_242 = arith.constant dense<0.000000e+00> : vector<2048xf32>
    %reduce_sum3A_243 = vector.multi_reduction <add>, %mul3A_241, %reduce_sum3A_242 [0] : vector<256x2048xf32> to vector<2048xf32>
    %broadcast_in_dim3A_244 = vector.shape_cast %reduce_sum3A_243 : vector<2048xf32> to vector<1x2048xf32>
    %mul3A_245 = arith.mulf %get3A_26, %get3A_51 : vector<256x2048xf32>
    %reduce_sum3A_246 = arith.constant dense<0.000000e+00> : vector<2048xf32>
    %reduce_sum3A_247 = vector.multi_reduction <add>, %mul3A_245, %reduce_sum3A_246 [0] : vector<256x2048xf32> to vector<2048xf32>
    %broadcast_in_dim3A_248 = vector.shape_cast %reduce_sum3A_247 : vector<2048xf32> to vector<1x2048xf32>
    %mul3A_249 = arith.mulf %get3A_31, %get3A_31 : vector<256x2048xf32>
    %reduce_sum3A_250 = arith.constant dense<0.000000e+00> : vector<2048xf32>
    %reduce_sum3A_251 = vector.multi_reduction <add>, %mul3A_249, %reduce_sum3A_250 [0] : vector<256x2048xf32> to vector<2048xf32>
    %broadcast_in_dim3A_252 = vector.shape_cast %reduce_sum3A_251 : vector<2048xf32> to vector<1x2048xf32>
    %mul3A_253 = arith.mulf %get3A_31, %get3A_36 : vector<256x2048xf32>
    %reduce_sum3A_254 = arith.constant dense<0.000000e+00> : vector<2048xf32>
    %reduce_sum3A_255 = vector.multi_reduction <add>, %mul3A_253, %reduce_sum3A_254 [0] : vector<256x2048xf32> to vector<2048xf32>
    %broadcast_in_dim3A_256 = vector.shape_cast %reduce_sum3A_255 : vector<2048xf32> to vector<1x2048xf32>
    %mul3A_257 = arith.mulf %get3A_31, %get3A_41 : vector<256x2048xf32>
    %reduce_sum3A_258 = arith.constant dense<0.000000e+00> : vector<2048xf32>
    %reduce_sum3A_259 = vector.multi_reduction <add>, %mul3A_257, %reduce_sum3A_258 [0] : vector<256x2048xf32> to vector<2048xf32>
    %broadcast_in_dim3A_260 = vector.shape_cast %reduce_sum3A_259 : vector<2048xf32> to vector<1x2048xf32>
    %mul3A_261 = arith.mulf %get3A_31, %get3A_46 : vector<256x2048xf32>
    %reduce_sum3A_262 = arith.constant dense<0.000000e+00> : vector<2048xf32>
    %reduce_sum3A_263 = vector.multi_reduction <add>, %mul3A_261, %reduce_sum3A_262 [0] : vector<256x2048xf32> to vector<2048xf32>
    %broadcast_in_dim3A_264 = vector.shape_cast %reduce_sum3A_263 : vector<2048xf32> to vector<1x2048xf32>
    %mul3A_265 = arith.mulf %get3A_31, %get3A_51 : vector<256x2048xf32>
    %reduce_sum3A_266 = arith.constant dense<0.000000e+00> : vector<2048xf32>
    %reduce_sum3A_267 = vector.multi_reduction <add>, %mul3A_265, %reduce_sum3A_266 [0] : vector<256x2048xf32> to vector<2048xf32>
    %broadcast_in_dim3A_268 = vector.shape_cast %reduce_sum3A_267 : vector<2048xf32> to vector<1x2048xf32>
    %mul3A_269 = arith.mulf %get3A_36, %get3A_36 : vector<256x2048xf32>
    %reduce_sum3A_270 = arith.constant dense<0.000000e+00> : vector<2048xf32>
    %reduce_sum3A_271 = vector.multi_reduction <add>, %mul3A_269, %reduce_sum3A_270 [0] : vector<256x2048xf32> to vector<2048xf32>
    %broadcast_in_dim3A_272 = vector.shape_cast %reduce_sum3A_271 : vector<2048xf32> to vector<1x2048xf32>
    %mul3A_273 = arith.mulf %get3A_36, %get3A_41 : vector<256x2048xf32>
    %reduce_sum3A_274 = arith.constant dense<0.000000e+00> : vector<2048xf32>
    %reduce_sum3A_275 = vector.multi_reduction <add>, %mul3A_273, %reduce_sum3A_274 [0] : vector<256x2048xf32> to vector<2048xf32>
    %broadcast_in_dim3A_276 = vector.shape_cast %reduce_sum3A_275 : vector<2048xf32> to vector<1x2048xf32>
    %mul3A_277 = arith.mulf %get3A_36, %get3A_46 : vector<256x2048xf32>
    %reduce_sum3A_278 = arith.constant dense<0.000000e+00> : vector<2048xf32>
    %reduce_sum3A_279 = vector.multi_reduction <add>, %mul3A_277, %reduce_sum3A_278 [0] : vector<256x2048xf32> to vector<2048xf32>
    %broadcast_in_dim3A_280 = vector.shape_cast %reduce_sum3A_279 : vector<2048xf32> to vector<1x2048xf32>
    %mul3A_281 = arith.mulf %get3A_36, %get3A_51 : vector<256x2048xf32>
    %reduce_sum3A_282 = arith.constant dense<0.000000e+00> : vector<2048xf32>
    %reduce_sum3A_283 = vector.multi_reduction <add>, %mul3A_281, %reduce_sum3A_282 [0] : vector<256x2048xf32> to vector<2048xf32>
    %broadcast_in_dim3A_284 = vector.shape_cast %reduce_sum3A_283 : vector<2048xf32> to vector<1x2048xf32>
    %mul3A_285 = arith.mulf %get3A_41, %get3A_41 : vector<256x2048xf32>
    %reduce_sum3A_286 = arith.constant dense<0.000000e+00> : vector<2048xf32>
    %reduce_sum3A_287 = vector.multi_reduction <add>, %mul3A_285, %reduce_sum3A_286 [0] : vector<256x2048xf32> to vector<2048xf32>
    %broadcast_in_dim3A_288 = vector.shape_cast %reduce_sum3A_287 : vector<2048xf32> to vector<1x2048xf32>
    %mul3A_289 = arith.mulf %get3A_41, %get3A_46 : vector<256x2048xf32>
    %reduce_sum3A_290 = arith.constant dense<0.000000e+00> : vector<2048xf32>
    %reduce_sum3A_291 = vector.multi_reduction <add>, %mul3A_289, %reduce_sum3A_290 [0] : vector<256x2048xf32> to vector<2048xf32>
    %broadcast_in_dim3A_292 = vector.shape_cast %reduce_sum3A_291 : vector<2048xf32> to vector<1x2048xf32>
    %mul3A_293 = arith.mulf %get3A_41, %get3A_51 : vector<256x2048xf32>
    %reduce_sum3A_294 = arith.constant dense<0.000000e+00> : vector<2048xf32>
    %reduce_sum3A_295 = vector.multi_reduction <add>, %mul3A_293, %reduce_sum3A_294 [0] : vector<256x2048xf32> to vector<2048xf32>
    %broadcast_in_dim3A_296 = vector.shape_cast %reduce_sum3A_295 : vector<2048xf32> to vector<1x2048xf32>
    %mul3A_297 = arith.mulf %get3A_46, %get3A_46 : vector<256x2048xf32>
    %reduce_sum3A_298 = arith.constant dense<0.000000e+00> : vector<2048xf32>
    %reduce_sum3A_299 = vector.multi_reduction <add>, %mul3A_297, %reduce_sum3A_298 [0] : vector<256x2048xf32> to vector<2048xf32>
    %broadcast_in_dim3A_300 = vector.shape_cast %reduce_sum3A_299 : vector<2048xf32> to vector<1x2048xf32>
    %mul3A_301 = arith.mulf %get3A_46, %get3A_51 : vector<256x2048xf32>
    %reduce_sum3A_302 = arith.constant dense<0.000000e+00> : vector<2048xf32>
    %reduce_sum3A_303 = vector.multi_reduction <add>, %mul3A_301, %reduce_sum3A_302 [0] : vector<256x2048xf32> to vector<2048xf32>
    %broadcast_in_dim3A_304 = vector.shape_cast %reduce_sum3A_303 : vector<2048xf32> to vector<1x2048xf32>
    %mul3A_305 = arith.mulf %get3A_51, %get3A_51 : vector<256x2048xf32>
    %reduce_sum3A_306 = arith.constant dense<0.000000e+00> : vector<2048xf32>
    %reduce_sum3A_307 = vector.multi_reduction <add>, %mul3A_305, %reduce_sum3A_306 [0] : vector<256x2048xf32> to vector<2048xf32>
    %broadcast_in_dim3A_308 = vector.shape_cast %reduce_sum3A_307 : vector<2048xf32> to vector<1x2048xf32>
    %sub3A = arith.subf %broadcast_in_dim3A_132, %broadcast_in_dim3A_96 : vector<1x2048xf32>
    %sub3A_309 = arith.subf %sub3A, %broadcast_in_dim3A_96 : vector<1x2048xf32>
    %add3A = arith.addf %sub3A_309, %broadcast_in_dim3A_92 : vector<1x2048xf32>
    %sub3A_310 = arith.subf %broadcast_in_dim3A_136, %broadcast_in_dim3A_96 : vector<1x2048xf32>
    %sub3A_311 = arith.subf %sub3A_310, %broadcast_in_dim3A_100 : vector<1x2048xf32>
    %add3A_312 = arith.addf %sub3A_311, %broadcast_in_dim3A_92 : vector<1x2048xf32>
    %sub3A_313 = arith.subf %broadcast_in_dim3A_140, %broadcast_in_dim3A_96 : vector<1x2048xf32>
    %sub3A_314 = arith.subf %sub3A_313, %broadcast_in_dim3A_104 : vector<1x2048xf32>
    %add3A_315 = arith.addf %sub3A_314, %broadcast_in_dim3A_92 : vector<1x2048xf32>
    %sub3A_316 = arith.subf %broadcast_in_dim3A_144, %broadcast_in_dim3A_96 : vector<1x2048xf32>
    %sub3A_317 = arith.subf %sub3A_316, %broadcast_in_dim3A_108 : vector<1x2048xf32>
    %add3A_318 = arith.addf %sub3A_317, %broadcast_in_dim3A_92 : vector<1x2048xf32>
    %sub3A_319 = arith.subf %broadcast_in_dim3A_148, %broadcast_in_dim3A_96 : vector<1x2048xf32>
    %sub3A_320 = arith.subf %sub3A_319, %broadcast_in_dim3A_112 : vector<1x2048xf32>
    %add3A_321 = arith.addf %sub3A_320, %broadcast_in_dim3A_92 : vector<1x2048xf32>
    %sub3A_322 = arith.subf %broadcast_in_dim3A_152, %broadcast_in_dim3A_96 : vector<1x2048xf32>
    %sub3A_323 = arith.subf %sub3A_322, %broadcast_in_dim3A_116 : vector<1x2048xf32>
    %add3A_324 = arith.addf %sub3A_323, %broadcast_in_dim3A_92 : vector<1x2048xf32>
    %sub3A_325 = arith.subf %broadcast_in_dim3A_156, %broadcast_in_dim3A_96 : vector<1x2048xf32>
    %sub3A_326 = arith.subf %sub3A_325, %broadcast_in_dim3A_120 : vector<1x2048xf32>
    %add3A_327 = arith.addf %sub3A_326, %broadcast_in_dim3A_92 : vector<1x2048xf32>
    %sub3A_328 = arith.subf %broadcast_in_dim3A_160, %broadcast_in_dim3A_96 : vector<1x2048xf32>
    %sub3A_329 = arith.subf %sub3A_328, %broadcast_in_dim3A_124 : vector<1x2048xf32>
    %add3A_330 = arith.addf %sub3A_329, %broadcast_in_dim3A_92 : vector<1x2048xf32>
    %sub3A_331 = arith.subf %broadcast_in_dim3A_164, %broadcast_in_dim3A_96 : vector<1x2048xf32>
    %sub3A_332 = arith.subf %sub3A_331, %broadcast_in_dim3A_128 : vector<1x2048xf32>
    %add3A_333 = arith.addf %sub3A_332, %broadcast_in_dim3A_92 : vector<1x2048xf32>
    %sub3A_334 = arith.subf %broadcast_in_dim3A_136, %broadcast_in_dim3A_100 : vector<1x2048xf32>
    %sub3A_335 = arith.subf %sub3A_334, %broadcast_in_dim3A_96 : vector<1x2048xf32>
    %add3A_336 = arith.addf %sub3A_335, %broadcast_in_dim3A_92 : vector<1x2048xf32>
    %sub3A_337 = arith.subf %broadcast_in_dim3A_168, %broadcast_in_dim3A_100 : vector<1x2048xf32>
    %sub3A_338 = arith.subf %sub3A_337, %broadcast_in_dim3A_100 : vector<1x2048xf32>
    %add3A_339 = arith.addf %sub3A_338, %broadcast_in_dim3A_92 : vector<1x2048xf32>
    %sub3A_340 = arith.subf %broadcast_in_dim3A_172, %broadcast_in_dim3A_100 : vector<1x2048xf32>
    %sub3A_341 = arith.subf %sub3A_340, %broadcast_in_dim3A_104 : vector<1x2048xf32>
    %add3A_342 = arith.addf %sub3A_341, %broadcast_in_dim3A_92 : vector<1x2048xf32>
    %sub3A_343 = arith.subf %broadcast_in_dim3A_176, %broadcast_in_dim3A_100 : vector<1x2048xf32>
    %sub3A_344 = arith.subf %sub3A_343, %broadcast_in_dim3A_108 : vector<1x2048xf32>
    %add3A_345 = arith.addf %sub3A_344, %broadcast_in_dim3A_92 : vector<1x2048xf32>
    %sub3A_346 = arith.subf %broadcast_in_dim3A_180, %broadcast_in_dim3A_100 : vector<1x2048xf32>
    %sub3A_347 = arith.subf %sub3A_346, %broadcast_in_dim3A_112 : vector<1x2048xf32>
    %add3A_348 = arith.addf %sub3A_347, %broadcast_in_dim3A_92 : vector<1x2048xf32>
    %sub3A_349 = arith.subf %broadcast_in_dim3A_184, %broadcast_in_dim3A_100 : vector<1x2048xf32>
    %sub3A_350 = arith.subf %sub3A_349, %broadcast_in_dim3A_116 : vector<1x2048xf32>
    %add3A_351 = arith.addf %sub3A_350, %broadcast_in_dim3A_92 : vector<1x2048xf32>
    %sub3A_352 = arith.subf %broadcast_in_dim3A_188, %broadcast_in_dim3A_100 : vector<1x2048xf32>
    %sub3A_353 = arith.subf %sub3A_352, %broadcast_in_dim3A_120 : vector<1x2048xf32>
    %add3A_354 = arith.addf %sub3A_353, %broadcast_in_dim3A_92 : vector<1x2048xf32>
    %sub3A_355 = arith.subf %broadcast_in_dim3A_192, %broadcast_in_dim3A_100 : vector<1x2048xf32>
    %sub3A_356 = arith.subf %sub3A_355, %broadcast_in_dim3A_124 : vector<1x2048xf32>
    %add3A_357 = arith.addf %sub3A_356, %broadcast_in_dim3A_92 : vector<1x2048xf32>
    %sub3A_358 = arith.subf %broadcast_in_dim3A_196, %broadcast_in_dim3A_100 : vector<1x2048xf32>
    %sub3A_359 = arith.subf %sub3A_358, %broadcast_in_dim3A_128 : vector<1x2048xf32>
    %add3A_360 = arith.addf %sub3A_359, %broadcast_in_dim3A_92 : vector<1x2048xf32>
    %sub3A_361 = arith.subf %broadcast_in_dim3A_140, %broadcast_in_dim3A_104 : vector<1x2048xf32>
    %sub3A_362 = arith.subf %sub3A_361, %broadcast_in_dim3A_96 : vector<1x2048xf32>
    %add3A_363 = arith.addf %sub3A_362, %broadcast_in_dim3A_92 : vector<1x2048xf32>
    %sub3A_364 = arith.subf %broadcast_in_dim3A_172, %broadcast_in_dim3A_104 : vector<1x2048xf32>
    %sub3A_365 = arith.subf %sub3A_364, %broadcast_in_dim3A_100 : vector<1x2048xf32>
    %add3A_366 = arith.addf %sub3A_365, %broadcast_in_dim3A_92 : vector<1x2048xf32>
    %sub3A_367 = arith.subf %broadcast_in_dim3A_200, %broadcast_in_dim3A_104 : vector<1x2048xf32>
    %sub3A_368 = arith.subf %sub3A_367, %broadcast_in_dim3A_104 : vector<1x2048xf32>
    %add3A_369 = arith.addf %sub3A_368, %broadcast_in_dim3A_92 : vector<1x2048xf32>
    %sub3A_370 = arith.subf %broadcast_in_dim3A_204, %broadcast_in_dim3A_104 : vector<1x2048xf32>
    %sub3A_371 = arith.subf %sub3A_370, %broadcast_in_dim3A_108 : vector<1x2048xf32>
    %add3A_372 = arith.addf %sub3A_371, %broadcast_in_dim3A_92 : vector<1x2048xf32>
    %sub3A_373 = arith.subf %broadcast_in_dim3A_208, %broadcast_in_dim3A_104 : vector<1x2048xf32>
    %sub3A_374 = arith.subf %sub3A_373, %broadcast_in_dim3A_112 : vector<1x2048xf32>
    %add3A_375 = arith.addf %sub3A_374, %broadcast_in_dim3A_92 : vector<1x2048xf32>
    %sub3A_376 = arith.subf %broadcast_in_dim3A_212, %broadcast_in_dim3A_104 : vector<1x2048xf32>
    %sub3A_377 = arith.subf %sub3A_376, %broadcast_in_dim3A_116 : vector<1x2048xf32>
    %add3A_378 = arith.addf %sub3A_377, %broadcast_in_dim3A_92 : vector<1x2048xf32>
    %sub3A_379 = arith.subf %broadcast_in_dim3A_216, %broadcast_in_dim3A_104 : vector<1x2048xf32>
    %sub3A_380 = arith.subf %sub3A_379, %broadcast_in_dim3A_120 : vector<1x2048xf32>
    %add3A_381 = arith.addf %sub3A_380, %broadcast_in_dim3A_92 : vector<1x2048xf32>
    %sub3A_382 = arith.subf %broadcast_in_dim3A_220, %broadcast_in_dim3A_104 : vector<1x2048xf32>
    %sub3A_383 = arith.subf %sub3A_382, %broadcast_in_dim3A_124 : vector<1x2048xf32>
    %add3A_384 = arith.addf %sub3A_383, %broadcast_in_dim3A_92 : vector<1x2048xf32>
    %sub3A_385 = arith.subf %broadcast_in_dim3A_224, %broadcast_in_dim3A_104 : vector<1x2048xf32>
    %sub3A_386 = arith.subf %sub3A_385, %broadcast_in_dim3A_128 : vector<1x2048xf32>
    %add3A_387 = arith.addf %sub3A_386, %broadcast_in_dim3A_92 : vector<1x2048xf32>
    %sub3A_388 = arith.subf %broadcast_in_dim3A_144, %broadcast_in_dim3A_108 : vector<1x2048xf32>
    %sub3A_389 = arith.subf %sub3A_388, %broadcast_in_dim3A_96 : vector<1x2048xf32>
    %add3A_390 = arith.addf %sub3A_389, %broadcast_in_dim3A_92 : vector<1x2048xf32>
    %sub3A_391 = arith.subf %broadcast_in_dim3A_176, %broadcast_in_dim3A_108 : vector<1x2048xf32>
    %sub3A_392 = arith.subf %sub3A_391, %broadcast_in_dim3A_100 : vector<1x2048xf32>
    %add3A_393 = arith.addf %sub3A_392, %broadcast_in_dim3A_92 : vector<1x2048xf32>
    %sub3A_394 = arith.subf %broadcast_in_dim3A_204, %broadcast_in_dim3A_108 : vector<1x2048xf32>
    %sub3A_395 = arith.subf %sub3A_394, %broadcast_in_dim3A_104 : vector<1x2048xf32>
    %add3A_396 = arith.addf %sub3A_395, %broadcast_in_dim3A_92 : vector<1x2048xf32>
    %sub3A_397 = arith.subf %broadcast_in_dim3A_228, %broadcast_in_dim3A_108 : vector<1x2048xf32>
    %sub3A_398 = arith.subf %sub3A_397, %broadcast_in_dim3A_108 : vector<1x2048xf32>
    %add3A_399 = arith.addf %sub3A_398, %broadcast_in_dim3A_92 : vector<1x2048xf32>
    %sub3A_400 = arith.subf %broadcast_in_dim3A_232, %broadcast_in_dim3A_108 : vector<1x2048xf32>
    %sub3A_401 = arith.subf %sub3A_400, %broadcast_in_dim3A_112 : vector<1x2048xf32>
    %add3A_402 = arith.addf %sub3A_401, %broadcast_in_dim3A_92 : vector<1x2048xf32>
    %sub3A_403 = arith.subf %broadcast_in_dim3A_236, %broadcast_in_dim3A_108 : vector<1x2048xf32>
    %sub3A_404 = arith.subf %sub3A_403, %broadcast_in_dim3A_116 : vector<1x2048xf32>
    %add3A_405 = arith.addf %sub3A_404, %broadcast_in_dim3A_92 : vector<1x2048xf32>
    %sub3A_406 = arith.subf %broadcast_in_dim3A_240, %broadcast_in_dim3A_108 : vector<1x2048xf32>
    %sub3A_407 = arith.subf %sub3A_406, %broadcast_in_dim3A_120 : vector<1x2048xf32>
    %add3A_408 = arith.addf %sub3A_407, %broadcast_in_dim3A_92 : vector<1x2048xf32>
    %sub3A_409 = arith.subf %broadcast_in_dim3A_244, %broadcast_in_dim3A_108 : vector<1x2048xf32>
    %sub3A_410 = arith.subf %sub3A_409, %broadcast_in_dim3A_124 : vector<1x2048xf32>
    %add3A_411 = arith.addf %sub3A_410, %broadcast_in_dim3A_92 : vector<1x2048xf32>
    %sub3A_412 = arith.subf %broadcast_in_dim3A_248, %broadcast_in_dim3A_108 : vector<1x2048xf32>
    %sub3A_413 = arith.subf %sub3A_412, %broadcast_in_dim3A_128 : vector<1x2048xf32>
    %add3A_414 = arith.addf %sub3A_413, %broadcast_in_dim3A_92 : vector<1x2048xf32>
    %sub3A_415 = arith.subf %broadcast_in_dim3A_148, %broadcast_in_dim3A_112 : vector<1x2048xf32>
    %sub3A_416 = arith.subf %sub3A_415, %broadcast_in_dim3A_96 : vector<1x2048xf32>
    %add3A_417 = arith.addf %sub3A_416, %broadcast_in_dim3A_92 : vector<1x2048xf32>
    %sub3A_418 = arith.subf %broadcast_in_dim3A_180, %broadcast_in_dim3A_112 : vector<1x2048xf32>
    %sub3A_419 = arith.subf %sub3A_418, %broadcast_in_dim3A_100 : vector<1x2048xf32>
    %add3A_420 = arith.addf %sub3A_419, %broadcast_in_dim3A_92 : vector<1x2048xf32>
    %sub3A_421 = arith.subf %broadcast_in_dim3A_208, %broadcast_in_dim3A_112 : vector<1x2048xf32>
    %sub3A_422 = arith.subf %sub3A_421, %broadcast_in_dim3A_104 : vector<1x2048xf32>
    %add3A_423 = arith.addf %sub3A_422, %broadcast_in_dim3A_92 : vector<1x2048xf32>
    %sub3A_424 = arith.subf %broadcast_in_dim3A_232, %broadcast_in_dim3A_112 : vector<1x2048xf32>
    %sub3A_425 = arith.subf %sub3A_424, %broadcast_in_dim3A_108 : vector<1x2048xf32>
    %add3A_426 = arith.addf %sub3A_425, %broadcast_in_dim3A_92 : vector<1x2048xf32>
    %sub3A_427 = arith.subf %broadcast_in_dim3A_252, %broadcast_in_dim3A_112 : vector<1x2048xf32>
    %sub3A_428 = arith.subf %sub3A_427, %broadcast_in_dim3A_112 : vector<1x2048xf32>
    %add3A_429 = arith.addf %sub3A_428, %broadcast_in_dim3A_92 : vector<1x2048xf32>
    %sub3A_430 = arith.subf %broadcast_in_dim3A_256, %broadcast_in_dim3A_112 : vector<1x2048xf32>
    %sub3A_431 = arith.subf %sub3A_430, %broadcast_in_dim3A_116 : vector<1x2048xf32>
    %add3A_432 = arith.addf %sub3A_431, %broadcast_in_dim3A_92 : vector<1x2048xf32>
    %sub3A_433 = arith.subf %broadcast_in_dim3A_260, %broadcast_in_dim3A_112 : vector<1x2048xf32>
    %sub3A_434 = arith.subf %sub3A_433, %broadcast_in_dim3A_120 : vector<1x2048xf32>
    %add3A_435 = arith.addf %sub3A_434, %broadcast_in_dim3A_92 : vector<1x2048xf32>
    %sub3A_436 = arith.subf %broadcast_in_dim3A_264, %broadcast_in_dim3A_112 : vector<1x2048xf32>
    %sub3A_437 = arith.subf %sub3A_436, %broadcast_in_dim3A_124 : vector<1x2048xf32>
    %add3A_438 = arith.addf %sub3A_437, %broadcast_in_dim3A_92 : vector<1x2048xf32>
    %sub3A_439 = arith.subf %broadcast_in_dim3A_268, %broadcast_in_dim3A_112 : vector<1x2048xf32>
    %sub3A_440 = arith.subf %sub3A_439, %broadcast_in_dim3A_128 : vector<1x2048xf32>
    %add3A_441 = arith.addf %sub3A_440, %broadcast_in_dim3A_92 : vector<1x2048xf32>
    %sub3A_442 = arith.subf %broadcast_in_dim3A_152, %broadcast_in_dim3A_116 : vector<1x2048xf32>
    %sub3A_443 = arith.subf %sub3A_442, %broadcast_in_dim3A_96 : vector<1x2048xf32>
    %add3A_444 = arith.addf %sub3A_443, %broadcast_in_dim3A_92 : vector<1x2048xf32>
    %sub3A_445 = arith.subf %broadcast_in_dim3A_184, %broadcast_in_dim3A_116 : vector<1x2048xf32>
    %sub3A_446 = arith.subf %sub3A_445, %broadcast_in_dim3A_100 : vector<1x2048xf32>
    %add3A_447 = arith.addf %sub3A_446, %broadcast_in_dim3A_92 : vector<1x2048xf32>
    %sub3A_448 = arith.subf %broadcast_in_dim3A_212, %broadcast_in_dim3A_116 : vector<1x2048xf32>
    %sub3A_449 = arith.subf %sub3A_448, %broadcast_in_dim3A_104 : vector<1x2048xf32>
    %add3A_450 = arith.addf %sub3A_449, %broadcast_in_dim3A_92 : vector<1x2048xf32>
    %sub3A_451 = arith.subf %broadcast_in_dim3A_236, %broadcast_in_dim3A_116 : vector<1x2048xf32>
    %sub3A_452 = arith.subf %sub3A_451, %broadcast_in_dim3A_108 : vector<1x2048xf32>
    %add3A_453 = arith.addf %sub3A_452, %broadcast_in_dim3A_92 : vector<1x2048xf32>
    %sub3A_454 = arith.subf %broadcast_in_dim3A_256, %broadcast_in_dim3A_116 : vector<1x2048xf32>
    %sub3A_455 = arith.subf %sub3A_454, %broadcast_in_dim3A_112 : vector<1x2048xf32>
    %add3A_456 = arith.addf %sub3A_455, %broadcast_in_dim3A_92 : vector<1x2048xf32>
    %sub3A_457 = arith.subf %broadcast_in_dim3A_272, %broadcast_in_dim3A_116 : vector<1x2048xf32>
    %sub3A_458 = arith.subf %sub3A_457, %broadcast_in_dim3A_116 : vector<1x2048xf32>
    %add3A_459 = arith.addf %sub3A_458, %broadcast_in_dim3A_92 : vector<1x2048xf32>
    %sub3A_460 = arith.subf %broadcast_in_dim3A_276, %broadcast_in_dim3A_116 : vector<1x2048xf32>
    %sub3A_461 = arith.subf %sub3A_460, %broadcast_in_dim3A_120 : vector<1x2048xf32>
    %add3A_462 = arith.addf %sub3A_461, %broadcast_in_dim3A_92 : vector<1x2048xf32>
    %sub3A_463 = arith.subf %broadcast_in_dim3A_280, %broadcast_in_dim3A_116 : vector<1x2048xf32>
    %sub3A_464 = arith.subf %sub3A_463, %broadcast_in_dim3A_124 : vector<1x2048xf32>
    %add3A_465 = arith.addf %sub3A_464, %broadcast_in_dim3A_92 : vector<1x2048xf32>
    %sub3A_466 = arith.subf %broadcast_in_dim3A_284, %broadcast_in_dim3A_116 : vector<1x2048xf32>
    %sub3A_467 = arith.subf %sub3A_466, %broadcast_in_dim3A_128 : vector<1x2048xf32>
    %add3A_468 = arith.addf %sub3A_467, %broadcast_in_dim3A_92 : vector<1x2048xf32>
    %sub3A_469 = arith.subf %broadcast_in_dim3A_156, %broadcast_in_dim3A_120 : vector<1x2048xf32>
    %sub3A_470 = arith.subf %sub3A_469, %broadcast_in_dim3A_96 : vector<1x2048xf32>
    %add3A_471 = arith.addf %sub3A_470, %broadcast_in_dim3A_92 : vector<1x2048xf32>
    %sub3A_472 = arith.subf %broadcast_in_dim3A_188, %broadcast_in_dim3A_120 : vector<1x2048xf32>
    %sub3A_473 = arith.subf %sub3A_472, %broadcast_in_dim3A_100 : vector<1x2048xf32>
    %add3A_474 = arith.addf %sub3A_473, %broadcast_in_dim3A_92 : vector<1x2048xf32>
    %sub3A_475 = arith.subf %broadcast_in_dim3A_216, %broadcast_in_dim3A_120 : vector<1x2048xf32>
    %sub3A_476 = arith.subf %sub3A_475, %broadcast_in_dim3A_104 : vector<1x2048xf32>
    %add3A_477 = arith.addf %sub3A_476, %broadcast_in_dim3A_92 : vector<1x2048xf32>
    %sub3A_478 = arith.subf %broadcast_in_dim3A_240, %broadcast_in_dim3A_120 : vector<1x2048xf32>
    %sub3A_479 = arith.subf %sub3A_478, %broadcast_in_dim3A_108 : vector<1x2048xf32>
    %add3A_480 = arith.addf %sub3A_479, %broadcast_in_dim3A_92 : vector<1x2048xf32>
    %sub3A_481 = arith.subf %broadcast_in_dim3A_260, %broadcast_in_dim3A_120 : vector<1x2048xf32>
    %sub3A_482 = arith.subf %sub3A_481, %broadcast_in_dim3A_112 : vector<1x2048xf32>
    %add3A_483 = arith.addf %sub3A_482, %broadcast_in_dim3A_92 : vector<1x2048xf32>
    %sub3A_484 = arith.subf %broadcast_in_dim3A_276, %broadcast_in_dim3A_120 : vector<1x2048xf32>
    %sub3A_485 = arith.subf %sub3A_484, %broadcast_in_dim3A_116 : vector<1x2048xf32>
    %add3A_486 = arith.addf %sub3A_485, %broadcast_in_dim3A_92 : vector<1x2048xf32>
    %sub3A_487 = arith.subf %broadcast_in_dim3A_288, %broadcast_in_dim3A_120 : vector<1x2048xf32>
    %sub3A_488 = arith.subf %sub3A_487, %broadcast_in_dim3A_120 : vector<1x2048xf32>
    %add3A_489 = arith.addf %sub3A_488, %broadcast_in_dim3A_92 : vector<1x2048xf32>
    %sub3A_490 = arith.subf %broadcast_in_dim3A_292, %broadcast_in_dim3A_120 : vector<1x2048xf32>
    %sub3A_491 = arith.subf %sub3A_490, %broadcast_in_dim3A_124 : vector<1x2048xf32>
    %add3A_492 = arith.addf %sub3A_491, %broadcast_in_dim3A_92 : vector<1x2048xf32>
    %sub3A_493 = arith.subf %broadcast_in_dim3A_296, %broadcast_in_dim3A_120 : vector<1x2048xf32>
    %sub3A_494 = arith.subf %sub3A_493, %broadcast_in_dim3A_128 : vector<1x2048xf32>
    %add3A_495 = arith.addf %sub3A_494, %broadcast_in_dim3A_92 : vector<1x2048xf32>
    %sub3A_496 = arith.subf %broadcast_in_dim3A_160, %broadcast_in_dim3A_124 : vector<1x2048xf32>
    %sub3A_497 = arith.subf %sub3A_496, %broadcast_in_dim3A_96 : vector<1x2048xf32>
    %add3A_498 = arith.addf %sub3A_497, %broadcast_in_dim3A_92 : vector<1x2048xf32>
    %sub3A_499 = arith.subf %broadcast_in_dim3A_192, %broadcast_in_dim3A_124 : vector<1x2048xf32>
    %sub3A_500 = arith.subf %sub3A_499, %broadcast_in_dim3A_100 : vector<1x2048xf32>
    %add3A_501 = arith.addf %sub3A_500, %broadcast_in_dim3A_92 : vector<1x2048xf32>
    %sub3A_502 = arith.subf %broadcast_in_dim3A_220, %broadcast_in_dim3A_124 : vector<1x2048xf32>
    %sub3A_503 = arith.subf %sub3A_502, %broadcast_in_dim3A_104 : vector<1x2048xf32>
    %add3A_504 = arith.addf %sub3A_503, %broadcast_in_dim3A_92 : vector<1x2048xf32>
    %sub3A_505 = arith.subf %broadcast_in_dim3A_244, %broadcast_in_dim3A_124 : vector<1x2048xf32>
    %sub3A_506 = arith.subf %sub3A_505, %broadcast_in_dim3A_108 : vector<1x2048xf32>
    %add3A_507 = arith.addf %sub3A_506, %broadcast_in_dim3A_92 : vector<1x2048xf32>
    %sub3A_508 = arith.subf %broadcast_in_dim3A_264, %broadcast_in_dim3A_124 : vector<1x2048xf32>
    %sub3A_509 = arith.subf %sub3A_508, %broadcast_in_dim3A_112 : vector<1x2048xf32>
    %add3A_510 = arith.addf %sub3A_509, %broadcast_in_dim3A_92 : vector<1x2048xf32>
    %sub3A_511 = arith.subf %broadcast_in_dim3A_280, %broadcast_in_dim3A_124 : vector<1x2048xf32>
    %sub3A_512 = arith.subf %sub3A_511, %broadcast_in_dim3A_116 : vector<1x2048xf32>
    %add3A_513 = arith.addf %sub3A_512, %broadcast_in_dim3A_92 : vector<1x2048xf32>
    %sub3A_514 = arith.subf %broadcast_in_dim3A_292, %broadcast_in_dim3A_124 : vector<1x2048xf32>
    %sub3A_515 = arith.subf %sub3A_514, %broadcast_in_dim3A_120 : vector<1x2048xf32>
    %add3A_516 = arith.addf %sub3A_515, %broadcast_in_dim3A_92 : vector<1x2048xf32>
    %sub3A_517 = arith.subf %broadcast_in_dim3A_300, %broadcast_in_dim3A_124 : vector<1x2048xf32>
    %sub3A_518 = arith.subf %sub3A_517, %broadcast_in_dim3A_124 : vector<1x2048xf32>
    %add3A_519 = arith.addf %sub3A_518, %broadcast_in_dim3A_92 : vector<1x2048xf32>
    %sub3A_520 = arith.subf %broadcast_in_dim3A_304, %broadcast_in_dim3A_124 : vector<1x2048xf32>
    %sub3A_521 = arith.subf %sub3A_520, %broadcast_in_dim3A_128 : vector<1x2048xf32>
    %add3A_522 = arith.addf %sub3A_521, %broadcast_in_dim3A_92 : vector<1x2048xf32>
    %sub3A_523 = arith.subf %broadcast_in_dim3A_164, %broadcast_in_dim3A_128 : vector<1x2048xf32>
    %sub3A_524 = arith.subf %sub3A_523, %broadcast_in_dim3A_96 : vector<1x2048xf32>
    %add3A_525 = arith.addf %sub3A_524, %broadcast_in_dim3A_92 : vector<1x2048xf32>
    %sub3A_526 = arith.subf %broadcast_in_dim3A_196, %broadcast_in_dim3A_128 : vector<1x2048xf32>
    %sub3A_527 = arith.subf %sub3A_526, %broadcast_in_dim3A_100 : vector<1x2048xf32>
    %add3A_528 = arith.addf %sub3A_527, %broadcast_in_dim3A_92 : vector<1x2048xf32>
    %sub3A_529 = arith.subf %broadcast_in_dim3A_224, %broadcast_in_dim3A_128 : vector<1x2048xf32>
    %sub3A_530 = arith.subf %sub3A_529, %broadcast_in_dim3A_104 : vector<1x2048xf32>
    %add3A_531 = arith.addf %sub3A_530, %broadcast_in_dim3A_92 : vector<1x2048xf32>
    %sub3A_532 = arith.subf %broadcast_in_dim3A_248, %broadcast_in_dim3A_128 : vector<1x2048xf32>
    %sub3A_533 = arith.subf %sub3A_532, %broadcast_in_dim3A_108 : vector<1x2048xf32>
    %add3A_534 = arith.addf %sub3A_533, %broadcast_in_dim3A_92 : vector<1x2048xf32>
    %sub3A_535 = arith.subf %broadcast_in_dim3A_268, %broadcast_in_dim3A_128 : vector<1x2048xf32>
    %sub3A_536 = arith.subf %sub3A_535, %broadcast_in_dim3A_112 : vector<1x2048xf32>
    %add3A_537 = arith.addf %sub3A_536, %broadcast_in_dim3A_92 : vector<1x2048xf32>
    %sub3A_538 = arith.subf %broadcast_in_dim3A_284, %broadcast_in_dim3A_128 : vector<1x2048xf32>
    %sub3A_539 = arith.subf %sub3A_538, %broadcast_in_dim3A_116 : vector<1x2048xf32>
    %add3A_540 = arith.addf %sub3A_539, %broadcast_in_dim3A_92 : vector<1x2048xf32>
    %sub3A_541 = arith.subf %broadcast_in_dim3A_296, %broadcast_in_dim3A_128 : vector<1x2048xf32>
    %sub3A_542 = arith.subf %sub3A_541, %broadcast_in_dim3A_120 : vector<1x2048xf32>
    %add3A_543 = arith.addf %sub3A_542, %broadcast_in_dim3A_92 : vector<1x2048xf32>
    %sub3A_544 = arith.subf %broadcast_in_dim3A_304, %broadcast_in_dim3A_128 : vector<1x2048xf32>
    %sub3A_545 = arith.subf %sub3A_544, %broadcast_in_dim3A_124 : vector<1x2048xf32>
    %add3A_546 = arith.addf %sub3A_545, %broadcast_in_dim3A_92 : vector<1x2048xf32>
    %sub3A_547 = arith.subf %broadcast_in_dim3A_308, %broadcast_in_dim3A_128 : vector<1x2048xf32>
    %sub3A_548 = arith.subf %sub3A_547, %broadcast_in_dim3A_128 : vector<1x2048xf32>
    %add3A_549 = arith.addf %sub3A_548, %broadcast_in_dim3A_92 : vector<1x2048xf32>
    %sub3A_550 = arith.subf %broadcast_in_dim3A_56, %broadcast_in_dim3A : vector<1x2048xf32>
    %sub3A_551 = arith.subf %sub3A_550, %broadcast_in_dim3A_96 : vector<1x2048xf32>
    %add3A_552 = arith.addf %sub3A_551, %broadcast_in_dim3A_92 : vector<1x2048xf32>
    %sub3A_553 = arith.subf %broadcast_in_dim3A_60, %broadcast_in_dim3A : vector<1x2048xf32>
    %sub3A_554 = arith.subf %sub3A_553, %broadcast_in_dim3A_100 : vector<1x2048xf32>
    %add3A_555 = arith.addf %sub3A_554, %broadcast_in_dim3A_92 : vector<1x2048xf32>
    %sub3A_556 = arith.subf %broadcast_in_dim3A_64, %broadcast_in_dim3A : vector<1x2048xf32>
    %sub3A_557 = arith.subf %sub3A_556, %broadcast_in_dim3A_104 : vector<1x2048xf32>
    %add3A_558 = arith.addf %sub3A_557, %broadcast_in_dim3A_92 : vector<1x2048xf32>
    %sub3A_559 = arith.subf %broadcast_in_dim3A_68, %broadcast_in_dim3A : vector<1x2048xf32>
    %sub3A_560 = arith.subf %sub3A_559, %broadcast_in_dim3A_108 : vector<1x2048xf32>
    %add3A_561 = arith.addf %sub3A_560, %broadcast_in_dim3A_92 : vector<1x2048xf32>
    %sub3A_562 = arith.subf %broadcast_in_dim3A_72, %broadcast_in_dim3A : vector<1x2048xf32>
    %sub3A_563 = arith.subf %sub3A_562, %broadcast_in_dim3A_112 : vector<1x2048xf32>
    %add3A_564 = arith.addf %sub3A_563, %broadcast_in_dim3A_92 : vector<1x2048xf32>
    %sub3A_565 = arith.subf %broadcast_in_dim3A_76, %broadcast_in_dim3A : vector<1x2048xf32>
    %sub3A_566 = arith.subf %sub3A_565, %broadcast_in_dim3A_116 : vector<1x2048xf32>
    %add3A_567 = arith.addf %sub3A_566, %broadcast_in_dim3A_92 : vector<1x2048xf32>
    %sub3A_568 = arith.subf %broadcast_in_dim3A_80, %broadcast_in_dim3A : vector<1x2048xf32>
    %sub3A_569 = arith.subf %sub3A_568, %broadcast_in_dim3A_120 : vector<1x2048xf32>
    %add3A_570 = arith.addf %sub3A_569, %broadcast_in_dim3A_92 : vector<1x2048xf32>
    %sub3A_571 = arith.subf %broadcast_in_dim3A_84, %broadcast_in_dim3A : vector<1x2048xf32>
    %sub3A_572 = arith.subf %sub3A_571, %broadcast_in_dim3A_124 : vector<1x2048xf32>
    %add3A_573 = arith.addf %sub3A_572, %broadcast_in_dim3A_92 : vector<1x2048xf32>
    %sub3A_574 = arith.subf %broadcast_in_dim3A_88, %broadcast_in_dim3A : vector<1x2048xf32>
    %sub3A_575 = arith.subf %sub3A_574, %broadcast_in_dim3A_128 : vector<1x2048xf32>
    %add3A_576 = arith.addf %sub3A_575, %broadcast_in_dim3A_92 : vector<1x2048xf32>
    %div3A = arith.constant 1.000000e+00 : f32
    %div3A_577 = vector.broadcast %div3A : f32 to vector<1x2048xf32>
    %div3A_578 = arith.divf %div3A_577, %add3A : vector<1x2048xf32>
    %mul3A_579 = arith.mulf %add3A_336, %div3A_578 : vector<1x2048xf32>
    %mul3A_580 = arith.mulf %mul3A_579, %add3A_312 : vector<1x2048xf32>
    %sub3A_581 = arith.subf %add3A_339, %mul3A_580 : vector<1x2048xf32>
    %mul3A_582 = arith.mulf %mul3A_579, %add3A_315 : vector<1x2048xf32>
    %sub3A_583 = arith.subf %add3A_342, %mul3A_582 : vector<1x2048xf32>
    %mul3A_584 = arith.mulf %mul3A_579, %add3A_318 : vector<1x2048xf32>
    %sub3A_585 = arith.subf %add3A_345, %mul3A_584 : vector<1x2048xf32>
    %mul3A_586 = arith.mulf %mul3A_579, %add3A_321 : vector<1x2048xf32>
    %sub3A_587 = arith.subf %add3A_348, %mul3A_586 : vector<1x2048xf32>
    %mul3A_588 = arith.mulf %mul3A_579, %add3A_324 : vector<1x2048xf32>
    %sub3A_589 = arith.subf %add3A_351, %mul3A_588 : vector<1x2048xf32>
    %mul3A_590 = arith.mulf %mul3A_579, %add3A_327 : vector<1x2048xf32>
    %sub3A_591 = arith.subf %add3A_354, %mul3A_590 : vector<1x2048xf32>
    %mul3A_592 = arith.mulf %mul3A_579, %add3A_330 : vector<1x2048xf32>
    %sub3A_593 = arith.subf %add3A_357, %mul3A_592 : vector<1x2048xf32>
    %mul3A_594 = arith.mulf %mul3A_579, %add3A_333 : vector<1x2048xf32>
    %sub3A_595 = arith.subf %add3A_360, %mul3A_594 : vector<1x2048xf32>
    %mul3A_596 = arith.mulf %mul3A_579, %add3A_552 : vector<1x2048xf32>
    %sub3A_597 = arith.subf %add3A_555, %mul3A_596 : vector<1x2048xf32>
    %mul3A_598 = arith.mulf %add3A_363, %div3A_578 : vector<1x2048xf32>
    %mul3A_599 = arith.mulf %mul3A_598, %add3A_312 : vector<1x2048xf32>
    %sub3A_600 = arith.subf %add3A_366, %mul3A_599 : vector<1x2048xf32>
    %mul3A_601 = arith.mulf %mul3A_598, %add3A_315 : vector<1x2048xf32>
    %sub3A_602 = arith.subf %add3A_369, %mul3A_601 : vector<1x2048xf32>
    %mul3A_603 = arith.mulf %mul3A_598, %add3A_318 : vector<1x2048xf32>
    %sub3A_604 = arith.subf %add3A_372, %mul3A_603 : vector<1x2048xf32>
    %mul3A_605 = arith.mulf %mul3A_598, %add3A_321 : vector<1x2048xf32>
    %sub3A_606 = arith.subf %add3A_375, %mul3A_605 : vector<1x2048xf32>
    %mul3A_607 = arith.mulf %mul3A_598, %add3A_324 : vector<1x2048xf32>
    %sub3A_608 = arith.subf %add3A_378, %mul3A_607 : vector<1x2048xf32>
    %mul3A_609 = arith.mulf %mul3A_598, %add3A_327 : vector<1x2048xf32>
    %sub3A_610 = arith.subf %add3A_381, %mul3A_609 : vector<1x2048xf32>
    %mul3A_611 = arith.mulf %mul3A_598, %add3A_330 : vector<1x2048xf32>
    %sub3A_612 = arith.subf %add3A_384, %mul3A_611 : vector<1x2048xf32>
    %mul3A_613 = arith.mulf %mul3A_598, %add3A_333 : vector<1x2048xf32>
    %sub3A_614 = arith.subf %add3A_387, %mul3A_613 : vector<1x2048xf32>
    %mul3A_615 = arith.mulf %mul3A_598, %add3A_552 : vector<1x2048xf32>
    %sub3A_616 = arith.subf %add3A_558, %mul3A_615 : vector<1x2048xf32>
    %mul3A_617 = arith.mulf %add3A_390, %div3A_578 : vector<1x2048xf32>
    %mul3A_618 = arith.mulf %mul3A_617, %add3A_312 : vector<1x2048xf32>
    %sub3A_619 = arith.subf %add3A_393, %mul3A_618 : vector<1x2048xf32>
    %mul3A_620 = arith.mulf %mul3A_617, %add3A_315 : vector<1x2048xf32>
    %sub3A_621 = arith.subf %add3A_396, %mul3A_620 : vector<1x2048xf32>
    %mul3A_622 = arith.mulf %mul3A_617, %add3A_318 : vector<1x2048xf32>
    %sub3A_623 = arith.subf %add3A_399, %mul3A_622 : vector<1x2048xf32>
    %mul3A_624 = arith.mulf %mul3A_617, %add3A_321 : vector<1x2048xf32>
    %sub3A_625 = arith.subf %add3A_402, %mul3A_624 : vector<1x2048xf32>
    %mul3A_626 = arith.mulf %mul3A_617, %add3A_324 : vector<1x2048xf32>
    %sub3A_627 = arith.subf %add3A_405, %mul3A_626 : vector<1x2048xf32>
    %mul3A_628 = arith.mulf %mul3A_617, %add3A_327 : vector<1x2048xf32>
    %sub3A_629 = arith.subf %add3A_408, %mul3A_628 : vector<1x2048xf32>
    %mul3A_630 = arith.mulf %mul3A_617, %add3A_330 : vector<1x2048xf32>
    %sub3A_631 = arith.subf %add3A_411, %mul3A_630 : vector<1x2048xf32>
    %mul3A_632 = arith.mulf %mul3A_617, %add3A_333 : vector<1x2048xf32>
    %sub3A_633 = arith.subf %add3A_414, %mul3A_632 : vector<1x2048xf32>
    %mul3A_634 = arith.mulf %mul3A_617, %add3A_552 : vector<1x2048xf32>
    %sub3A_635 = arith.subf %add3A_561, %mul3A_634 : vector<1x2048xf32>
    %mul3A_636 = arith.mulf %add3A_417, %div3A_578 : vector<1x2048xf32>
    %mul3A_637 = arith.mulf %mul3A_636, %add3A_312 : vector<1x2048xf32>
    %sub3A_638 = arith.subf %add3A_420, %mul3A_637 : vector<1x2048xf32>
    %mul3A_639 = arith.mulf %mul3A_636, %add3A_315 : vector<1x2048xf32>
    %sub3A_640 = arith.subf %add3A_423, %mul3A_639 : vector<1x2048xf32>
    %mul3A_641 = arith.mulf %mul3A_636, %add3A_318 : vector<1x2048xf32>
    %sub3A_642 = arith.subf %add3A_426, %mul3A_641 : vector<1x2048xf32>
    %mul3A_643 = arith.mulf %mul3A_636, %add3A_321 : vector<1x2048xf32>
    %sub3A_644 = arith.subf %add3A_429, %mul3A_643 : vector<1x2048xf32>
    %mul3A_645 = arith.mulf %mul3A_636, %add3A_324 : vector<1x2048xf32>
    %sub3A_646 = arith.subf %add3A_432, %mul3A_645 : vector<1x2048xf32>
    %mul3A_647 = arith.mulf %mul3A_636, %add3A_327 : vector<1x2048xf32>
    %sub3A_648 = arith.subf %add3A_435, %mul3A_647 : vector<1x2048xf32>
    %mul3A_649 = arith.mulf %mul3A_636, %add3A_330 : vector<1x2048xf32>
    %sub3A_650 = arith.subf %add3A_438, %mul3A_649 : vector<1x2048xf32>
    %mul3A_651 = arith.mulf %mul3A_636, %add3A_333 : vector<1x2048xf32>
    %sub3A_652 = arith.subf %add3A_441, %mul3A_651 : vector<1x2048xf32>
    %mul3A_653 = arith.mulf %mul3A_636, %add3A_552 : vector<1x2048xf32>
    %sub3A_654 = arith.subf %add3A_564, %mul3A_653 : vector<1x2048xf32>
    %mul3A_655 = arith.mulf %add3A_444, %div3A_578 : vector<1x2048xf32>
    %mul3A_656 = arith.mulf %mul3A_655, %add3A_312 : vector<1x2048xf32>
    %sub3A_657 = arith.subf %add3A_447, %mul3A_656 : vector<1x2048xf32>
    %mul3A_658 = arith.mulf %mul3A_655, %add3A_315 : vector<1x2048xf32>
    %sub3A_659 = arith.subf %add3A_450, %mul3A_658 : vector<1x2048xf32>
    %mul3A_660 = arith.mulf %mul3A_655, %add3A_318 : vector<1x2048xf32>
    %sub3A_661 = arith.subf %add3A_453, %mul3A_660 : vector<1x2048xf32>
    %mul3A_662 = arith.mulf %mul3A_655, %add3A_321 : vector<1x2048xf32>
    %sub3A_663 = arith.subf %add3A_456, %mul3A_662 : vector<1x2048xf32>
    %mul3A_664 = arith.mulf %mul3A_655, %add3A_324 : vector<1x2048xf32>
    %sub3A_665 = arith.subf %add3A_459, %mul3A_664 : vector<1x2048xf32>
    %mul3A_666 = arith.mulf %mul3A_655, %add3A_327 : vector<1x2048xf32>
    %sub3A_667 = arith.subf %add3A_462, %mul3A_666 : vector<1x2048xf32>
    %mul3A_668 = arith.mulf %mul3A_655, %add3A_330 : vector<1x2048xf32>
    %sub3A_669 = arith.subf %add3A_465, %mul3A_668 : vector<1x2048xf32>
    %mul3A_670 = arith.mulf %mul3A_655, %add3A_333 : vector<1x2048xf32>
    %sub3A_671 = arith.subf %add3A_468, %mul3A_670 : vector<1x2048xf32>
    %mul3A_672 = arith.mulf %mul3A_655, %add3A_552 : vector<1x2048xf32>
    %sub3A_673 = arith.subf %add3A_567, %mul3A_672 : vector<1x2048xf32>
    %mul3A_674 = arith.mulf %add3A_471, %div3A_578 : vector<1x2048xf32>
    %mul3A_675 = arith.mulf %mul3A_674, %add3A_312 : vector<1x2048xf32>
    %sub3A_676 = arith.subf %add3A_474, %mul3A_675 : vector<1x2048xf32>
    %mul3A_677 = arith.mulf %mul3A_674, %add3A_315 : vector<1x2048xf32>
    %sub3A_678 = arith.subf %add3A_477, %mul3A_677 : vector<1x2048xf32>
    %mul3A_679 = arith.mulf %mul3A_674, %add3A_318 : vector<1x2048xf32>
    %sub3A_680 = arith.subf %add3A_480, %mul3A_679 : vector<1x2048xf32>
    %mul3A_681 = arith.mulf %mul3A_674, %add3A_321 : vector<1x2048xf32>
    %sub3A_682 = arith.subf %add3A_483, %mul3A_681 : vector<1x2048xf32>
    %mul3A_683 = arith.mulf %mul3A_674, %add3A_324 : vector<1x2048xf32>
    %sub3A_684 = arith.subf %add3A_486, %mul3A_683 : vector<1x2048xf32>
    %mul3A_685 = arith.mulf %mul3A_674, %add3A_327 : vector<1x2048xf32>
    %sub3A_686 = arith.subf %add3A_489, %mul3A_685 : vector<1x2048xf32>
    %mul3A_687 = arith.mulf %mul3A_674, %add3A_330 : vector<1x2048xf32>
    %sub3A_688 = arith.subf %add3A_492, %mul3A_687 : vector<1x2048xf32>
    %mul3A_689 = arith.mulf %mul3A_674, %add3A_333 : vector<1x2048xf32>
    %sub3A_690 = arith.subf %add3A_495, %mul3A_689 : vector<1x2048xf32>
    %mul3A_691 = arith.mulf %mul3A_674, %add3A_552 : vector<1x2048xf32>
    %sub3A_692 = arith.subf %add3A_570, %mul3A_691 : vector<1x2048xf32>
    %mul3A_693 = arith.mulf %add3A_498, %div3A_578 : vector<1x2048xf32>
    %mul3A_694 = arith.mulf %mul3A_693, %add3A_312 : vector<1x2048xf32>
    %sub3A_695 = arith.subf %add3A_501, %mul3A_694 : vector<1x2048xf32>
    %mul3A_696 = arith.mulf %mul3A_693, %add3A_315 : vector<1x2048xf32>
    %sub3A_697 = arith.subf %add3A_504, %mul3A_696 : vector<1x2048xf32>
    %mul3A_698 = arith.mulf %mul3A_693, %add3A_318 : vector<1x2048xf32>
    %sub3A_699 = arith.subf %add3A_507, %mul3A_698 : vector<1x2048xf32>
    %mul3A_700 = arith.mulf %mul3A_693, %add3A_321 : vector<1x2048xf32>
    %sub3A_701 = arith.subf %add3A_510, %mul3A_700 : vector<1x2048xf32>
    %mul3A_702 = arith.mulf %mul3A_693, %add3A_324 : vector<1x2048xf32>
    %sub3A_703 = arith.subf %add3A_513, %mul3A_702 : vector<1x2048xf32>
    %mul3A_704 = arith.mulf %mul3A_693, %add3A_327 : vector<1x2048xf32>
    %sub3A_705 = arith.subf %add3A_516, %mul3A_704 : vector<1x2048xf32>
    %mul3A_706 = arith.mulf %mul3A_693, %add3A_330 : vector<1x2048xf32>
    %sub3A_707 = arith.subf %add3A_519, %mul3A_706 : vector<1x2048xf32>
    %mul3A_708 = arith.mulf %mul3A_693, %add3A_333 : vector<1x2048xf32>
    %sub3A_709 = arith.subf %add3A_522, %mul3A_708 : vector<1x2048xf32>
    %mul3A_710 = arith.mulf %mul3A_693, %add3A_552 : vector<1x2048xf32>
    %sub3A_711 = arith.subf %add3A_573, %mul3A_710 : vector<1x2048xf32>
    %mul3A_712 = arith.mulf %add3A_525, %div3A_578 : vector<1x2048xf32>
    %mul3A_713 = arith.mulf %mul3A_712, %add3A_312 : vector<1x2048xf32>
    %sub3A_714 = arith.subf %add3A_528, %mul3A_713 : vector<1x2048xf32>
    %mul3A_715 = arith.mulf %mul3A_712, %add3A_315 : vector<1x2048xf32>
    %sub3A_716 = arith.subf %add3A_531, %mul3A_715 : vector<1x2048xf32>
    %mul3A_717 = arith.mulf %mul3A_712, %add3A_318 : vector<1x2048xf32>
    %sub3A_718 = arith.subf %add3A_534, %mul3A_717 : vector<1x2048xf32>
    %mul3A_719 = arith.mulf %mul3A_712, %add3A_321 : vector<1x2048xf32>
    %sub3A_720 = arith.subf %add3A_537, %mul3A_719 : vector<1x2048xf32>
    %mul3A_721 = arith.mulf %mul3A_712, %add3A_324 : vector<1x2048xf32>
    %sub3A_722 = arith.subf %add3A_540, %mul3A_721 : vector<1x2048xf32>
    %mul3A_723 = arith.mulf %mul3A_712, %add3A_327 : vector<1x2048xf32>
    %sub3A_724 = arith.subf %add3A_543, %mul3A_723 : vector<1x2048xf32>
    %mul3A_725 = arith.mulf %mul3A_712, %add3A_330 : vector<1x2048xf32>
    %sub3A_726 = arith.subf %add3A_546, %mul3A_725 : vector<1x2048xf32>
    %mul3A_727 = arith.mulf %mul3A_712, %add3A_333 : vector<1x2048xf32>
    %sub3A_728 = arith.subf %add3A_549, %mul3A_727 : vector<1x2048xf32>
    %mul3A_729 = arith.mulf %mul3A_712, %add3A_552 : vector<1x2048xf32>
    %sub3A_730 = arith.subf %add3A_576, %mul3A_729 : vector<1x2048xf32>
    %div3A_731 = arith.constant 1.000000e+00 : f32
    %div3A_732 = vector.broadcast %div3A_731 : f32 to vector<1x2048xf32>
    %div3A_733 = arith.divf %div3A_732, %sub3A_581 : vector<1x2048xf32>
    %mul3A_734 = arith.mulf %add3A_312, %div3A_733 : vector<1x2048xf32>
    %mul3A_735 = arith.mulf %mul3A_734, %sub3A_583 : vector<1x2048xf32>
    %sub3A_736 = arith.subf %add3A_315, %mul3A_735 : vector<1x2048xf32>
    %mul3A_737 = arith.mulf %mul3A_734, %sub3A_585 : vector<1x2048xf32>
    %sub3A_738 = arith.subf %add3A_318, %mul3A_737 : vector<1x2048xf32>
    %mul3A_739 = arith.mulf %mul3A_734, %sub3A_587 : vector<1x2048xf32>
    %sub3A_740 = arith.subf %add3A_321, %mul3A_739 : vector<1x2048xf32>
    %mul3A_741 = arith.mulf %mul3A_734, %sub3A_589 : vector<1x2048xf32>
    %sub3A_742 = arith.subf %add3A_324, %mul3A_741 : vector<1x2048xf32>
    %mul3A_743 = arith.mulf %mul3A_734, %sub3A_591 : vector<1x2048xf32>
    %sub3A_744 = arith.subf %add3A_327, %mul3A_743 : vector<1x2048xf32>
    %mul3A_745 = arith.mulf %mul3A_734, %sub3A_593 : vector<1x2048xf32>
    %sub3A_746 = arith.subf %add3A_330, %mul3A_745 : vector<1x2048xf32>
    %mul3A_747 = arith.mulf %mul3A_734, %sub3A_595 : vector<1x2048xf32>
    %sub3A_748 = arith.subf %add3A_333, %mul3A_747 : vector<1x2048xf32>
    %mul3A_749 = arith.mulf %mul3A_734, %sub3A_597 : vector<1x2048xf32>
    %sub3A_750 = arith.subf %add3A_552, %mul3A_749 : vector<1x2048xf32>
    %mul3A_751 = arith.mulf %sub3A_600, %div3A_733 : vector<1x2048xf32>
    %mul3A_752 = arith.mulf %mul3A_751, %sub3A_583 : vector<1x2048xf32>
    %sub3A_753 = arith.subf %sub3A_602, %mul3A_752 : vector<1x2048xf32>
    %mul3A_754 = arith.mulf %mul3A_751, %sub3A_585 : vector<1x2048xf32>
    %sub3A_755 = arith.subf %sub3A_604, %mul3A_754 : vector<1x2048xf32>
    %mul3A_756 = arith.mulf %mul3A_751, %sub3A_587 : vector<1x2048xf32>
    %sub3A_757 = arith.subf %sub3A_606, %mul3A_756 : vector<1x2048xf32>
    %mul3A_758 = arith.mulf %mul3A_751, %sub3A_589 : vector<1x2048xf32>
    %sub3A_759 = arith.subf %sub3A_608, %mul3A_758 : vector<1x2048xf32>
    %mul3A_760 = arith.mulf %mul3A_751, %sub3A_591 : vector<1x2048xf32>
    %sub3A_761 = arith.subf %sub3A_610, %mul3A_760 : vector<1x2048xf32>
    %mul3A_762 = arith.mulf %mul3A_751, %sub3A_593 : vector<1x2048xf32>
    %sub3A_763 = arith.subf %sub3A_612, %mul3A_762 : vector<1x2048xf32>
    %mul3A_764 = arith.mulf %mul3A_751, %sub3A_595 : vector<1x2048xf32>
    %sub3A_765 = arith.subf %sub3A_614, %mul3A_764 : vector<1x2048xf32>
    %mul3A_766 = arith.mulf %mul3A_751, %sub3A_597 : vector<1x2048xf32>
    %sub3A_767 = arith.subf %sub3A_616, %mul3A_766 : vector<1x2048xf32>
    %mul3A_768 = arith.mulf %sub3A_619, %div3A_733 : vector<1x2048xf32>
    %mul3A_769 = arith.mulf %mul3A_768, %sub3A_583 : vector<1x2048xf32>
    %sub3A_770 = arith.subf %sub3A_621, %mul3A_769 : vector<1x2048xf32>
    %mul3A_771 = arith.mulf %mul3A_768, %sub3A_585 : vector<1x2048xf32>
    %sub3A_772 = arith.subf %sub3A_623, %mul3A_771 : vector<1x2048xf32>
    %mul3A_773 = arith.mulf %mul3A_768, %sub3A_587 : vector<1x2048xf32>
    %sub3A_774 = arith.subf %sub3A_625, %mul3A_773 : vector<1x2048xf32>
    %mul3A_775 = arith.mulf %mul3A_768, %sub3A_589 : vector<1x2048xf32>
    %sub3A_776 = arith.subf %sub3A_627, %mul3A_775 : vector<1x2048xf32>
    %mul3A_777 = arith.mulf %mul3A_768, %sub3A_591 : vector<1x2048xf32>
    %sub3A_778 = arith.subf %sub3A_629, %mul3A_777 : vector<1x2048xf32>
    %mul3A_779 = arith.mulf %mul3A_768, %sub3A_593 : vector<1x2048xf32>
    %sub3A_780 = arith.subf %sub3A_631, %mul3A_779 : vector<1x2048xf32>
    %mul3A_781 = arith.mulf %mul3A_768, %sub3A_595 : vector<1x2048xf32>
    %sub3A_782 = arith.subf %sub3A_633, %mul3A_781 : vector<1x2048xf32>
    %mul3A_783 = arith.mulf %mul3A_768, %sub3A_597 : vector<1x2048xf32>
    %sub3A_784 = arith.subf %sub3A_635, %mul3A_783 : vector<1x2048xf32>
    %mul3A_785 = arith.mulf %sub3A_638, %div3A_733 : vector<1x2048xf32>
    %mul3A_786 = arith.mulf %mul3A_785, %sub3A_583 : vector<1x2048xf32>
    %sub3A_787 = arith.subf %sub3A_640, %mul3A_786 : vector<1x2048xf32>
    %mul3A_788 = arith.mulf %mul3A_785, %sub3A_585 : vector<1x2048xf32>
    %sub3A_789 = arith.subf %sub3A_642, %mul3A_788 : vector<1x2048xf32>
    %mul3A_790 = arith.mulf %mul3A_785, %sub3A_587 : vector<1x2048xf32>
    %sub3A_791 = arith.subf %sub3A_644, %mul3A_790 : vector<1x2048xf32>
    %mul3A_792 = arith.mulf %mul3A_785, %sub3A_589 : vector<1x2048xf32>
    %sub3A_793 = arith.subf %sub3A_646, %mul3A_792 : vector<1x2048xf32>
    %mul3A_794 = arith.mulf %mul3A_785, %sub3A_591 : vector<1x2048xf32>
    %sub3A_795 = arith.subf %sub3A_648, %mul3A_794 : vector<1x2048xf32>
    %mul3A_796 = arith.mulf %mul3A_785, %sub3A_593 : vector<1x2048xf32>
    %sub3A_797 = arith.subf %sub3A_650, %mul3A_796 : vector<1x2048xf32>
    %mul3A_798 = arith.mulf %mul3A_785, %sub3A_595 : vector<1x2048xf32>
    %sub3A_799 = arith.subf %sub3A_652, %mul3A_798 : vector<1x2048xf32>
    %mul3A_800 = arith.mulf %mul3A_785, %sub3A_597 : vector<1x2048xf32>
    %sub3A_801 = arith.subf %sub3A_654, %mul3A_800 : vector<1x2048xf32>
    %mul3A_802 = arith.mulf %sub3A_657, %div3A_733 : vector<1x2048xf32>
    %mul3A_803 = arith.mulf %mul3A_802, %sub3A_583 : vector<1x2048xf32>
    %sub3A_804 = arith.subf %sub3A_659, %mul3A_803 : vector<1x2048xf32>
    %mul3A_805 = arith.mulf %mul3A_802, %sub3A_585 : vector<1x2048xf32>
    %sub3A_806 = arith.subf %sub3A_661, %mul3A_805 : vector<1x2048xf32>
    %mul3A_807 = arith.mulf %mul3A_802, %sub3A_587 : vector<1x2048xf32>
    %sub3A_808 = arith.subf %sub3A_663, %mul3A_807 : vector<1x2048xf32>
    %mul3A_809 = arith.mulf %mul3A_802, %sub3A_589 : vector<1x2048xf32>
    %sub3A_810 = arith.subf %sub3A_665, %mul3A_809 : vector<1x2048xf32>
    %mul3A_811 = arith.mulf %mul3A_802, %sub3A_591 : vector<1x2048xf32>
    %sub3A_812 = arith.subf %sub3A_667, %mul3A_811 : vector<1x2048xf32>
    %mul3A_813 = arith.mulf %mul3A_802, %sub3A_593 : vector<1x2048xf32>
    %sub3A_814 = arith.subf %sub3A_669, %mul3A_813 : vector<1x2048xf32>
    %mul3A_815 = arith.mulf %mul3A_802, %sub3A_595 : vector<1x2048xf32>
    %sub3A_816 = arith.subf %sub3A_671, %mul3A_815 : vector<1x2048xf32>
    %mul3A_817 = arith.mulf %mul3A_802, %sub3A_597 : vector<1x2048xf32>
    %sub3A_818 = arith.subf %sub3A_673, %mul3A_817 : vector<1x2048xf32>
    %mul3A_819 = arith.mulf %sub3A_676, %div3A_733 : vector<1x2048xf32>
    %mul3A_820 = arith.mulf %mul3A_819, %sub3A_583 : vector<1x2048xf32>
    %sub3A_821 = arith.subf %sub3A_678, %mul3A_820 : vector<1x2048xf32>
    %mul3A_822 = arith.mulf %mul3A_819, %sub3A_585 : vector<1x2048xf32>
    %sub3A_823 = arith.subf %sub3A_680, %mul3A_822 : vector<1x2048xf32>
    %mul3A_824 = arith.mulf %mul3A_819, %sub3A_587 : vector<1x2048xf32>
    %sub3A_825 = arith.subf %sub3A_682, %mul3A_824 : vector<1x2048xf32>
    %mul3A_826 = arith.mulf %mul3A_819, %sub3A_589 : vector<1x2048xf32>
    %sub3A_827 = arith.subf %sub3A_684, %mul3A_826 : vector<1x2048xf32>
    %mul3A_828 = arith.mulf %mul3A_819, %sub3A_591 : vector<1x2048xf32>
    %sub3A_829 = arith.subf %sub3A_686, %mul3A_828 : vector<1x2048xf32>
    %mul3A_830 = arith.mulf %mul3A_819, %sub3A_593 : vector<1x2048xf32>
    %sub3A_831 = arith.subf %sub3A_688, %mul3A_830 : vector<1x2048xf32>
    %mul3A_832 = arith.mulf %mul3A_819, %sub3A_595 : vector<1x2048xf32>
    %sub3A_833 = arith.subf %sub3A_690, %mul3A_832 : vector<1x2048xf32>
    %mul3A_834 = arith.mulf %mul3A_819, %sub3A_597 : vector<1x2048xf32>
    %sub3A_835 = arith.subf %sub3A_692, %mul3A_834 : vector<1x2048xf32>
    %mul3A_836 = arith.mulf %sub3A_695, %div3A_733 : vector<1x2048xf32>
    %mul3A_837 = arith.mulf %mul3A_836, %sub3A_583 : vector<1x2048xf32>
    %sub3A_838 = arith.subf %sub3A_697, %mul3A_837 : vector<1x2048xf32>
    %mul3A_839 = arith.mulf %mul3A_836, %sub3A_585 : vector<1x2048xf32>
    %sub3A_840 = arith.subf %sub3A_699, %mul3A_839 : vector<1x2048xf32>
    %mul3A_841 = arith.mulf %mul3A_836, %sub3A_587 : vector<1x2048xf32>
    %sub3A_842 = arith.subf %sub3A_701, %mul3A_841 : vector<1x2048xf32>
    %mul3A_843 = arith.mulf %mul3A_836, %sub3A_589 : vector<1x2048xf32>
    %sub3A_844 = arith.subf %sub3A_703, %mul3A_843 : vector<1x2048xf32>
    %mul3A_845 = arith.mulf %mul3A_836, %sub3A_591 : vector<1x2048xf32>
    %sub3A_846 = arith.subf %sub3A_705, %mul3A_845 : vector<1x2048xf32>
    %mul3A_847 = arith.mulf %mul3A_836, %sub3A_593 : vector<1x2048xf32>
    %sub3A_848 = arith.subf %sub3A_707, %mul3A_847 : vector<1x2048xf32>
    %mul3A_849 = arith.mulf %mul3A_836, %sub3A_595 : vector<1x2048xf32>
    %sub3A_850 = arith.subf %sub3A_709, %mul3A_849 : vector<1x2048xf32>
    %mul3A_851 = arith.mulf %mul3A_836, %sub3A_597 : vector<1x2048xf32>
    %sub3A_852 = arith.subf %sub3A_711, %mul3A_851 : vector<1x2048xf32>
    %mul3A_853 = arith.mulf %sub3A_714, %div3A_733 : vector<1x2048xf32>
    %mul3A_854 = arith.mulf %mul3A_853, %sub3A_583 : vector<1x2048xf32>
    %sub3A_855 = arith.subf %sub3A_716, %mul3A_854 : vector<1x2048xf32>
    %mul3A_856 = arith.mulf %mul3A_853, %sub3A_585 : vector<1x2048xf32>
    %sub3A_857 = arith.subf %sub3A_718, %mul3A_856 : vector<1x2048xf32>
    %mul3A_858 = arith.mulf %mul3A_853, %sub3A_587 : vector<1x2048xf32>
    %sub3A_859 = arith.subf %sub3A_720, %mul3A_858 : vector<1x2048xf32>
    %mul3A_860 = arith.mulf %mul3A_853, %sub3A_589 : vector<1x2048xf32>
    %sub3A_861 = arith.subf %sub3A_722, %mul3A_860 : vector<1x2048xf32>
    %mul3A_862 = arith.mulf %mul3A_853, %sub3A_591 : vector<1x2048xf32>
    %sub3A_863 = arith.subf %sub3A_724, %mul3A_862 : vector<1x2048xf32>
    %mul3A_864 = arith.mulf %mul3A_853, %sub3A_593 : vector<1x2048xf32>
    %sub3A_865 = arith.subf %sub3A_726, %mul3A_864 : vector<1x2048xf32>
    %mul3A_866 = arith.mulf %mul3A_853, %sub3A_595 : vector<1x2048xf32>
    %sub3A_867 = arith.subf %sub3A_728, %mul3A_866 : vector<1x2048xf32>
    %mul3A_868 = arith.mulf %mul3A_853, %sub3A_597 : vector<1x2048xf32>
    %sub3A_869 = arith.subf %sub3A_730, %mul3A_868 : vector<1x2048xf32>
    %div3A_870 = arith.constant 1.000000e+00 : f32
    %div3A_871 = vector.broadcast %div3A_870 : f32 to vector<1x2048xf32>
    %div3A_872 = arith.divf %div3A_871, %sub3A_753 : vector<1x2048xf32>
    %mul3A_873 = arith.mulf %sub3A_736, %div3A_872 : vector<1x2048xf32>
    %mul3A_874 = arith.mulf %mul3A_873, %sub3A_755 : vector<1x2048xf32>
    %sub3A_875 = arith.subf %sub3A_738, %mul3A_874 : vector<1x2048xf32>
    %mul3A_876 = arith.mulf %mul3A_873, %sub3A_757 : vector<1x2048xf32>
    %sub3A_877 = arith.subf %sub3A_740, %mul3A_876 : vector<1x2048xf32>
    %mul3A_878 = arith.mulf %mul3A_873, %sub3A_759 : vector<1x2048xf32>
    %sub3A_879 = arith.subf %sub3A_742, %mul3A_878 : vector<1x2048xf32>
    %mul3A_880 = arith.mulf %mul3A_873, %sub3A_761 : vector<1x2048xf32>
    %sub3A_881 = arith.subf %sub3A_744, %mul3A_880 : vector<1x2048xf32>
    %mul3A_882 = arith.mulf %mul3A_873, %sub3A_763 : vector<1x2048xf32>
    %sub3A_883 = arith.subf %sub3A_746, %mul3A_882 : vector<1x2048xf32>
    %mul3A_884 = arith.mulf %mul3A_873, %sub3A_765 : vector<1x2048xf32>
    %sub3A_885 = arith.subf %sub3A_748, %mul3A_884 : vector<1x2048xf32>
    %mul3A_886 = arith.mulf %mul3A_873, %sub3A_767 : vector<1x2048xf32>
    %sub3A_887 = arith.subf %sub3A_750, %mul3A_886 : vector<1x2048xf32>
    %mul3A_888 = arith.mulf %sub3A_583, %div3A_872 : vector<1x2048xf32>
    %mul3A_889 = arith.mulf %mul3A_888, %sub3A_755 : vector<1x2048xf32>
    %sub3A_890 = arith.subf %sub3A_585, %mul3A_889 : vector<1x2048xf32>
    %mul3A_891 = arith.mulf %mul3A_888, %sub3A_757 : vector<1x2048xf32>
    %sub3A_892 = arith.subf %sub3A_587, %mul3A_891 : vector<1x2048xf32>
    %mul3A_893 = arith.mulf %mul3A_888, %sub3A_759 : vector<1x2048xf32>
    %sub3A_894 = arith.subf %sub3A_589, %mul3A_893 : vector<1x2048xf32>
    %mul3A_895 = arith.mulf %mul3A_888, %sub3A_761 : vector<1x2048xf32>
    %sub3A_896 = arith.subf %sub3A_591, %mul3A_895 : vector<1x2048xf32>
    %mul3A_897 = arith.mulf %mul3A_888, %sub3A_763 : vector<1x2048xf32>
    %sub3A_898 = arith.subf %sub3A_593, %mul3A_897 : vector<1x2048xf32>
    %mul3A_899 = arith.mulf %mul3A_888, %sub3A_765 : vector<1x2048xf32>
    %sub3A_900 = arith.subf %sub3A_595, %mul3A_899 : vector<1x2048xf32>
    %mul3A_901 = arith.mulf %mul3A_888, %sub3A_767 : vector<1x2048xf32>
    %sub3A_902 = arith.subf %sub3A_597, %mul3A_901 : vector<1x2048xf32>
    %mul3A_903 = arith.mulf %sub3A_770, %div3A_872 : vector<1x2048xf32>
    %mul3A_904 = arith.mulf %mul3A_903, %sub3A_755 : vector<1x2048xf32>
    %sub3A_905 = arith.subf %sub3A_772, %mul3A_904 : vector<1x2048xf32>
    %mul3A_906 = arith.mulf %mul3A_903, %sub3A_757 : vector<1x2048xf32>
    %sub3A_907 = arith.subf %sub3A_774, %mul3A_906 : vector<1x2048xf32>
    %mul3A_908 = arith.mulf %mul3A_903, %sub3A_759 : vector<1x2048xf32>
    %sub3A_909 = arith.subf %sub3A_776, %mul3A_908 : vector<1x2048xf32>
    %mul3A_910 = arith.mulf %mul3A_903, %sub3A_761 : vector<1x2048xf32>
    %sub3A_911 = arith.subf %sub3A_778, %mul3A_910 : vector<1x2048xf32>
    %mul3A_912 = arith.mulf %mul3A_903, %sub3A_763 : vector<1x2048xf32>
    %sub3A_913 = arith.subf %sub3A_780, %mul3A_912 : vector<1x2048xf32>
    %mul3A_914 = arith.mulf %mul3A_903, %sub3A_765 : vector<1x2048xf32>
    %sub3A_915 = arith.subf %sub3A_782, %mul3A_914 : vector<1x2048xf32>
    %mul3A_916 = arith.mulf %mul3A_903, %sub3A_767 : vector<1x2048xf32>
    %sub3A_917 = arith.subf %sub3A_784, %mul3A_916 : vector<1x2048xf32>
    %mul3A_918 = arith.mulf %sub3A_787, %div3A_872 : vector<1x2048xf32>
    %mul3A_919 = arith.mulf %mul3A_918, %sub3A_755 : vector<1x2048xf32>
    %sub3A_920 = arith.subf %sub3A_789, %mul3A_919 : vector<1x2048xf32>
    %mul3A_921 = arith.mulf %mul3A_918, %sub3A_757 : vector<1x2048xf32>
    %sub3A_922 = arith.subf %sub3A_791, %mul3A_921 : vector<1x2048xf32>
    %mul3A_923 = arith.mulf %mul3A_918, %sub3A_759 : vector<1x2048xf32>
    %sub3A_924 = arith.subf %sub3A_793, %mul3A_923 : vector<1x2048xf32>
    %mul3A_925 = arith.mulf %mul3A_918, %sub3A_761 : vector<1x2048xf32>
    %sub3A_926 = arith.subf %sub3A_795, %mul3A_925 : vector<1x2048xf32>
    %mul3A_927 = arith.mulf %mul3A_918, %sub3A_763 : vector<1x2048xf32>
    %sub3A_928 = arith.subf %sub3A_797, %mul3A_927 : vector<1x2048xf32>
    %mul3A_929 = arith.mulf %mul3A_918, %sub3A_765 : vector<1x2048xf32>
    %sub3A_930 = arith.subf %sub3A_799, %mul3A_929 : vector<1x2048xf32>
    %mul3A_931 = arith.mulf %mul3A_918, %sub3A_767 : vector<1x2048xf32>
    %sub3A_932 = arith.subf %sub3A_801, %mul3A_931 : vector<1x2048xf32>
    %mul3A_933 = arith.mulf %sub3A_804, %div3A_872 : vector<1x2048xf32>
    %mul3A_934 = arith.mulf %mul3A_933, %sub3A_755 : vector<1x2048xf32>
    %sub3A_935 = arith.subf %sub3A_806, %mul3A_934 : vector<1x2048xf32>
    %mul3A_936 = arith.mulf %mul3A_933, %sub3A_757 : vector<1x2048xf32>
    %sub3A_937 = arith.subf %sub3A_808, %mul3A_936 : vector<1x2048xf32>
    %mul3A_938 = arith.mulf %mul3A_933, %sub3A_759 : vector<1x2048xf32>
    %sub3A_939 = arith.subf %sub3A_810, %mul3A_938 : vector<1x2048xf32>
    %mul3A_940 = arith.mulf %mul3A_933, %sub3A_761 : vector<1x2048xf32>
    %sub3A_941 = arith.subf %sub3A_812, %mul3A_940 : vector<1x2048xf32>
    %mul3A_942 = arith.mulf %mul3A_933, %sub3A_763 : vector<1x2048xf32>
    %sub3A_943 = arith.subf %sub3A_814, %mul3A_942 : vector<1x2048xf32>
    %mul3A_944 = arith.mulf %mul3A_933, %sub3A_765 : vector<1x2048xf32>
    %sub3A_945 = arith.subf %sub3A_816, %mul3A_944 : vector<1x2048xf32>
    %mul3A_946 = arith.mulf %mul3A_933, %sub3A_767 : vector<1x2048xf32>
    %sub3A_947 = arith.subf %sub3A_818, %mul3A_946 : vector<1x2048xf32>
    %mul3A_948 = arith.mulf %sub3A_821, %div3A_872 : vector<1x2048xf32>
    %mul3A_949 = arith.mulf %mul3A_948, %sub3A_755 : vector<1x2048xf32>
    %sub3A_950 = arith.subf %sub3A_823, %mul3A_949 : vector<1x2048xf32>
    %mul3A_951 = arith.mulf %mul3A_948, %sub3A_757 : vector<1x2048xf32>
    %sub3A_952 = arith.subf %sub3A_825, %mul3A_951 : vector<1x2048xf32>
    %mul3A_953 = arith.mulf %mul3A_948, %sub3A_759 : vector<1x2048xf32>
    %sub3A_954 = arith.subf %sub3A_827, %mul3A_953 : vector<1x2048xf32>
    %mul3A_955 = arith.mulf %mul3A_948, %sub3A_761 : vector<1x2048xf32>
    %sub3A_956 = arith.subf %sub3A_829, %mul3A_955 : vector<1x2048xf32>
    %mul3A_957 = arith.mulf %mul3A_948, %sub3A_763 : vector<1x2048xf32>
    %sub3A_958 = arith.subf %sub3A_831, %mul3A_957 : vector<1x2048xf32>
    %mul3A_959 = arith.mulf %mul3A_948, %sub3A_765 : vector<1x2048xf32>
    %sub3A_960 = arith.subf %sub3A_833, %mul3A_959 : vector<1x2048xf32>
    %mul3A_961 = arith.mulf %mul3A_948, %sub3A_767 : vector<1x2048xf32>
    %sub3A_962 = arith.subf %sub3A_835, %mul3A_961 : vector<1x2048xf32>
    %mul3A_963 = arith.mulf %sub3A_838, %div3A_872 : vector<1x2048xf32>
    %mul3A_964 = arith.mulf %mul3A_963, %sub3A_755 : vector<1x2048xf32>
    %sub3A_965 = arith.subf %sub3A_840, %mul3A_964 : vector<1x2048xf32>
    %mul3A_966 = arith.mulf %mul3A_963, %sub3A_757 : vector<1x2048xf32>
    %sub3A_967 = arith.subf %sub3A_842, %mul3A_966 : vector<1x2048xf32>
    %mul3A_968 = arith.mulf %mul3A_963, %sub3A_759 : vector<1x2048xf32>
    %sub3A_969 = arith.subf %sub3A_844, %mul3A_968 : vector<1x2048xf32>
    %mul3A_970 = arith.mulf %mul3A_963, %sub3A_761 : vector<1x2048xf32>
    %sub3A_971 = arith.subf %sub3A_846, %mul3A_970 : vector<1x2048xf32>
    %mul3A_972 = arith.mulf %mul3A_963, %sub3A_763 : vector<1x2048xf32>
    %sub3A_973 = arith.subf %sub3A_848, %mul3A_972 : vector<1x2048xf32>
    %mul3A_974 = arith.mulf %mul3A_963, %sub3A_765 : vector<1x2048xf32>
    %sub3A_975 = arith.subf %sub3A_850, %mul3A_974 : vector<1x2048xf32>
    %mul3A_976 = arith.mulf %mul3A_963, %sub3A_767 : vector<1x2048xf32>
    %sub3A_977 = arith.subf %sub3A_852, %mul3A_976 : vector<1x2048xf32>
    %mul3A_978 = arith.mulf %sub3A_855, %div3A_872 : vector<1x2048xf32>
    %mul3A_979 = arith.mulf %mul3A_978, %sub3A_755 : vector<1x2048xf32>
    %sub3A_980 = arith.subf %sub3A_857, %mul3A_979 : vector<1x2048xf32>
    %mul3A_981 = arith.mulf %mul3A_978, %sub3A_757 : vector<1x2048xf32>
    %sub3A_982 = arith.subf %sub3A_859, %mul3A_981 : vector<1x2048xf32>
    %mul3A_983 = arith.mulf %mul3A_978, %sub3A_759 : vector<1x2048xf32>
    %sub3A_984 = arith.subf %sub3A_861, %mul3A_983 : vector<1x2048xf32>
    %mul3A_985 = arith.mulf %mul3A_978, %sub3A_761 : vector<1x2048xf32>
    %sub3A_986 = arith.subf %sub3A_863, %mul3A_985 : vector<1x2048xf32>
    %mul3A_987 = arith.mulf %mul3A_978, %sub3A_763 : vector<1x2048xf32>
    %sub3A_988 = arith.subf %sub3A_865, %mul3A_987 : vector<1x2048xf32>
    %mul3A_989 = arith.mulf %mul3A_978, %sub3A_765 : vector<1x2048xf32>
    %sub3A_990 = arith.subf %sub3A_867, %mul3A_989 : vector<1x2048xf32>
    %mul3A_991 = arith.mulf %mul3A_978, %sub3A_767 : vector<1x2048xf32>
    %sub3A_992 = arith.subf %sub3A_869, %mul3A_991 : vector<1x2048xf32>
    %div3A_993 = arith.constant 1.000000e+00 : f32
    %div3A_994 = vector.broadcast %div3A_993 : f32 to vector<1x2048xf32>
    %div3A_995 = arith.divf %div3A_994, %sub3A_905 : vector<1x2048xf32>
    %mul3A_996 = arith.mulf %sub3A_875, %div3A_995 : vector<1x2048xf32>
    %mul3A_997 = arith.mulf %mul3A_996, %sub3A_907 : vector<1x2048xf32>
    %sub3A_998 = arith.subf %sub3A_877, %mul3A_997 : vector<1x2048xf32>
    %mul3A_999 = arith.mulf %mul3A_996, %sub3A_909 : vector<1x2048xf32>
    %sub3A_1000 = arith.subf %sub3A_879, %mul3A_999 : vector<1x2048xf32>
    %mul3A_1001 = arith.mulf %mul3A_996, %sub3A_911 : vector<1x2048xf32>
    %sub3A_1002 = arith.subf %sub3A_881, %mul3A_1001 : vector<1x2048xf32>
    %mul3A_1003 = arith.mulf %mul3A_996, %sub3A_913 : vector<1x2048xf32>
    %sub3A_1004 = arith.subf %sub3A_883, %mul3A_1003 : vector<1x2048xf32>
    %mul3A_1005 = arith.mulf %mul3A_996, %sub3A_915 : vector<1x2048xf32>
    %sub3A_1006 = arith.subf %sub3A_885, %mul3A_1005 : vector<1x2048xf32>
    %mul3A_1007 = arith.mulf %mul3A_996, %sub3A_917 : vector<1x2048xf32>
    %sub3A_1008 = arith.subf %sub3A_887, %mul3A_1007 : vector<1x2048xf32>
    %mul3A_1009 = arith.mulf %sub3A_890, %div3A_995 : vector<1x2048xf32>
    %mul3A_1010 = arith.mulf %mul3A_1009, %sub3A_907 : vector<1x2048xf32>
    %sub3A_1011 = arith.subf %sub3A_892, %mul3A_1010 : vector<1x2048xf32>
    %mul3A_1012 = arith.mulf %mul3A_1009, %sub3A_909 : vector<1x2048xf32>
    %sub3A_1013 = arith.subf %sub3A_894, %mul3A_1012 : vector<1x2048xf32>
    %mul3A_1014 = arith.mulf %mul3A_1009, %sub3A_911 : vector<1x2048xf32>
    %sub3A_1015 = arith.subf %sub3A_896, %mul3A_1014 : vector<1x2048xf32>
    %mul3A_1016 = arith.mulf %mul3A_1009, %sub3A_913 : vector<1x2048xf32>
    %sub3A_1017 = arith.subf %sub3A_898, %mul3A_1016 : vector<1x2048xf32>
    %mul3A_1018 = arith.mulf %mul3A_1009, %sub3A_915 : vector<1x2048xf32>
    %sub3A_1019 = arith.subf %sub3A_900, %mul3A_1018 : vector<1x2048xf32>
    %mul3A_1020 = arith.mulf %mul3A_1009, %sub3A_917 : vector<1x2048xf32>
    %sub3A_1021 = arith.subf %sub3A_902, %mul3A_1020 : vector<1x2048xf32>
    %mul3A_1022 = arith.mulf %sub3A_755, %div3A_995 : vector<1x2048xf32>
    %mul3A_1023 = arith.mulf %mul3A_1022, %sub3A_907 : vector<1x2048xf32>
    %sub3A_1024 = arith.subf %sub3A_757, %mul3A_1023 : vector<1x2048xf32>
    %mul3A_1025 = arith.mulf %mul3A_1022, %sub3A_909 : vector<1x2048xf32>
    %sub3A_1026 = arith.subf %sub3A_759, %mul3A_1025 : vector<1x2048xf32>
    %mul3A_1027 = arith.mulf %mul3A_1022, %sub3A_911 : vector<1x2048xf32>
    %sub3A_1028 = arith.subf %sub3A_761, %mul3A_1027 : vector<1x2048xf32>
    %mul3A_1029 = arith.mulf %mul3A_1022, %sub3A_913 : vector<1x2048xf32>
    %sub3A_1030 = arith.subf %sub3A_763, %mul3A_1029 : vector<1x2048xf32>
    %mul3A_1031 = arith.mulf %mul3A_1022, %sub3A_915 : vector<1x2048xf32>
    %sub3A_1032 = arith.subf %sub3A_765, %mul3A_1031 : vector<1x2048xf32>
    %mul3A_1033 = arith.mulf %mul3A_1022, %sub3A_917 : vector<1x2048xf32>
    %sub3A_1034 = arith.subf %sub3A_767, %mul3A_1033 : vector<1x2048xf32>
    %mul3A_1035 = arith.mulf %sub3A_920, %div3A_995 : vector<1x2048xf32>
    %mul3A_1036 = arith.mulf %mul3A_1035, %sub3A_907 : vector<1x2048xf32>
    %sub3A_1037 = arith.subf %sub3A_922, %mul3A_1036 : vector<1x2048xf32>
    %mul3A_1038 = arith.mulf %mul3A_1035, %sub3A_909 : vector<1x2048xf32>
    %sub3A_1039 = arith.subf %sub3A_924, %mul3A_1038 : vector<1x2048xf32>
    %mul3A_1040 = arith.mulf %mul3A_1035, %sub3A_911 : vector<1x2048xf32>
    %sub3A_1041 = arith.subf %sub3A_926, %mul3A_1040 : vector<1x2048xf32>
    %mul3A_1042 = arith.mulf %mul3A_1035, %sub3A_913 : vector<1x2048xf32>
    %sub3A_1043 = arith.subf %sub3A_928, %mul3A_1042 : vector<1x2048xf32>
    %mul3A_1044 = arith.mulf %mul3A_1035, %sub3A_915 : vector<1x2048xf32>
    %sub3A_1045 = arith.subf %sub3A_930, %mul3A_1044 : vector<1x2048xf32>
    %mul3A_1046 = arith.mulf %mul3A_1035, %sub3A_917 : vector<1x2048xf32>
    %sub3A_1047 = arith.subf %sub3A_932, %mul3A_1046 : vector<1x2048xf32>
    %mul3A_1048 = arith.mulf %sub3A_935, %div3A_995 : vector<1x2048xf32>
    %mul3A_1049 = arith.mulf %mul3A_1048, %sub3A_907 : vector<1x2048xf32>
    %sub3A_1050 = arith.subf %sub3A_937, %mul3A_1049 : vector<1x2048xf32>
    %mul3A_1051 = arith.mulf %mul3A_1048, %sub3A_909 : vector<1x2048xf32>
    %sub3A_1052 = arith.subf %sub3A_939, %mul3A_1051 : vector<1x2048xf32>
    %mul3A_1053 = arith.mulf %mul3A_1048, %sub3A_911 : vector<1x2048xf32>
    %sub3A_1054 = arith.subf %sub3A_941, %mul3A_1053 : vector<1x2048xf32>
    %mul3A_1055 = arith.mulf %mul3A_1048, %sub3A_913 : vector<1x2048xf32>
    %sub3A_1056 = arith.subf %sub3A_943, %mul3A_1055 : vector<1x2048xf32>
    %mul3A_1057 = arith.mulf %mul3A_1048, %sub3A_915 : vector<1x2048xf32>
    %sub3A_1058 = arith.subf %sub3A_945, %mul3A_1057 : vector<1x2048xf32>
    %mul3A_1059 = arith.mulf %mul3A_1048, %sub3A_917 : vector<1x2048xf32>
    %sub3A_1060 = arith.subf %sub3A_947, %mul3A_1059 : vector<1x2048xf32>
    %mul3A_1061 = arith.mulf %sub3A_950, %div3A_995 : vector<1x2048xf32>
    %mul3A_1062 = arith.mulf %mul3A_1061, %sub3A_907 : vector<1x2048xf32>
    %sub3A_1063 = arith.subf %sub3A_952, %mul3A_1062 : vector<1x2048xf32>
    %mul3A_1064 = arith.mulf %mul3A_1061, %sub3A_909 : vector<1x2048xf32>
    %sub3A_1065 = arith.subf %sub3A_954, %mul3A_1064 : vector<1x2048xf32>
    %mul3A_1066 = arith.mulf %mul3A_1061, %sub3A_911 : vector<1x2048xf32>
    %sub3A_1067 = arith.subf %sub3A_956, %mul3A_1066 : vector<1x2048xf32>
    %mul3A_1068 = arith.mulf %mul3A_1061, %sub3A_913 : vector<1x2048xf32>
    %sub3A_1069 = arith.subf %sub3A_958, %mul3A_1068 : vector<1x2048xf32>
    %mul3A_1070 = arith.mulf %mul3A_1061, %sub3A_915 : vector<1x2048xf32>
    %sub3A_1071 = arith.subf %sub3A_960, %mul3A_1070 : vector<1x2048xf32>
    %mul3A_1072 = arith.mulf %mul3A_1061, %sub3A_917 : vector<1x2048xf32>
    %sub3A_1073 = arith.subf %sub3A_962, %mul3A_1072 : vector<1x2048xf32>
    %mul3A_1074 = arith.mulf %sub3A_965, %div3A_995 : vector<1x2048xf32>
    %mul3A_1075 = arith.mulf %mul3A_1074, %sub3A_907 : vector<1x2048xf32>
    %sub3A_1076 = arith.subf %sub3A_967, %mul3A_1075 : vector<1x2048xf32>
    %mul3A_1077 = arith.mulf %mul3A_1074, %sub3A_909 : vector<1x2048xf32>
    %sub3A_1078 = arith.subf %sub3A_969, %mul3A_1077 : vector<1x2048xf32>
    %mul3A_1079 = arith.mulf %mul3A_1074, %sub3A_911 : vector<1x2048xf32>
    %sub3A_1080 = arith.subf %sub3A_971, %mul3A_1079 : vector<1x2048xf32>
    %mul3A_1081 = arith.mulf %mul3A_1074, %sub3A_913 : vector<1x2048xf32>
    %sub3A_1082 = arith.subf %sub3A_973, %mul3A_1081 : vector<1x2048xf32>
    %mul3A_1083 = arith.mulf %mul3A_1074, %sub3A_915 : vector<1x2048xf32>
    %sub3A_1084 = arith.subf %sub3A_975, %mul3A_1083 : vector<1x2048xf32>
    %mul3A_1085 = arith.mulf %mul3A_1074, %sub3A_917 : vector<1x2048xf32>
    %sub3A_1086 = arith.subf %sub3A_977, %mul3A_1085 : vector<1x2048xf32>
    %mul3A_1087 = arith.mulf %sub3A_980, %div3A_995 : vector<1x2048xf32>
    %mul3A_1088 = arith.mulf %mul3A_1087, %sub3A_907 : vector<1x2048xf32>
    %sub3A_1089 = arith.subf %sub3A_982, %mul3A_1088 : vector<1x2048xf32>
    %mul3A_1090 = arith.mulf %mul3A_1087, %sub3A_909 : vector<1x2048xf32>
    %sub3A_1091 = arith.subf %sub3A_984, %mul3A_1090 : vector<1x2048xf32>
    %mul3A_1092 = arith.mulf %mul3A_1087, %sub3A_911 : vector<1x2048xf32>
    %sub3A_1093 = arith.subf %sub3A_986, %mul3A_1092 : vector<1x2048xf32>
    %mul3A_1094 = arith.mulf %mul3A_1087, %sub3A_913 : vector<1x2048xf32>
    %sub3A_1095 = arith.subf %sub3A_988, %mul3A_1094 : vector<1x2048xf32>
    %mul3A_1096 = arith.mulf %mul3A_1087, %sub3A_915 : vector<1x2048xf32>
    %sub3A_1097 = arith.subf %sub3A_990, %mul3A_1096 : vector<1x2048xf32>
    %mul3A_1098 = arith.mulf %mul3A_1087, %sub3A_917 : vector<1x2048xf32>
    %sub3A_1099 = arith.subf %sub3A_992, %mul3A_1098 : vector<1x2048xf32>
    %div3A_1100 = arith.constant 1.000000e+00 : f32
    %div3A_1101 = vector.broadcast %div3A_1100 : f32 to vector<1x2048xf32>
    %div3A_1102 = arith.divf %div3A_1101, %sub3A_1037 : vector<1x2048xf32>
    %mul3A_1103 = arith.mulf %sub3A_998, %div3A_1102 : vector<1x2048xf32>
    %mul3A_1104 = arith.mulf %mul3A_1103, %sub3A_1039 : vector<1x2048xf32>
    %sub3A_1105 = arith.subf %sub3A_1000, %mul3A_1104 : vector<1x2048xf32>
    %mul3A_1106 = arith.mulf %mul3A_1103, %sub3A_1041 : vector<1x2048xf32>
    %sub3A_1107 = arith.subf %sub3A_1002, %mul3A_1106 : vector<1x2048xf32>
    %mul3A_1108 = arith.mulf %mul3A_1103, %sub3A_1043 : vector<1x2048xf32>
    %sub3A_1109 = arith.subf %sub3A_1004, %mul3A_1108 : vector<1x2048xf32>
    %mul3A_1110 = arith.mulf %mul3A_1103, %sub3A_1045 : vector<1x2048xf32>
    %sub3A_1111 = arith.subf %sub3A_1006, %mul3A_1110 : vector<1x2048xf32>
    %mul3A_1112 = arith.mulf %mul3A_1103, %sub3A_1047 : vector<1x2048xf32>
    %sub3A_1113 = arith.subf %sub3A_1008, %mul3A_1112 : vector<1x2048xf32>
    %mul3A_1114 = arith.mulf %sub3A_1011, %div3A_1102 : vector<1x2048xf32>
    %mul3A_1115 = arith.mulf %mul3A_1114, %sub3A_1039 : vector<1x2048xf32>
    %sub3A_1116 = arith.subf %sub3A_1013, %mul3A_1115 : vector<1x2048xf32>
    %mul3A_1117 = arith.mulf %mul3A_1114, %sub3A_1041 : vector<1x2048xf32>
    %sub3A_1118 = arith.subf %sub3A_1015, %mul3A_1117 : vector<1x2048xf32>
    %mul3A_1119 = arith.mulf %mul3A_1114, %sub3A_1043 : vector<1x2048xf32>
    %sub3A_1120 = arith.subf %sub3A_1017, %mul3A_1119 : vector<1x2048xf32>
    %mul3A_1121 = arith.mulf %mul3A_1114, %sub3A_1045 : vector<1x2048xf32>
    %sub3A_1122 = arith.subf %sub3A_1019, %mul3A_1121 : vector<1x2048xf32>
    %mul3A_1123 = arith.mulf %mul3A_1114, %sub3A_1047 : vector<1x2048xf32>
    %sub3A_1124 = arith.subf %sub3A_1021, %mul3A_1123 : vector<1x2048xf32>
    %mul3A_1125 = arith.mulf %sub3A_1024, %div3A_1102 : vector<1x2048xf32>
    %mul3A_1126 = arith.mulf %mul3A_1125, %sub3A_1039 : vector<1x2048xf32>
    %sub3A_1127 = arith.subf %sub3A_1026, %mul3A_1126 : vector<1x2048xf32>
    %mul3A_1128 = arith.mulf %mul3A_1125, %sub3A_1041 : vector<1x2048xf32>
    %sub3A_1129 = arith.subf %sub3A_1028, %mul3A_1128 : vector<1x2048xf32>
    %mul3A_1130 = arith.mulf %mul3A_1125, %sub3A_1043 : vector<1x2048xf32>
    %sub3A_1131 = arith.subf %sub3A_1030, %mul3A_1130 : vector<1x2048xf32>
    %mul3A_1132 = arith.mulf %mul3A_1125, %sub3A_1045 : vector<1x2048xf32>
    %sub3A_1133 = arith.subf %sub3A_1032, %mul3A_1132 : vector<1x2048xf32>
    %mul3A_1134 = arith.mulf %mul3A_1125, %sub3A_1047 : vector<1x2048xf32>
    %sub3A_1135 = arith.subf %sub3A_1034, %mul3A_1134 : vector<1x2048xf32>
    %mul3A_1136 = arith.mulf %sub3A_907, %div3A_1102 : vector<1x2048xf32>
    %mul3A_1137 = arith.mulf %mul3A_1136, %sub3A_1039 : vector<1x2048xf32>
    %sub3A_1138 = arith.subf %sub3A_909, %mul3A_1137 : vector<1x2048xf32>
    %mul3A_1139 = arith.mulf %mul3A_1136, %sub3A_1041 : vector<1x2048xf32>
    %sub3A_1140 = arith.subf %sub3A_911, %mul3A_1139 : vector<1x2048xf32>
    %mul3A_1141 = arith.mulf %mul3A_1136, %sub3A_1043 : vector<1x2048xf32>
    %sub3A_1142 = arith.subf %sub3A_913, %mul3A_1141 : vector<1x2048xf32>
    %mul3A_1143 = arith.mulf %mul3A_1136, %sub3A_1045 : vector<1x2048xf32>
    %sub3A_1144 = arith.subf %sub3A_915, %mul3A_1143 : vector<1x2048xf32>
    %mul3A_1145 = arith.mulf %mul3A_1136, %sub3A_1047 : vector<1x2048xf32>
    %sub3A_1146 = arith.subf %sub3A_917, %mul3A_1145 : vector<1x2048xf32>
    %mul3A_1147 = arith.mulf %sub3A_1050, %div3A_1102 : vector<1x2048xf32>
    %mul3A_1148 = arith.mulf %mul3A_1147, %sub3A_1039 : vector<1x2048xf32>
    %sub3A_1149 = arith.subf %sub3A_1052, %mul3A_1148 : vector<1x2048xf32>
    %mul3A_1150 = arith.mulf %mul3A_1147, %sub3A_1041 : vector<1x2048xf32>
    %sub3A_1151 = arith.subf %sub3A_1054, %mul3A_1150 : vector<1x2048xf32>
    %mul3A_1152 = arith.mulf %mul3A_1147, %sub3A_1043 : vector<1x2048xf32>
    %sub3A_1153 = arith.subf %sub3A_1056, %mul3A_1152 : vector<1x2048xf32>
    %mul3A_1154 = arith.mulf %mul3A_1147, %sub3A_1045 : vector<1x2048xf32>
    %sub3A_1155 = arith.subf %sub3A_1058, %mul3A_1154 : vector<1x2048xf32>
    %mul3A_1156 = arith.mulf %mul3A_1147, %sub3A_1047 : vector<1x2048xf32>
    %sub3A_1157 = arith.subf %sub3A_1060, %mul3A_1156 : vector<1x2048xf32>
    %mul3A_1158 = arith.mulf %sub3A_1063, %div3A_1102 : vector<1x2048xf32>
    %mul3A_1159 = arith.mulf %mul3A_1158, %sub3A_1039 : vector<1x2048xf32>
    %sub3A_1160 = arith.subf %sub3A_1065, %mul3A_1159 : vector<1x2048xf32>
    %mul3A_1161 = arith.mulf %mul3A_1158, %sub3A_1041 : vector<1x2048xf32>
    %sub3A_1162 = arith.subf %sub3A_1067, %mul3A_1161 : vector<1x2048xf32>
    %mul3A_1163 = arith.mulf %mul3A_1158, %sub3A_1043 : vector<1x2048xf32>
    %sub3A_1164 = arith.subf %sub3A_1069, %mul3A_1163 : vector<1x2048xf32>
    %mul3A_1165 = arith.mulf %mul3A_1158, %sub3A_1045 : vector<1x2048xf32>
    %sub3A_1166 = arith.subf %sub3A_1071, %mul3A_1165 : vector<1x2048xf32>
    %mul3A_1167 = arith.mulf %mul3A_1158, %sub3A_1047 : vector<1x2048xf32>
    %sub3A_1168 = arith.subf %sub3A_1073, %mul3A_1167 : vector<1x2048xf32>
    %mul3A_1169 = arith.mulf %sub3A_1076, %div3A_1102 : vector<1x2048xf32>
    %mul3A_1170 = arith.mulf %mul3A_1169, %sub3A_1039 : vector<1x2048xf32>
    %sub3A_1171 = arith.subf %sub3A_1078, %mul3A_1170 : vector<1x2048xf32>
    %mul3A_1172 = arith.mulf %mul3A_1169, %sub3A_1041 : vector<1x2048xf32>
    %sub3A_1173 = arith.subf %sub3A_1080, %mul3A_1172 : vector<1x2048xf32>
    %mul3A_1174 = arith.mulf %mul3A_1169, %sub3A_1043 : vector<1x2048xf32>
    %sub3A_1175 = arith.subf %sub3A_1082, %mul3A_1174 : vector<1x2048xf32>
    %mul3A_1176 = arith.mulf %mul3A_1169, %sub3A_1045 : vector<1x2048xf32>
    %sub3A_1177 = arith.subf %sub3A_1084, %mul3A_1176 : vector<1x2048xf32>
    %mul3A_1178 = arith.mulf %mul3A_1169, %sub3A_1047 : vector<1x2048xf32>
    %sub3A_1179 = arith.subf %sub3A_1086, %mul3A_1178 : vector<1x2048xf32>
    %mul3A_1180 = arith.mulf %sub3A_1089, %div3A_1102 : vector<1x2048xf32>
    %mul3A_1181 = arith.mulf %mul3A_1180, %sub3A_1039 : vector<1x2048xf32>
    %sub3A_1182 = arith.subf %sub3A_1091, %mul3A_1181 : vector<1x2048xf32>
    %mul3A_1183 = arith.mulf %mul3A_1180, %sub3A_1041 : vector<1x2048xf32>
    %sub3A_1184 = arith.subf %sub3A_1093, %mul3A_1183 : vector<1x2048xf32>
    %mul3A_1185 = arith.mulf %mul3A_1180, %sub3A_1043 : vector<1x2048xf32>
    %sub3A_1186 = arith.subf %sub3A_1095, %mul3A_1185 : vector<1x2048xf32>
    %mul3A_1187 = arith.mulf %mul3A_1180, %sub3A_1045 : vector<1x2048xf32>
    %sub3A_1188 = arith.subf %sub3A_1097, %mul3A_1187 : vector<1x2048xf32>
    %mul3A_1189 = arith.mulf %mul3A_1180, %sub3A_1047 : vector<1x2048xf32>
    %sub3A_1190 = arith.subf %sub3A_1099, %mul3A_1189 : vector<1x2048xf32>
    %div3A_1191 = arith.constant 1.000000e+00 : f32
    %div3A_1192 = vector.broadcast %div3A_1191 : f32 to vector<1x2048xf32>
    %div3A_1193 = arith.divf %div3A_1192, %sub3A_1149 : vector<1x2048xf32>
    %mul3A_1194 = arith.mulf %sub3A_1105, %div3A_1193 : vector<1x2048xf32>
    %mul3A_1195 = arith.mulf %mul3A_1194, %sub3A_1151 : vector<1x2048xf32>
    %sub3A_1196 = arith.subf %sub3A_1107, %mul3A_1195 : vector<1x2048xf32>
    %mul3A_1197 = arith.mulf %mul3A_1194, %sub3A_1153 : vector<1x2048xf32>
    %sub3A_1198 = arith.subf %sub3A_1109, %mul3A_1197 : vector<1x2048xf32>
    %mul3A_1199 = arith.mulf %mul3A_1194, %sub3A_1155 : vector<1x2048xf32>
    %sub3A_1200 = arith.subf %sub3A_1111, %mul3A_1199 : vector<1x2048xf32>
    %mul3A_1201 = arith.mulf %mul3A_1194, %sub3A_1157 : vector<1x2048xf32>
    %sub3A_1202 = arith.subf %sub3A_1113, %mul3A_1201 : vector<1x2048xf32>
    %mul3A_1203 = arith.mulf %sub3A_1116, %div3A_1193 : vector<1x2048xf32>
    %mul3A_1204 = arith.mulf %mul3A_1203, %sub3A_1151 : vector<1x2048xf32>
    %sub3A_1205 = arith.subf %sub3A_1118, %mul3A_1204 : vector<1x2048xf32>
    %mul3A_1206 = arith.mulf %mul3A_1203, %sub3A_1153 : vector<1x2048xf32>
    %sub3A_1207 = arith.subf %sub3A_1120, %mul3A_1206 : vector<1x2048xf32>
    %mul3A_1208 = arith.mulf %mul3A_1203, %sub3A_1155 : vector<1x2048xf32>
    %sub3A_1209 = arith.subf %sub3A_1122, %mul3A_1208 : vector<1x2048xf32>
    %mul3A_1210 = arith.mulf %mul3A_1203, %sub3A_1157 : vector<1x2048xf32>
    %sub3A_1211 = arith.subf %sub3A_1124, %mul3A_1210 : vector<1x2048xf32>
    %mul3A_1212 = arith.mulf %sub3A_1127, %div3A_1193 : vector<1x2048xf32>
    %mul3A_1213 = arith.mulf %mul3A_1212, %sub3A_1151 : vector<1x2048xf32>
    %sub3A_1214 = arith.subf %sub3A_1129, %mul3A_1213 : vector<1x2048xf32>
    %mul3A_1215 = arith.mulf %mul3A_1212, %sub3A_1153 : vector<1x2048xf32>
    %sub3A_1216 = arith.subf %sub3A_1131, %mul3A_1215 : vector<1x2048xf32>
    %mul3A_1217 = arith.mulf %mul3A_1212, %sub3A_1155 : vector<1x2048xf32>
    %sub3A_1218 = arith.subf %sub3A_1133, %mul3A_1217 : vector<1x2048xf32>
    %mul3A_1219 = arith.mulf %mul3A_1212, %sub3A_1157 : vector<1x2048xf32>
    %sub3A_1220 = arith.subf %sub3A_1135, %mul3A_1219 : vector<1x2048xf32>
    %mul3A_1221 = arith.mulf %sub3A_1138, %div3A_1193 : vector<1x2048xf32>
    %mul3A_1222 = arith.mulf %mul3A_1221, %sub3A_1151 : vector<1x2048xf32>
    %sub3A_1223 = arith.subf %sub3A_1140, %mul3A_1222 : vector<1x2048xf32>
    %mul3A_1224 = arith.mulf %mul3A_1221, %sub3A_1153 : vector<1x2048xf32>
    %sub3A_1225 = arith.subf %sub3A_1142, %mul3A_1224 : vector<1x2048xf32>
    %mul3A_1226 = arith.mulf %mul3A_1221, %sub3A_1155 : vector<1x2048xf32>
    %sub3A_1227 = arith.subf %sub3A_1144, %mul3A_1226 : vector<1x2048xf32>
    %mul3A_1228 = arith.mulf %mul3A_1221, %sub3A_1157 : vector<1x2048xf32>
    %sub3A_1229 = arith.subf %sub3A_1146, %mul3A_1228 : vector<1x2048xf32>
    %mul3A_1230 = arith.mulf %sub3A_1039, %div3A_1193 : vector<1x2048xf32>
    %mul3A_1231 = arith.mulf %mul3A_1230, %sub3A_1151 : vector<1x2048xf32>
    %sub3A_1232 = arith.subf %sub3A_1041, %mul3A_1231 : vector<1x2048xf32>
    %mul3A_1233 = arith.mulf %mul3A_1230, %sub3A_1153 : vector<1x2048xf32>
    %sub3A_1234 = arith.subf %sub3A_1043, %mul3A_1233 : vector<1x2048xf32>
    %mul3A_1235 = arith.mulf %mul3A_1230, %sub3A_1155 : vector<1x2048xf32>
    %sub3A_1236 = arith.subf %sub3A_1045, %mul3A_1235 : vector<1x2048xf32>
    %mul3A_1237 = arith.mulf %mul3A_1230, %sub3A_1157 : vector<1x2048xf32>
    %sub3A_1238 = arith.subf %sub3A_1047, %mul3A_1237 : vector<1x2048xf32>
    %mul3A_1239 = arith.mulf %sub3A_1160, %div3A_1193 : vector<1x2048xf32>
    %mul3A_1240 = arith.mulf %mul3A_1239, %sub3A_1151 : vector<1x2048xf32>
    %sub3A_1241 = arith.subf %sub3A_1162, %mul3A_1240 : vector<1x2048xf32>
    %mul3A_1242 = arith.mulf %mul3A_1239, %sub3A_1153 : vector<1x2048xf32>
    %sub3A_1243 = arith.subf %sub3A_1164, %mul3A_1242 : vector<1x2048xf32>
    %mul3A_1244 = arith.mulf %mul3A_1239, %sub3A_1155 : vector<1x2048xf32>
    %sub3A_1245 = arith.subf %sub3A_1166, %mul3A_1244 : vector<1x2048xf32>
    %mul3A_1246 = arith.mulf %mul3A_1239, %sub3A_1157 : vector<1x2048xf32>
    %sub3A_1247 = arith.subf %sub3A_1168, %mul3A_1246 : vector<1x2048xf32>
    %mul3A_1248 = arith.mulf %sub3A_1171, %div3A_1193 : vector<1x2048xf32>
    %mul3A_1249 = arith.mulf %mul3A_1248, %sub3A_1151 : vector<1x2048xf32>
    %sub3A_1250 = arith.subf %sub3A_1173, %mul3A_1249 : vector<1x2048xf32>
    %mul3A_1251 = arith.mulf %mul3A_1248, %sub3A_1153 : vector<1x2048xf32>
    %sub3A_1252 = arith.subf %sub3A_1175, %mul3A_1251 : vector<1x2048xf32>
    %mul3A_1253 = arith.mulf %mul3A_1248, %sub3A_1155 : vector<1x2048xf32>
    %sub3A_1254 = arith.subf %sub3A_1177, %mul3A_1253 : vector<1x2048xf32>
    %mul3A_1255 = arith.mulf %mul3A_1248, %sub3A_1157 : vector<1x2048xf32>
    %sub3A_1256 = arith.subf %sub3A_1179, %mul3A_1255 : vector<1x2048xf32>
    %mul3A_1257 = arith.mulf %sub3A_1182, %div3A_1193 : vector<1x2048xf32>
    %mul3A_1258 = arith.mulf %mul3A_1257, %sub3A_1151 : vector<1x2048xf32>
    %sub3A_1259 = arith.subf %sub3A_1184, %mul3A_1258 : vector<1x2048xf32>
    %mul3A_1260 = arith.mulf %mul3A_1257, %sub3A_1153 : vector<1x2048xf32>
    %sub3A_1261 = arith.subf %sub3A_1186, %mul3A_1260 : vector<1x2048xf32>
    %mul3A_1262 = arith.mulf %mul3A_1257, %sub3A_1155 : vector<1x2048xf32>
    %sub3A_1263 = arith.subf %sub3A_1188, %mul3A_1262 : vector<1x2048xf32>
    %mul3A_1264 = arith.mulf %mul3A_1257, %sub3A_1157 : vector<1x2048xf32>
    %sub3A_1265 = arith.subf %sub3A_1190, %mul3A_1264 : vector<1x2048xf32>
    %div3A_1266 = arith.constant 1.000000e+00 : f32
    %div3A_1267 = vector.broadcast %div3A_1266 : f32 to vector<1x2048xf32>
    %div3A_1268 = arith.divf %div3A_1267, %sub3A_1241 : vector<1x2048xf32>
    %mul3A_1269 = arith.mulf %sub3A_1196, %div3A_1268 : vector<1x2048xf32>
    %mul3A_1270 = arith.mulf %mul3A_1269, %sub3A_1243 : vector<1x2048xf32>
    %sub3A_1271 = arith.subf %sub3A_1198, %mul3A_1270 : vector<1x2048xf32>
    %mul3A_1272 = arith.mulf %mul3A_1269, %sub3A_1245 : vector<1x2048xf32>
    %sub3A_1273 = arith.subf %sub3A_1200, %mul3A_1272 : vector<1x2048xf32>
    %mul3A_1274 = arith.mulf %mul3A_1269, %sub3A_1247 : vector<1x2048xf32>
    %sub3A_1275 = arith.subf %sub3A_1202, %mul3A_1274 : vector<1x2048xf32>
    %mul3A_1276 = arith.mulf %sub3A_1205, %div3A_1268 : vector<1x2048xf32>
    %mul3A_1277 = arith.mulf %mul3A_1276, %sub3A_1243 : vector<1x2048xf32>
    %sub3A_1278 = arith.subf %sub3A_1207, %mul3A_1277 : vector<1x2048xf32>
    %mul3A_1279 = arith.mulf %mul3A_1276, %sub3A_1245 : vector<1x2048xf32>
    %sub3A_1280 = arith.subf %sub3A_1209, %mul3A_1279 : vector<1x2048xf32>
    %mul3A_1281 = arith.mulf %mul3A_1276, %sub3A_1247 : vector<1x2048xf32>
    %sub3A_1282 = arith.subf %sub3A_1211, %mul3A_1281 : vector<1x2048xf32>
    %mul3A_1283 = arith.mulf %sub3A_1214, %div3A_1268 : vector<1x2048xf32>
    %mul3A_1284 = arith.mulf %mul3A_1283, %sub3A_1243 : vector<1x2048xf32>
    %sub3A_1285 = arith.subf %sub3A_1216, %mul3A_1284 : vector<1x2048xf32>
    %mul3A_1286 = arith.mulf %mul3A_1283, %sub3A_1245 : vector<1x2048xf32>
    %sub3A_1287 = arith.subf %sub3A_1218, %mul3A_1286 : vector<1x2048xf32>
    %mul3A_1288 = arith.mulf %mul3A_1283, %sub3A_1247 : vector<1x2048xf32>
    %sub3A_1289 = arith.subf %sub3A_1220, %mul3A_1288 : vector<1x2048xf32>
    %mul3A_1290 = arith.mulf %sub3A_1223, %div3A_1268 : vector<1x2048xf32>
    %mul3A_1291 = arith.mulf %mul3A_1290, %sub3A_1243 : vector<1x2048xf32>
    %sub3A_1292 = arith.subf %sub3A_1225, %mul3A_1291 : vector<1x2048xf32>
    %mul3A_1293 = arith.mulf %mul3A_1290, %sub3A_1245 : vector<1x2048xf32>
    %sub3A_1294 = arith.subf %sub3A_1227, %mul3A_1293 : vector<1x2048xf32>
    %mul3A_1295 = arith.mulf %mul3A_1290, %sub3A_1247 : vector<1x2048xf32>
    %sub3A_1296 = arith.subf %sub3A_1229, %mul3A_1295 : vector<1x2048xf32>
    %mul3A_1297 = arith.mulf %sub3A_1232, %div3A_1268 : vector<1x2048xf32>
    %mul3A_1298 = arith.mulf %mul3A_1297, %sub3A_1243 : vector<1x2048xf32>
    %sub3A_1299 = arith.subf %sub3A_1234, %mul3A_1298 : vector<1x2048xf32>
    %mul3A_1300 = arith.mulf %mul3A_1297, %sub3A_1245 : vector<1x2048xf32>
    %sub3A_1301 = arith.subf %sub3A_1236, %mul3A_1300 : vector<1x2048xf32>
    %mul3A_1302 = arith.mulf %mul3A_1297, %sub3A_1247 : vector<1x2048xf32>
    %sub3A_1303 = arith.subf %sub3A_1238, %mul3A_1302 : vector<1x2048xf32>
    %mul3A_1304 = arith.mulf %sub3A_1151, %div3A_1268 : vector<1x2048xf32>
    %mul3A_1305 = arith.mulf %mul3A_1304, %sub3A_1243 : vector<1x2048xf32>
    %sub3A_1306 = arith.subf %sub3A_1153, %mul3A_1305 : vector<1x2048xf32>
    %mul3A_1307 = arith.mulf %mul3A_1304, %sub3A_1245 : vector<1x2048xf32>
    %sub3A_1308 = arith.subf %sub3A_1155, %mul3A_1307 : vector<1x2048xf32>
    %mul3A_1309 = arith.mulf %mul3A_1304, %sub3A_1247 : vector<1x2048xf32>
    %sub3A_1310 = arith.subf %sub3A_1157, %mul3A_1309 : vector<1x2048xf32>
    %mul3A_1311 = arith.mulf %sub3A_1250, %div3A_1268 : vector<1x2048xf32>
    %mul3A_1312 = arith.mulf %mul3A_1311, %sub3A_1243 : vector<1x2048xf32>
    %sub3A_1313 = arith.subf %sub3A_1252, %mul3A_1312 : vector<1x2048xf32>
    %mul3A_1314 = arith.mulf %mul3A_1311, %sub3A_1245 : vector<1x2048xf32>
    %sub3A_1315 = arith.subf %sub3A_1254, %mul3A_1314 : vector<1x2048xf32>
    %mul3A_1316 = arith.mulf %mul3A_1311, %sub3A_1247 : vector<1x2048xf32>
    %sub3A_1317 = arith.subf %sub3A_1256, %mul3A_1316 : vector<1x2048xf32>
    %mul3A_1318 = arith.mulf %sub3A_1259, %div3A_1268 : vector<1x2048xf32>
    %mul3A_1319 = arith.mulf %mul3A_1318, %sub3A_1243 : vector<1x2048xf32>
    %sub3A_1320 = arith.subf %sub3A_1261, %mul3A_1319 : vector<1x2048xf32>
    %mul3A_1321 = arith.mulf %mul3A_1318, %sub3A_1245 : vector<1x2048xf32>
    %sub3A_1322 = arith.subf %sub3A_1263, %mul3A_1321 : vector<1x2048xf32>
    %mul3A_1323 = arith.mulf %mul3A_1318, %sub3A_1247 : vector<1x2048xf32>
    %sub3A_1324 = arith.subf %sub3A_1265, %mul3A_1323 : vector<1x2048xf32>
    %div3A_1325 = arith.constant 1.000000e+00 : f32
    %div3A_1326 = vector.broadcast %div3A_1325 : f32 to vector<1x2048xf32>
    %div3A_1327 = arith.divf %div3A_1326, %sub3A_1313 : vector<1x2048xf32>
    %mul3A_1328 = arith.mulf %sub3A_1271, %div3A_1327 : vector<1x2048xf32>
    %mul3A_1329 = arith.mulf %mul3A_1328, %sub3A_1315 : vector<1x2048xf32>
    %sub3A_1330 = arith.subf %sub3A_1273, %mul3A_1329 : vector<1x2048xf32>
    %mul3A_1331 = arith.mulf %mul3A_1328, %sub3A_1317 : vector<1x2048xf32>
    %sub3A_1332 = arith.subf %sub3A_1275, %mul3A_1331 : vector<1x2048xf32>
    %mul3A_1333 = arith.mulf %sub3A_1278, %div3A_1327 : vector<1x2048xf32>
    %mul3A_1334 = arith.mulf %mul3A_1333, %sub3A_1315 : vector<1x2048xf32>
    %sub3A_1335 = arith.subf %sub3A_1280, %mul3A_1334 : vector<1x2048xf32>
    %mul3A_1336 = arith.mulf %mul3A_1333, %sub3A_1317 : vector<1x2048xf32>
    %sub3A_1337 = arith.subf %sub3A_1282, %mul3A_1336 : vector<1x2048xf32>
    %mul3A_1338 = arith.mulf %sub3A_1285, %div3A_1327 : vector<1x2048xf32>
    %mul3A_1339 = arith.mulf %mul3A_1338, %sub3A_1315 : vector<1x2048xf32>
    %sub3A_1340 = arith.subf %sub3A_1287, %mul3A_1339 : vector<1x2048xf32>
    %mul3A_1341 = arith.mulf %mul3A_1338, %sub3A_1317 : vector<1x2048xf32>
    %sub3A_1342 = arith.subf %sub3A_1289, %mul3A_1341 : vector<1x2048xf32>
    %mul3A_1343 = arith.mulf %sub3A_1292, %div3A_1327 : vector<1x2048xf32>
    %mul3A_1344 = arith.mulf %mul3A_1343, %sub3A_1315 : vector<1x2048xf32>
    %sub3A_1345 = arith.subf %sub3A_1294, %mul3A_1344 : vector<1x2048xf32>
    %mul3A_1346 = arith.mulf %mul3A_1343, %sub3A_1317 : vector<1x2048xf32>
    %sub3A_1347 = arith.subf %sub3A_1296, %mul3A_1346 : vector<1x2048xf32>
    %mul3A_1348 = arith.mulf %sub3A_1299, %div3A_1327 : vector<1x2048xf32>
    %mul3A_1349 = arith.mulf %mul3A_1348, %sub3A_1315 : vector<1x2048xf32>
    %sub3A_1350 = arith.subf %sub3A_1301, %mul3A_1349 : vector<1x2048xf32>
    %mul3A_1351 = arith.mulf %mul3A_1348, %sub3A_1317 : vector<1x2048xf32>
    %sub3A_1352 = arith.subf %sub3A_1303, %mul3A_1351 : vector<1x2048xf32>
    %mul3A_1353 = arith.mulf %sub3A_1306, %div3A_1327 : vector<1x2048xf32>
    %mul3A_1354 = arith.mulf %mul3A_1353, %sub3A_1315 : vector<1x2048xf32>
    %sub3A_1355 = arith.subf %sub3A_1308, %mul3A_1354 : vector<1x2048xf32>
    %mul3A_1356 = arith.mulf %mul3A_1353, %sub3A_1317 : vector<1x2048xf32>
    %sub3A_1357 = arith.subf %sub3A_1310, %mul3A_1356 : vector<1x2048xf32>
    %mul3A_1358 = arith.mulf %sub3A_1243, %div3A_1327 : vector<1x2048xf32>
    %mul3A_1359 = arith.mulf %mul3A_1358, %sub3A_1315 : vector<1x2048xf32>
    %sub3A_1360 = arith.subf %sub3A_1245, %mul3A_1359 : vector<1x2048xf32>
    %mul3A_1361 = arith.mulf %mul3A_1358, %sub3A_1317 : vector<1x2048xf32>
    %sub3A_1362 = arith.subf %sub3A_1247, %mul3A_1361 : vector<1x2048xf32>
    %mul3A_1363 = arith.mulf %sub3A_1320, %div3A_1327 : vector<1x2048xf32>
    %mul3A_1364 = arith.mulf %mul3A_1363, %sub3A_1315 : vector<1x2048xf32>
    %sub3A_1365 = arith.subf %sub3A_1322, %mul3A_1364 : vector<1x2048xf32>
    %mul3A_1366 = arith.mulf %mul3A_1363, %sub3A_1317 : vector<1x2048xf32>
    %sub3A_1367 = arith.subf %sub3A_1324, %mul3A_1366 : vector<1x2048xf32>
    %div3A_1368 = arith.constant 1.000000e+00 : f32
    %div3A_1369 = vector.broadcast %div3A_1368 : f32 to vector<1x2048xf32>
    %div3A_1370 = arith.divf %div3A_1369, %sub3A_1365 : vector<1x2048xf32>
    %mul3A_1371 = arith.mulf %sub3A_1330, %div3A_1370 : vector<1x2048xf32>
    %mul3A_1372 = arith.mulf %mul3A_1371, %sub3A_1367 : vector<1x2048xf32>
    %sub3A_1373 = arith.subf %sub3A_1332, %mul3A_1372 : vector<1x2048xf32>
    %mul3A_1374 = arith.mulf %sub3A_1335, %div3A_1370 : vector<1x2048xf32>
    %mul3A_1375 = arith.mulf %mul3A_1374, %sub3A_1367 : vector<1x2048xf32>
    %sub3A_1376 = arith.subf %sub3A_1337, %mul3A_1375 : vector<1x2048xf32>
    %mul3A_1377 = arith.mulf %sub3A_1340, %div3A_1370 : vector<1x2048xf32>
    %mul3A_1378 = arith.mulf %mul3A_1377, %sub3A_1367 : vector<1x2048xf32>
    %sub3A_1379 = arith.subf %sub3A_1342, %mul3A_1378 : vector<1x2048xf32>
    %mul3A_1380 = arith.mulf %sub3A_1345, %div3A_1370 : vector<1x2048xf32>
    %mul3A_1381 = arith.mulf %mul3A_1380, %sub3A_1367 : vector<1x2048xf32>
    %sub3A_1382 = arith.subf %sub3A_1347, %mul3A_1381 : vector<1x2048xf32>
    %mul3A_1383 = arith.mulf %sub3A_1350, %div3A_1370 : vector<1x2048xf32>
    %mul3A_1384 = arith.mulf %mul3A_1383, %sub3A_1367 : vector<1x2048xf32>
    %sub3A_1385 = arith.subf %sub3A_1352, %mul3A_1384 : vector<1x2048xf32>
    %mul3A_1386 = arith.mulf %sub3A_1355, %div3A_1370 : vector<1x2048xf32>
    %mul3A_1387 = arith.mulf %mul3A_1386, %sub3A_1367 : vector<1x2048xf32>
    %sub3A_1388 = arith.subf %sub3A_1357, %mul3A_1387 : vector<1x2048xf32>
    %mul3A_1389 = arith.mulf %sub3A_1360, %div3A_1370 : vector<1x2048xf32>
    %mul3A_1390 = arith.mulf %mul3A_1389, %sub3A_1367 : vector<1x2048xf32>
    %sub3A_1391 = arith.subf %sub3A_1362, %mul3A_1390 : vector<1x2048xf32>
    %mul3A_1392 = arith.mulf %sub3A_1315, %div3A_1370 : vector<1x2048xf32>
    %mul3A_1393 = arith.mulf %mul3A_1392, %sub3A_1367 : vector<1x2048xf32>
    %sub3A_1394 = arith.subf %sub3A_1317, %mul3A_1393 : vector<1x2048xf32>
    %div3A_1395 = arith.divf %sub3A_1373, %add3A : vector<1x2048xf32>
    %div3A_1396 = arith.divf %sub3A_1376, %sub3A_581 : vector<1x2048xf32>
    %div3A_1397 = arith.divf %sub3A_1379, %sub3A_753 : vector<1x2048xf32>
    %div3A_1398 = arith.divf %sub3A_1382, %sub3A_905 : vector<1x2048xf32>
    %div3A_1399 = arith.divf %sub3A_1385, %sub3A_1037 : vector<1x2048xf32>
    %div3A_1400 = arith.divf %sub3A_1388, %sub3A_1149 : vector<1x2048xf32>
    %div3A_1401 = arith.divf %sub3A_1391, %sub3A_1241 : vector<1x2048xf32>
    %div3A_1402 = arith.divf %sub3A_1394, %sub3A_1313 : vector<1x2048xf32>
    %div3A_1403 = arith.divf %sub3A_1367, %sub3A_1365 : vector<1x2048xf32>
    %add3A_1404 = arith.addf %div3A_1395, %div3A_1396 : vector<1x2048xf32>
    %add3A_1405 = arith.addf %add3A_1404, %div3A_1397 : vector<1x2048xf32>
    %add3A_1406 = arith.addf %add3A_1405, %div3A_1398 : vector<1x2048xf32>
    %add3A_1407 = arith.addf %add3A_1406, %div3A_1399 : vector<1x2048xf32>
    %add3A_1408 = arith.addf %add3A_1407, %div3A_1400 : vector<1x2048xf32>
    %add3A_1409 = arith.addf %add3A_1408, %div3A_1401 : vector<1x2048xf32>
    %add3A_1410 = arith.addf %add3A_1409, %div3A_1402 : vector<1x2048xf32>
    %add3A_1411 = arith.addf %add3A_1410, %div3A_1403 : vector<1x2048xf32>
    %sub3A_1412 = arith.constant 1.000000e+00 : f32
    %sub3A_1413 = vector.broadcast %sub3A_1412 : f32 to vector<1x2048xf32>
    %sub3A_1414 = arith.subf %sub3A_1413, %add3A_1411 : vector<1x2048xf32>
    %mul3A_1415 = vector.broadcast %sub3A_1414 : vector<1x2048xf32> to vector<256x2048xf32>
    %mul3A_1416 = arith.mulf %mul3A_1415, %get3A_6 : vector<256x2048xf32>
    %mul3A_1417 = vector.broadcast %div3A_1395 : vector<1x2048xf32> to vector<256x2048xf32>
    %mul3A_1418 = arith.mulf %mul3A_1417, %get3A_11 : vector<256x2048xf32>
    %add3A_1419 = arith.addf %mul3A_1416, %mul3A_1418 : vector<256x2048xf32>
    %mul3A_1420 = vector.broadcast %div3A_1396 : vector<1x2048xf32> to vector<256x2048xf32>
    %mul3A_1421 = arith.mulf %mul3A_1420, %get3A_16 : vector<256x2048xf32>
    %add3A_1422 = arith.addf %add3A_1419, %mul3A_1421 : vector<256x2048xf32>
    %mul3A_1423 = vector.broadcast %div3A_1397 : vector<1x2048xf32> to vector<256x2048xf32>
    %mul3A_1424 = arith.mulf %mul3A_1423, %get3A_21 : vector<256x2048xf32>
    %add3A_1425 = arith.addf %add3A_1422, %mul3A_1424 : vector<256x2048xf32>
    %mul3A_1426 = vector.broadcast %div3A_1398 : vector<1x2048xf32> to vector<256x2048xf32>
    %mul3A_1427 = arith.mulf %mul3A_1426, %get3A_26 : vector<256x2048xf32>
    %add3A_1428 = arith.addf %add3A_1425, %mul3A_1427 : vector<256x2048xf32>
    %mul3A_1429 = vector.broadcast %div3A_1399 : vector<1x2048xf32> to vector<256x2048xf32>
    %mul3A_1430 = arith.mulf %mul3A_1429, %get3A_31 : vector<256x2048xf32>
    %add3A_1431 = arith.addf %add3A_1428, %mul3A_1430 : vector<256x2048xf32>
    %mul3A_1432 = vector.broadcast %div3A_1400 : vector<1x2048xf32> to vector<256x2048xf32>
    %mul3A_1433 = arith.mulf %mul3A_1432, %get3A_36 : vector<256x2048xf32>
    %add3A_1434 = arith.addf %add3A_1431, %mul3A_1433 : vector<256x2048xf32>
    %mul3A_1435 = vector.broadcast %div3A_1401 : vector<1x2048xf32> to vector<256x2048xf32>
    %mul3A_1436 = arith.mulf %mul3A_1435, %get3A_41 : vector<256x2048xf32>
    %add3A_1437 = arith.addf %add3A_1434, %mul3A_1436 : vector<256x2048xf32>
    %mul3A_1438 = vector.broadcast %div3A_1402 : vector<1x2048xf32> to vector<256x2048xf32>
    %mul3A_1439 = arith.mulf %mul3A_1438, %get3A_46 : vector<256x2048xf32>
    %add3A_1440 = arith.addf %add3A_1437, %mul3A_1439 : vector<256x2048xf32>
    %mul3A_1441 = vector.broadcast %div3A_1403 : vector<1x2048xf32> to vector<256x2048xf32>
    %mul3A_1442 = arith.mulf %mul3A_1441, %get3A_51 : vector<256x2048xf32>
    %add3A_1443 = arith.addf %add3A_1440, %mul3A_1442 : vector<256x2048xf32>
    %mul3A_1444 = arith.constant 5.000000e-01 : f32
    %mul3A_1445 = vector.broadcast %mul3A_1444 : f32 to vector<256x2048xf32>
    %mul3A_1446 = arith.mulf %get3A_1, %mul3A_1445 : vector<256x2048xf32>
    %mul3A_1447 = arith.constant 5.000000e-01 : f32
    %mul3A_1448 = vector.broadcast %mul3A_1447 : f32 to vector<256x2048xf32>
    %mul3A_1449 = arith.mulf %add3A_1443, %mul3A_1448 : vector<256x2048xf32>
    %add3A_1450 = arith.addf %mul3A_1446, %mul3A_1449 : vector<256x2048xf32>
    %swap3A = arith.constant 0 : index
    %swap3A_1451 = arith.constant 0 : index
    %swap3A_1452 = vector.load %arg2[%swap3A, %swap3A_1451] : memref<256x2048xf32, #tpu.memory_space<vmem>>, vector<256x2048xf32>
    tpu.vector_store %arg2[%swap3A, %swap3A_1451], %add3A_1450 {strides = array<i32>} : memref<256x2048xf32, #tpu.memory_space<vmem>>, vector<256x2048xf32>,
    return
  }
}

</mosaic_0001>

<sc_bundles>
// kernel: kernel.11.cloned.1.call-start
scs
__scs_entry_jumppad:
0x0: {  	(pc) =	sbr.rel $0x88, $3  }
0x1: {  	(tag) =	ssettag $0x0;
	lr =	simm.s32 $0x1  }
0x2: {  	[smem:$0x3F9F] =	sst lr;
	_ =	strace $0xD0000000  }
0x3: {  	_ = 	snop  }
0x4: {  	_ = 	snop  }
0x5: {  	_ = 	snop  }
0x6: {  	_ = 	snop  }
0x7: {  	_ = 	snop  }
__scs_overlays_trampoline_lowered:
0x8: {  	[smem:$0x3FAE] =	sst s0  }
0x9: {  	[smem:$0x3FAF] =	sst s1  }
0xa: {  	[smem:$0x3FB0] =	sst s2  }
0xb: {  	[smem:$0x3FB1] =	sst s3  }
0xc: {  	[smem:$0x3FB2] =	sst s4  }
0xd: {  	[smem:$0x3FB3] =	sst s5  }
0xe: {  	[smem:$0x3FB4] =	sst s6  }
0xf: {  	[smem:$0x3FB5] =	sst s7  }
0x10: {  	[smem:$0x3FB6] =	sst s8  }
0x11: {  	[smem:$0x3FB7] =	sst s9;
	s0 =	simm.s32 @!p0 $0x0  }
0x12: {  	s1 =	sld [smem:$0x3F9D];
	s0 =	simm.s32 @p0 $0x1  }
0x13: {  	[smem:$0x3FB8] =	sst s0;
	s0 =	simm.s32 @!p1 $0x0  }
0x14: {  	s2 =	sld [smem:$0x3F9C];
	s0 =	simm.s32 @p1 $0x1  }
0x15: {  	[smem:$0x3FB9] =	sst s0;
	s0 =	simm.s32 @!p2 $0x0  }
0x16: {  	s3 =	sld [smem:$0x3FDB];
	s0 =	simm.s32 @p2 $0x1  }
0x17: {  	s4 =	simm.s32 $0x1BF5;
	[smem:$0x3FBB] =	sst s0  }
0x18: {  	s0 =	sld [smem:$0x3F9E];
	_ =	swait.ge [sflag:s4], $0x0  }
0x19: {  	s7 =	sld [smem:$0x3F9F]  }
0x1a: {  	s8 =	sadd.s32 $0xFFFFE003, lr  }
0x1b: {  	s9 =	sadd.s32 $0xFFFFFEF7, lr;
	s5 =	simm.s32 $0xFFFFFFFF;
	p2 =	slt.u32 s8, $0xFFFFF086  }
0x1c: {  	p1 =	slt.u32 s9, $0xF7A;
	s5 =	simm.s32 @!p2 $0x0  }
0x1d: {  	s5 =	simm.s32 @p1 $0x1;
	p0 =	seq.s32 s7, s2  }
0x1e: {  	s7 =	smul.u32 @!p0 $0xF7A, s2;
	p2 =	seq.s32 @!p0 s5, $0x0  }
0x1f: {  	s9 =	smul.u32 $0xF7A, s1;
	s8 =	simm.s32 @!p0 $0x1BF5;
	p2 =	por !p2, p0  }
0x20: {  	[sflag:s8] =	ssyncset.s32 @!p0 $0xFFFFF086;
	s6 =	sadd.s32 @!p0 s3, s7;
	s7 =	simm.s32 @!p0 $0x108  }
0x21: {  	s3 =	sadd.s32 s3, s9;
	s6 =	sadd.s32 @!p0 $0x88, s6;
	s7 =	simm.s32 @p2 $0x1082  }
0x22: {  	[simem:s7], [sflag:s8] =	dma.local @!p0 [hbm:s6], $0xF7A  }
0x23: {  	s9 =	sor.u32 $0xD0000000, s2;
	s6 =	simm.s32 $0x108;
	_ =	swait.ge @!p0 [sflag:s8], $0x0  }
0x24: {  	s3 =	sadd.s32 $0x88, s3;
	s6 =	simm.s32 @!p1 $0x1082;
	[sflag:s4] =	ssyncset.s32 $0xFFFFF086  }
0x25: {  	[simem:s6], [sflag:s4] =	dma.local [hbm:s3], $0xF7A  }
0x26: {  	[smem:$0x3F9F] =	sst s1;
	(tag) =	ssettag s2;
	_ =	strace s9  }
0x27: {  	s1 =	sld [smem:$0x3FAF]  }
0x28: {  	s2 =	sld [smem:$0x3FB0]  }
0x29: {  	s4 =	sld [smem:$0x3FB2]  }
0x2a: {  	p0 =	seq.s32 s5, $0x0;
	s5 =	sld [smem:$0x3FB3]  }
0x2b: {  	s6 =	sld [smem:$0x3FB4]  }
0x2c: {  	s7 =	sld [smem:$0x3FB5]  }
0x2d: {  	s3 =	simm.s32 $0x108;
	s8 =	sld [smem:$0x3FB6]  }
0x2e: {  	s3 =	simm.s32 @!p0 $0x1082;
	s9 =	sld [smem:$0x3FB7]  }
0x2f: {  	lr =	sadd.s32 s0, s3;
	s0 =	sld [smem:$0x3FAE]  }
0x30: {  	s3 =	sld [smem:$0x3FB1]  }
0x31: {  	[smem:$0x3FBA] =	sst s10  }
0x32: {  	s10 =	sld [smem:$0x3FB8];
	_ =	sdelay $0x3  }
0x33: {  	p0 =	seq.s32 s10, $0x1;
	s10 =	sld [smem:$0x3FBA];
	_ =	sdelay $0x3  }
0x34: {  	[smem:$0x3FBA] =	sst s10  }
0x35: {  	s10 =	sld [smem:$0x3FB9];
	_ =	sdelay $0x3  }
0x36: {  	p1 =	seq.s32 s10, $0x1;
	s10 =	sld [smem:$0x3FBA];
	_ =	sdelay $0x3  }
0x37: {  	[smem:$0x3FBA] =	sst s10  }
0x38: {  	s10 =	sld [smem:$0x3FBB]  }
0x39: {  	_ = 	snop;
	(pc) =	sbr.ind lr, $3  }
0x3a: {  	_ = 	snop  }
0x3b: {  	_ = 	snop  }
0x3c: {  	p2 =	seq.s32 s10, $0x1;
	s10 =	sld [smem:$0x3FBA]  }
0x3d: {  	_ =	shalt  }
0x3e: {  	_ =	shalt  }
0x3f: {  	_ =	shalt  }
0x40: {  	_ =	shalt  }
0x41: {  	_ =	shalt  }
0x42: {  	_ =	shalt  }
0x43: {  	_ =	shalt  }
0x44: {  	_ =	shalt  }
0x45: {  	_ =	shalt  }
0x46: {  	_ =	shalt  }
0x47: {  	_ =	shalt  }
0x48: {  	_ =	shalt  }
0x49: {  	_ =	shalt  }
0x4a: {  	_ =	shalt  }
0x4b: {  	_ =	shalt  }
0x4c: {  	_ =	shalt  }
0x4d: {  	_ =	shalt  }
0x4e: {  	_ =	shalt  }
0x4f: {  	_ =	shalt  }
0x50: {  	_ =	shalt  }
0x51: {  	_ =	shalt  }
0x52: {  	_ =	shalt  }
0x53: {  	_ =	shalt  }
0x54: {  	_ =	shalt  }
0x55: {  	_ =	shalt  }
0x56: {  	_ =	shalt  }
0x57: {  	_ =	shalt  }
0x58: {  	_ =	shalt  }
0x59: {  	_ =	shalt  }
0x5a: {  	_ =	shalt  }
0x5b: {  	_ =	shalt  }
0x5c: {  	_ =	shalt  }
0x5d: {  	_ =	shalt  }
0x5e: {  	_ =	shalt  }
0x5f: {  	_ =	shalt  }
0x60: {  	_ =	shalt  }
0x61: {  	_ =	shalt  }
0x62: {  	_ =	shalt  }
0x63: {  	_ =	shalt  }
0x64: {  	_ =	shalt  }
0x65: {  	_ =	shalt  }
0x66: {  	_ =	shalt  }
0x67: {  	_ =	shalt  }
0x68: {  	_ =	shalt  }
0x69: {  	_ =	shalt  }
0x6a: {  	_ =	shalt  }
0x6b: {  	_ =	shalt  }
0x6c: {  	_ =	shalt  }
0x6d: {  	_ =	shalt  }
0x6e: {  	_ =	shalt  }
0x6f: {  	_ =	shalt  }
0x70: {  	_ =	shalt  }
0x71: {  	_ =	shalt  }
0x72: {  	_ =	shalt  }
0x73: {  	_ =	shalt  }
0x74: {  	_ =	shalt  }
0x75: {  	_ =	shalt  }
0x76: {  	_ =	shalt  }
0x77: {  	_ =	shalt  }
0x78: {  	_ =	shalt  }
0x79: {  	_ =	shalt  }
0x7a: {  	_ =	shalt  }
0x7b: {  	_ =	shalt  }
0x7c: {  	_ =	shalt  }
0x7d: {  	_ =	shalt  }
0x7e: {  	_ =	shalt  }
0x7f: {  	_ =	shalt  }
0x80: {  	_ =	shalt  }
0x81: {  	_ =	shalt  }
0x82: {  	_ =	shalt  }
0x83: {  	_ =	shalt  }
0x84: {  	_ =	shalt  }
0x85: {  	_ =	shalt  }
0x86: {  	_ =	shalt  }
0x87: {  	_ =	shalt  }
.Lfunc_end0:
.L_simem_size_0:
called_computation.1_lowered:
.L_overlay_start_0:
0x88: {  	s2 =	sld [smem:$0x3FD9]  }
0x89: {  	s3 =	sld [smem:$0x3FFE];
	_ =	sdelay $0x1  }
0x8a: {  	s1 =	srdreg.scid  }
0x8b: {  	s0 =	sand.u32 $0x1, s1  }
0x8c: {  	s17 =	sshll.u32 s0, $0xA;
	s2 =	sadd.s32 s3, s2  }
0x8d: {  	s2 =	sadd.s32 s2, s17  }
0x8e: {  	[smem:$0x3FC6] =	sst s2  }
0x8f: {  	_ = 	snop  }
0x90: {  	s2 =	sld [smem:$0x3FC8]  }
0x91: {  	s18 =	sld [smem:$0x3FD0];
	(tm) =	ssettm $0x1  }
0x92: {  	s4 =	sld [smem:$0x3FFB];
	_ =	sdelay $0x3  }
0x93: {  	_ =	strace s4  }
0x94: {  	s4 =	sld [smem:$0x3FFC];
	_ =	sdelay $0x3  }
0x95: {  	_ =	strace s4  }
0x96: {  	s4 =	sld [smem:$0x3FFD];
	_ =	sdelay $0x3  }
0x97: {  	_ =	strace s4  }
0x98: {  	_ =	strace $0x8FFFFFFF  }
0x99: {  	s19 =	sld [smem:$0x3FDB];
	_ =	sdelay $0x1  }
0x9a: {  	s5 =	simm.s32 $_scs_section_size  }
0x9b: {  	s6 =	simm.s32 $_size__tile_overlayer_lowered;
	s7 =	simm.s32 $_tile_overlayer_lowered  }
0x9c: {  	s22 =	simm.s32 $0x1BFF;
	s21 =	sshll.u32 s7, $0x1;
	s4 =	sadd.s32 s5, s19  }
0x9d: {  	s8 =	simm.s32 $0x0;
	s20 =	sshll.u32 s6, $0x1;
	s6 =	sadd.s32 s21, s4  }
0x9e: {  	[timem:s8], [sflag:s22] =	dma.local [hbm:s6], s20  }
0x9f: {  	_ =	swait.ge [sflag:s22], s20  }
0xa0: {  	s5 =	ssub.s32 $0x0, s20;
	[sflag:s22] =	ssyncset.done $0x0  }
0xa1: {  	[sflag:s22] =	ssyncadd.s32 s5;
	_ =	sdelay $0x1  }
0xa2: {  	s23 =	simm.s32 $0x1B8B  }
0xa3: {  	_ =	swait.ge [sflag:s23], $0x1  }
0xa4: {  	[sflag:s23] =	ssyncset.done $0x0  }
0xa5: {  	s25 =	simm.s32 $0x1B8E;
	s24 =	sld [smem:$0x3FFE];
	[sflag:s23] =	ssyncadd.s32 $0xFFFFFFFF  }
0xa6: {  	s26 =	simm.s32 $execute0_lowered;
	[smem:$0x3FD2] =	sst s25  }
0xa7: {  	s6 =	sshll.u32 s26, $0x1;
	_ =	strace $0x80000049;
	[dreg:$0x1] =	wrdreg $0xFFFFFFFF  }
0xa8: {  	s28 =	simm.s32 $_size_execute0_lowered;
	s4 =	sadd.s32 s4, s6;
	[dreg:$0x0] =	wrdreg $0x0  }
0xa9: {  	s6 =	sshll.u32 s28, $0x1;
	[dreg:$0x2] =	wrdreg s4  }
0xaa: {  	[dreg:$0x3] =	wrdreg s6  }
0xab: {  	[dreg:$0x4] =	wrdreg $0xC0  }
0xac: {  	_ =	task [dreg:s8], $0x5FFFF  }
0xad: {  	[dreg:$0x1] =	wrdreg $0xFFFFFFFF  }
0xae: {  	[dreg:$0x0] =	wrdreg $0x60  }
0xaf: {  	[dreg:$0x2] =	wrdreg s2  }
0xb0: {  	[dreg:$0x3] =	wrdreg s18  }
0xb1: {  	[dreg:$0x4] =	wrdreg s24  }
0xb2: {  	[dreg:$0x5] =	wrdreg $0x9  }
0xb3: {  	_ =	task.clear_ibuf [dreg:s8], $0x6FFFF;
	_ =	strace $0x90000049  }
0xb4: {  	s29 =	simm.s32 $0x9;
	_ =	strace $0x8000004B  }
0xb5: {  	_ =	swait.ge [sflag:s29], $0x1  }
0xb6: {  	[sflag:s29] =	ssyncadd.s32 $0xFFFFFFFF  }
0xb7: {  	_ =	strace $0x9000004B  }
0xb8: {  	_ =	sfence  }
0xb9: {  	s30 =	sld [smem:$0x0];
	_ =	sdelay $0x2  }
0xba: {  	s31 =	sshll.u32 s1, $0xD;
	s1 =	sshrl.u32 s1, $0x2  }
0xbb: {  	s3 =	sand.u32 $0x4000, s31;
	s1 =	sadd.s32 s1, s30  }
0xbc: {  	s0 =	sor.u32 s3, s0;
	s1 =	sshll.u32 s1, $0x11  }
0xbd: {  	s0 =	sor.u32 s1, s0  }
0xbe: {  	s0 =	sadd.s32 $0x8F2B, s0  }
0xbf: {  	[sflag:s0] =	ssyncadd.remote.s32 $0x1  }
0xc0: {  	_ =	sfence.sel $0xFFFF  }
0xc1: {  	[dreg:$0x0] =	wrdreg $0xFFFFFFFF;
	(pc) =	sbr.abs _section_cstart, $3  }
0xc2: {  	[dreg:$0x1] =	wrdreg $0xFFFFFFFF  }
0xc3: {  	_ =	task.clear_ibuf [dreg:s8], $0x2FFFF;
	_ =	strace $0x9FFFFFFF  }
0xc4: {  	(tm) =	ssettm $0x7FFFFFFF  }
0xc5: {  	_ =	shalt  }
tec
execute0_lowered:
.L_overlay_start_1:
0x0: {  	(tag) =	ssettag $0x1  }
0x1: {  	s1 =	rddreg [dreg:$0x0]  }
0x2: {  	s2 =	rddreg [dreg:$0x1];
	s3 =	srdreg.scid  }
0x3: {  	s0 =	stileid.u32;
	s4 =	rddreg [dreg:$0x2];
	s15 =	simm.s32 $0x80  }
0x4: {  	s16 =	simm.s32 $0x880;
	s17 =	simm.s32 $0x1080;
	s18 =	simm.s32 $0x1880  }
0x5: {  	s28 =	simm.s32 $0x6080;
	s29 =	simm.s32 $0x6880;
	s30 =	simm.s32 $0x7080  }
0x6: {  	s31 =	simm.s32 $0x7880;
	s5 =	sand.u32 $0x1, s3;
	s6 =	sshll.u32 s0, $0x1  }
0x7: {  	s3 =	simm.s32 $0x0;
	s12 =	sadd.s32 $0x1000, s4;
	s6 =	sor.u32 s5, s6  }
0x8: {  	[smem:$0x7FF] =	sst s3;
	s19 =	ssub.s32 $0x2, s5;
	s10 =	smul.u32 $0x280, s6  }
0x9: {  	_ =	strace $0x8000004A;
	s7 =	sshrl.u32 s19, $0x1;
	s6 =	smul.u32 $0x5000, s6  }
0xa: {  	s13 =	ssub.s32 s19, s7;
	s19 =	simm.s32 $0x2080;
	s20 =	sshrl.u32 s10, $0x3  }
0xb: {  	s21 =	sadd.s32 $0x80, s10;
	s4 =	sadd.s32 s12, s6;
	s24 =	sadd.s32 $0x100, s10  }
0xc: {  	s11 =	sadd.s32 $0x180, s10;
	s14 =	sadd.s32 $0x200, s10;
	s13 =	smax.u32 s13, $0x1  }
0xd: {  	s5 =	sadd.s32 s2, s20;
	s22 =	sshrl.u32 s21, $0x3;
	s23 =	sshll.u32 s21, $0x5  }
0xe: {  	s8 =	sshrl.u32 s24, $0x3;
	s9 =	sshll.u32 s24, $0x5;
	s25 =	sshrl.u32 s11, $0x3  }
0xf: {  	s11 =	sshll.u32 s11, $0x5;
	s26 =	sshrl.u32 s14, $0x3;
	s14 =	sshll.u32 s14, $0x5  }
0x10: {  	s20 =	simm.s32 $0x2880;
	s21 =	simm.s32 $0x3080;
	s24 =	simm.s32 $0x4880  }
0x11: {  	[dreg:$0x4] =	wrdreg s5;
	s5 =	sadd.s32 s2, s22;
	s6 =	sadd.s32 s12, s23  }
0x12: {  	s7 =	sadd.s32 s2, s8;
	s8 =	sadd.s32 s12, s9;
	s9 =	sadd.s32 s2, s25  }
0x13: {  	v2 =	vlaneseq.u32;
	s10 =	sadd.s32 s12, s11;
	s11 =	sadd.s32 s2, s26;
	s12 =	sadd.s32 s12, s14  }
0x14: {  	vm0 =	vmmov $0xffff;
	v1 =	vshrl.u32 v2, $0x3;
	s14 =	simm.s32 $0x2;
	s22 =	simm.s32 $0x3880;
	s23 =	simm.s32 $0x4080  }
0x15: {  	v0 =	vand.u32 $0x7, v2;
	v2 =	vor.u32 $0x8, v2;
	v1 =	vmul.u32 $0x8, v1;
	s25 =	simm.s32 $0x5080;
	s26 =	simm.s32 $0x5880;
	s2 =	simm.s32 $0x1  }
.LBB2_1:
0x16: {  	s0 =	rddreg [dreg:$0x4]  }
0x17: {  	[tilespmem:s3], [sflag:$0x2] =	stream.linear.gather [hbm4b:s0+s3], $0x80, $0x38;
	[tilespmem:$0x8080] =	vst v63  }
0x18: {  	_ =	swait.ge [sflag:s14], $0x80  }
0x19: {  	[sflag:s14] =	ssyncset.done $0x0  }
0x1a: {  	[sflag:s14] =	ssyncadd.s32 $0xFFFFFF80  }
0x1b: {  	v3 =	vld [tilespmem:$0x0];
	_ =	sdelay $0x4  }
0x1c: {  	v4 =	vshll.u32 v3, $0x1  }
0x1d: {  	v3 =	vand.u32 $0x7, v3;
	v4 =	vand.u32 $0xFFFFFFF0, v4  }
0x1e: {  	v3 =	vor.u32 v3, v4  }
0x1f: {  	v4 =	vperm.xlane v3, v0;
	_ =	sdelay $0x1  }
0x20: {  	v3 =	vperm.xlane v3, v2;
	v4 =	vadd.s32 v1, v4;
	_ =	sdelay $0x1  }
0x21: {  	v3 =	vadd.s32 v1, v3;
	_ =	sdelay $0x2  }
0x22: {  	[tilespmem:s15], [sflag:$0x1] =	stream.indirect_vreg.gather [hbm4b:s1+s3], $0x80, v4, vm0, $0xb8;
	[tilespmem:$0x8080] =	vst v63  }
0x23: {  	_ = 	snop  }
0x24: {  	[tilespmem:s16], [sflag:$0x1] =	stream.indirect_vreg.gather [hbm4b:s1+s3], $0x80, v3, vm0, $0xb8;
	[tilespmem:$0x8080] =	vst v63  }
0x25: {  	v3 =	vld [tilespmem:$0x10];
	_ =	sdelay $0x4  }
0x26: {  	v25 =	vshll.u32 v3, $0x1  }
0x27: {  	v3 =	vand.u32 $0x7, v3;
	v4 =	vand.u32 $0xFFFFFFF0, v25  }
0x28: {  	v3 =	vor.u32 v3, v4  }
0x29: {  	v4 =	vperm.xlane v3, v0;
	_ =	sdelay $0x1  }
0x2a: {  	v3 =	vperm.xlane v3, v2;
	v4 =	vadd.s32 v1, v4;
	_ =	sdelay $0x1  }
0x2b: {  	v3 =	vadd.s32 v1, v3;
	_ =	sdelay $0x2  }
0x2c: {  	[tilespmem:s17], [sflag:$0x1] =	stream.indirect_vreg.gather [hbm4b:s1+s3], $0x80, v4, vm0, $0xb8;
	[tilespmem:$0x8080] =	vst v63  }
0x2d: {  	_ = 	snop  }
0x2e: {  	[tilespmem:s18], [sflag:$0x1] =	stream.indirect_vreg.gather [hbm4b:s1+s3], $0x80, v3, vm0, $0xb8;
	[tilespmem:$0x8080] =	vst v63  }
0x2f: {  	v3 =	vld [tilespmem:$0x20];
	_ =	sdelay $0x4  }
0x30: {  	v26 =	vshll.u32 v3, $0x1  }
0x31: {  	v3 =	vand.u32 $0x7, v3;
	v4 =	vand.u32 $0xFFFFFFF0, v26  }
0x32: {  	v3 =	vor.u32 v3, v4  }
0x33: {  	v4 =	vperm.xlane v3, v0;
	_ =	sdelay $0x1  }
0x34: {  	v3 =	vperm.xlane v3, v2;
	v4 =	vadd.s32 v1, v4;
	_ =	sdelay $0x1  }
0x35: {  	v3 =	vadd.s32 v1, v3;
	_ =	sdelay $0x2  }
0x36: {  	[tilespmem:s19], [sflag:$0x1] =	stream.indirect_vreg.gather [hbm4b:s1+s3], $0x80, v4, vm0, $0xb8;
	[tilespmem:$0x8080] =	vst v63  }
0x37: {  	_ = 	snop  }
0x38: {  	[tilespmem:s20], [sflag:$0x1] =	stream.indirect_vreg.gather [hbm4b:s1+s3], $0x80, v3, vm0, $0xb8;
	[tilespmem:$0x8080] =	vst v63  }
0x39: {  	v3 =	vld [tilespmem:$0x30];
	_ =	sdelay $0x4  }
0x3a: {  	v27 =	vshll.u32 v3, $0x1  }
0x3b: {  	v3 =	vand.u32 $0x7, v3;
	v4 =	vand.u32 $0xFFFFFFF0, v27  }
0x3c: {  	v3 =	vor.u32 v3, v4  }
0x3d: {  	v4 =	vperm.xlane v3, v0;
	_ =	sdelay $0x1  }
0x3e: {  	v3 =	vperm.xlane v3, v2;
	v4 =	vadd.s32 v1, v4;
	_ =	sdelay $0x1  }
0x3f: {  	v3 =	vadd.s32 v1, v3;
	_ =	sdelay $0x2  }
0x40: {  	[tilespmem:s21], [sflag:$0x1] =	stream.indirect_vreg.gather [hbm4b:s1+s3], $0x80, v4, vm0, $0xb8;
	[tilespmem:$0x8080] =	vst v63  }
0x41: {  	_ = 	snop  }
0x42: {  	[tilespmem:s22], [sflag:$0x1] =	stream.indirect_vreg.gather [hbm4b:s1+s3], $0x80, v3, vm0, $0xb8;
	[tilespmem:$0x8080] =	vst v63  }
0x43: {  	v3 =	vld [tilespmem:$0x40];
	_ =	sdelay $0x4  }
0x44: {  	v28 =	vshll.u32 v3, $0x1  }
0x45: {  	v3 =	vand.u32 $0x7, v3;
	v4 =	vand.u32 $0xFFFFFFF0, v28  }
0x46: {  	v3 =	vor.u32 v3, v4  }
0x47: {  	v4 =	vperm.xlane v3, v0;
	_ =	sdelay $0x1  }
0x48: {  	v3 =	vperm.xlane v3, v2;
	v4 =	vadd.s32 v1, v4;
	_ =	sdelay $0x1  }
0x49: {  	v3 =	vadd.s32 v1, v3;
	_ =	sdelay $0x2  }
0x4a: {  	[tilespmem:s23], [sflag:$0x1] =	stream.indirect_vreg.gather [hbm4b:s1+s3], $0x80, v4, vm0, $0xb8;
	[tilespmem:$0x8080] =	vst v63  }
0x4b: {  	_ = 	snop  }
0x4c: {  	[tilespmem:s24], [sflag:$0x1] =	stream.indirect_vreg.gather [hbm4b:s1+s3], $0x80, v3, vm0, $0xb8;
	[tilespmem:$0x8080] =	vst v63  }
0x4d: {  	v3 =	vld [tilespmem:$0x50];
	_ =	sdelay $0x4  }
0x4e: {  	v29 =	vshll.u32 v3, $0x1  }
0x4f: {  	v3 =	vand.u32 $0x7, v3;
	v4 =	vand.u32 $0xFFFFFFF0, v29  }
0x50: {  	v3 =	vor.u32 v3, v4  }
0x51: {  	v4 =	vperm.xlane v3, v0;
	_ =	sdelay $0x1  }
0x52: {  	v3 =	vperm.xlane v3, v2;
	v4 =	vadd.s32 v1, v4;
	_ =	sdelay $0x1  }
0x53: {  	v3 =	vadd.s32 v1, v3;
	_ =	sdelay $0x2  }
0x54: {  	[tilespmem:s25], [sflag:$0x1] =	stream.indirect_vreg.gather [hbm4b:s1+s3], $0x80, v4, vm0, $0xb8;
	[tilespmem:$0x8080] =	vst v63  }
0x55: {  	_ = 	snop  }
0x56: {  	[tilespmem:s26], [sflag:$0x1] =	stream.indirect_vreg.gather [hbm4b:s1+s3], $0x80, v3, vm0, $0xb8;
	[tilespmem:$0x8080] =	vst v63  }
0x57: {  	v3 =	vld [tilespmem:$0x60];
	_ =	sdelay $0x4  }
0x58: {  	v30 =	vshll.u32 v3, $0x1  }
0x59: {  	v3 =	vand.u32 $0x7, v3;
	v4 =	vand.u32 $0xFFFFFFF0, v30  }
0x5a: {  	v3 =	vor.u32 v3, v4  }
0x5b: {  	v4 =	vperm.xlane v3, v0;
	_ =	sdelay $0x1  }
0x5c: {  	v3 =	vperm.xlane v3, v2;
	v4 =	vadd.s32 v1, v4;
	_ =	sdelay $0x1  }
0x5d: {  	v3 =	vadd.s32 v1, v3;
	_ =	sdelay $0x2  }
0x5e: {  	[tilespmem:s28], [sflag:$0x1] =	stream.indirect_vreg.gather [hbm4b:s1+s3], $0x80, v4, vm0, $0xb8;
	[tilespmem:$0x8080] =	vst v63  }
0x5f: {  	_ = 	snop  }
0x60: {  	[tilespmem:s29], [sflag:$0x1] =	stream.indirect_vreg.gather [hbm4b:s1+s3], $0x80, v3, vm0, $0xb8;
	[tilespmem:$0x8080] =	vst v63  }
0x61: {  	v3 =	vld [tilespmem:$0x70];
	_ =	sdelay $0x4  }
0x62: {  	v31 =	vshll.u32 v3, $0x1  }
0x63: {  	v3 =	vand.u32 $0x7, v3;
	v4 =	vand.u32 $0xFFFFFFF0, v31  }
0x64: {  	v3 =	vor.u32 v3, v4  }
0x65: {  	v4 =	vperm.xlane v3, v0;
	_ =	sdelay $0x1  }
0x66: {  	v3 =	vperm.xlane v3, v2;
	v4 =	vadd.s32 v1, v4;
	_ =	sdelay $0x1  }
0x67: {  	v3 =	vadd.s32 v1, v3;
	_ =	sdelay $0x2  }
0x68: {  	[tilespmem:s30], [sflag:$0x1] =	stream.indirect_vreg.gather [hbm4b:s1+s3], $0x80, v4, vm0, $0xb8;
	[tilespmem:$0x8080] =	vst v63  }
0x69: {  	_ = 	snop  }
0x6a: {  	[tilespmem:s31], [sflag:$0x1] =	stream.indirect_vreg.gather [hbm4b:s1+s3], $0x80, v3, vm0, $0xb8;
	[tilespmem:$0x8080] =	vst v63  }
0x6b: {  	_ =	swait.ge [sflag:s2], $0x8000  }
0x6c: {  	[sflag:s2] =	ssyncset.done $0x0  }
0x6d: {  	[sflag:s2] =	ssyncadd.s32 $0xFFFF8000  }
0x6e: {  	[hbm4b:s4+s3] =	stream.linear.scatter [tilespmem:s15], [sflag:$0x2], $0x8000, $0x38;
	[tilespmem:$0x8080] =	vst v63  }
0x6f: {  	_ =	swait.ge [sflag:s14], $0x8000  }
0x70: {  	[sflag:s14] =	ssyncset.done $0x0  }
0x71: {  	[sflag:s14] =	ssyncadd.s32 $0xFFFF8000  }
0x72: {  	[tilespmem:s3], [sflag:$0x2] =	stream.linear.gather [hbm4b:s5+s3], $0x80, $0x38;
	[tilespmem:$0x8080] =	vst v63  }
0x73: {  	_ =	swait.ge [sflag:s14], $0x80  }
0x74: {  	[sflag:s14] =	ssyncset.done $0x0  }
0x75: {  	[sflag:s14] =	ssyncadd.s32 $0xFFFFFF80  }
0x76: {  	v3 =	vld [tilespmem:$0x0];
	_ =	sdelay $0x4  }
0x77: {  	v32 =	vshll.u32 v3, $0x1  }
0x78: {  	v3 =	vand.u32 $0x7, v3;
	v4 =	vand.u32 $0xFFFFFFF0, v32  }
0x79: {  	v3 =	vor.u32 v3, v4  }
0x7a: {  	v4 =	vperm.xlane v3, v0;
	_ =	sdelay $0x1  }
0x7b: {  	v3 =	vperm.xlane v3, v2;
	v4 =	vadd.s32 v1, v4;
	_ =	sdelay $0x1  }
0x7c: {  	v3 =	vadd.s32 v1, v3;
	_ =	sdelay $0x2  }
0x7d: {  	[tilespmem:s15], [sflag:$0x1] =	stream.indirect_vreg.gather [hbm4b:s1+s3], $0x80, v4, vm0, $0xb8;
	[tilespmem:$0x8080] =	vst v63  }
0x7e: {  	_ = 	snop  }
0x7f: {  	[tilespmem:s16], [sflag:$0x1] =	stream.indirect_vreg.gather [hbm4b:s1+s3], $0x80, v3, vm0, $0xb8;
	[tilespmem:$0x8080] =	vst v63  }
0x80: {  	v3 =	vld [tilespmem:$0x10];
	_ =	sdelay $0x4  }
0x81: {  	v33 =	vshll.u32 v3, $0x1  }
0x82: {  	v3 =	vand.u32 $0x7, v3;
	v4 =	vand.u32 $0xFFFFFFF0, v33  }
0x83: {  	v3 =	vor.u32 v3, v4  }
0x84: {  	v4 =	vperm.xlane v3, v0;
	_ =	sdelay $0x1  }
0x85: {  	v3 =	vperm.xlane v3, v2;
	v4 =	vadd.s32 v1, v4;
	_ =	sdelay $0x1  }
0x86: {  	v3 =	vadd.s32 v1, v3;
	_ =	sdelay $0x2  }
0x87: {  	[tilespmem:s17], [sflag:$0x1] =	stream.indirect_vreg.gather [hbm4b:s1+s3], $0x80, v4, vm0, $0xb8;
	[tilespmem:$0x8080] =	vst v63  }
0x88: {  	_ = 	snop  }
0x89: {  	[tilespmem:s18], [sflag:$0x1] =	stream.indirect_vreg.gather [hbm4b:s1+s3], $0x80, v3, vm0, $0xb8;
	[tilespmem:$0x8080] =	vst v63  }
0x8a: {  	v3 =	vld [tilespmem:$0x20];
	_ =	sdelay $0x4  }
0x8b: {  	v34 =	vshll.u32 v3, $0x1  }
0x8c: {  	v3 =	vand.u32 $0x7, v3;
	v4 =	vand.u32 $0xFFFFFFF0, v34  }
0x8d: {  	v3 =	vor.u32 v3, v4  }
0x8e: {  	v4 =	vperm.xlane v3, v0;
	_ =	sdelay $0x1  }
0x8f: {  	v3 =	vperm.xlane v3, v2;
	v4 =	vadd.s32 v1, v4;
	_ =	sdelay $0x1  }
0x90: {  	v3 =	vadd.s32 v1, v3;
	_ =	sdelay $0x2  }
0x91: {  	[tilespmem:s19], [sflag:$0x1] =	stream.indirect_vreg.gather [hbm4b:s1+s3], $0x80, v4, vm0, $0xb8;
	[tilespmem:$0x8080] =	vst v63  }
0x92: {  	_ = 	snop  }
0x93: {  	[tilespmem:s20], [sflag:$0x1] =	stream.indirect_vreg.gather [hbm4b:s1+s3], $0x80, v3, vm0, $0xb8;
	[tilespmem:$0x8080] =	vst v63  }
0x94: {  	v3 =	vld [tilespmem:$0x30];
	_ =	sdelay $0x4  }
0x95: {  	v35 =	vshll.u32 v3, $0x1  }
0x96: {  	v3 =	vand.u32 $0x7, v3;
	v4 =	vand.u32 $0xFFFFFFF0, v35  }
0x97: {  	v3 =	vor.u32 v3, v4  }
0x98: {  	v4 =	vperm.xlane v3, v0;
	_ =	sdelay $0x1  }
0x99: {  	v3 =	vperm.xlane v3, v2;
	v4 =	vadd.s32 v1, v4;
	_ =	sdelay $0x1  }
0x9a: {  	v3 =	vadd.s32 v1, v3;
	_ =	sdelay $0x2  }
0x9b: {  	[tilespmem:s21], [sflag:$0x1] =	stream.indirect_vreg.gather [hbm4b:s1+s3], $0x80, v4, vm0, $0xb8;
	[tilespmem:$0x8080] =	vst v63  }
0x9c: {  	_ = 	snop  }
0x9d: {  	[tilespmem:s22], [sflag:$0x1] =	stream.indirect_vreg.gather [hbm4b:s1+s3], $0x80, v3, vm0, $0xb8;
	[tilespmem:$0x8080] =	vst v63  }
0x9e: {  	v3 =	vld [tilespmem:$0x40];
	_ =	sdelay $0x4  }
0x9f: {  	v36 =	vshll.u32 v3, $0x1  }
0xa0: {  	v3 =	vand.u32 $0x7, v3;
	v4 =	vand.u32 $0xFFFFFFF0, v36  }
0xa1: {  	v3 =	vor.u32 v3, v4  }
0xa2: {  	v4 =	vperm.xlane v3, v0;
	_ =	sdelay $0x1  }
0xa3: {  	v3 =	vperm.xlane v3, v2;
	v4 =	vadd.s32 v1, v4;
	_ =	sdelay $0x1  }
0xa4: {  	v3 =	vadd.s32 v1, v3;
	_ =	sdelay $0x2  }
0xa5: {  	[tilespmem:s23], [sflag:$0x1] =	stream.indirect_vreg.gather [hbm4b:s1+s3], $0x80, v4, vm0, $0xb8;
	[tilespmem:$0x8080] =	vst v63  }
0xa6: {  	_ = 	snop  }
0xa7: {  	[tilespmem:s24], [sflag:$0x1] =	stream.indirect_vreg.gather [hbm4b:s1+s3], $0x80, v3, vm0, $0xb8;
	[tilespmem:$0x8080] =	vst v63  }
0xa8: {  	v3 =	vld [tilespmem:$0x50];
	_ =	sdelay $0x4  }
0xa9: {  	v37 =	vshll.u32 v3, $0x1  }
0xaa: {  	v3 =	vand.u32 $0x7, v3;
	v4 =	vand.u32 $0xFFFFFFF0, v37  }
0xab: {  	v3 =	vor.u32 v3, v4  }
0xac: {  	v4 =	vperm.xlane v3, v0;
	_ =	sdelay $0x1  }
0xad: {  	v3 =	vperm.xlane v3, v2;
	v4 =	vadd.s32 v1, v4;
	_ =	sdelay $0x1  }
0xae: {  	v3 =	vadd.s32 v1, v3;
	_ =	sdelay $0x2  }
0xaf: {  	[tilespmem:s25], [sflag:$0x1] =	stream.indirect_vreg.gather [hbm4b:s1+s3], $0x80, v4, vm0, $0xb8;
	[tilespmem:$0x8080] =	vst v63  }
0xb0: {  	_ = 	snop  }
0xb1: {  	[tilespmem:s26], [sflag:$0x1] =	stream.indirect_vreg.gather [hbm4b:s1+s3], $0x80, v3, vm0, $0xb8;
	[tilespmem:$0x8080] =	vst v63  }
0xb2: {  	v3 =	vld [tilespmem:$0x60];
	_ =	sdelay $0x4  }
0xb3: {  	v38 =	vshll.u32 v3, $0x1  }
0xb4: {  	v3 =	vand.u32 $0x7, v3;
	v4 =	vand.u32 $0xFFFFFFF0, v38  }
0xb5: {  	v3 =	vor.u32 v3, v4  }
0xb6: {  	v4 =	vperm.xlane v3, v0;
	_ =	sdelay $0x1  }
0xb7: {  	v3 =	vperm.xlane v3, v2;
	v4 =	vadd.s32 v1, v4;
	_ =	sdelay $0x1  }
0xb8: {  	v3 =	vadd.s32 v1, v3;
	_ =	sdelay $0x2  }
0xb9: {  	[tilespmem:s28], [sflag:$0x1] =	stream.indirect_vreg.gather [hbm4b:s1+s3], $0x80, v4, vm0, $0xb8;
	[tilespmem:$0x8080] =	vst v63  }
0xba: {  	_ = 	snop  }
0xbb: {  	[tilespmem:s29], [sflag:$0x1] =	stream.indirect_vreg.gather [hbm4b:s1+s3], $0x80, v3, vm0, $0xb8;
	[tilespmem:$0x8080] =	vst v63  }
0xbc: {  	v3 =	vld [tilespmem:$0x70];
	_ =	sdelay $0x4  }
0xbd: {  	v39 =	vshll.u32 v3, $0x1  }
0xbe: {  	v3 =	vand.u32 $0x7, v3;
	v4 =	vand.u32 $0xFFFFFFF0, v39  }
0xbf: {  	v3 =	vor.u32 v3, v4  }
0xc0: {  	v4 =	vperm.xlane v3, v0;
	_ =	sdelay $0x1  }
0xc1: {  	v3 =	vperm.xlane v3, v2;
	v4 =	vadd.s32 v1, v4;
	_ =	sdelay $0x1  }
0xc2: {  	v3 =	vadd.s32 v1, v3;
	_ =	sdelay $0x2  }
0xc3: {  	[tilespmem:s30], [sflag:$0x1] =	stream.indirect_vreg.gather [hbm4b:s1+s3], $0x80, v4, vm0, $0xb8;
	[tilespmem:$0x8080] =	vst v63  }
0xc4: {  	_ = 	snop  }
0xc5: {  	[tilespmem:s31], [sflag:$0x1] =	stream.indirect_vreg.gather [hbm4b:s1+s3], $0x80, v3, vm0, $0xb8;
	[tilespmem:$0x8080] =	vst v63  }
0xc6: {  	_ =	swait.ge [sflag:s2], $0x8000  }
0xc7: {  	[sflag:s2] =	ssyncset.done $0x0  }
0xc8: {  	[sflag:s2] =	ssyncadd.s32 $0xFFFF8000  }
0xc9: {  	[hbm4b:s6+s3] =	stream.linear.scatter [tilespmem:s15], [sflag:$0x2], $0x8000, $0x38;
	[tilespmem:$0x8080] =	vst v63  }
0xca: {  	_ =	swait.ge [sflag:s14], $0x8000  }
0xcb: {  	[sflag:s14] =	ssyncset.done $0x0  }
0xcc: {  	[sflag:s14] =	ssyncadd.s32 $0xFFFF8000  }
0xcd: {  	[tilespmem:s3], [sflag:$0x2] =	stream.linear.gather [hbm4b:s7+s3], $0x80, $0x38;
	[tilespmem:$0x8080] =	vst v63  }
0xce: {  	_ =	swait.ge [sflag:s14], $0x80  }
0xcf: {  	[sflag:s14] =	ssyncset.done $0x0  }
0xd0: {  	[sflag:s14] =	ssyncadd.s32 $0xFFFFFF80  }
0xd1: {  	v3 =	vld [tilespmem:$0x0];
	_ =	sdelay $0x4  }
0xd2: {  	v40 =	vshll.u32 v3, $0x1  }
0xd3: {  	v3 =	vand.u32 $0x7, v3;
	v4 =	vand.u32 $0xFFFFFFF0, v40  }
0xd4: {  	v3 =	vor.u32 v3, v4  }
0xd5: {  	v4 =	vperm.xlane v3, v0;
	_ =	sdelay $0x1  }
0xd6: {  	v3 =	vperm.xlane v3, v2;
	v4 =	vadd.s32 v1, v4;
	_ =	sdelay $0x1  }
0xd7: {  	v3 =	vadd.s32 v1, v3;
	_ =	sdelay $0x2  }
0xd8: {  	[tilespmem:s15], [sflag:$0x1] =	stream.indirect_vreg.gather [hbm4b:s1+s3], $0x80, v4, vm0, $0xb8;
	[tilespmem:$0x8080] =	vst v63  }
0xd9: {  	_ = 	snop  }
0xda: {  	[tilespmem:s16], [sflag:$0x1] =	stream.indirect_vreg.gather [hbm4b:s1+s3], $0x80, v3, vm0, $0xb8;
	[tilespmem:$0x8080] =	vst v63  }
0xdb: {  	v3 =	vld [tilespmem:$0x10];
	_ =	sdelay $0x4  }
0xdc: {  	v41 =	vshll.u32 v3, $0x1  }
0xdd: {  	v3 =	vand.u32 $0x7, v3;
	v4 =	vand.u32 $0xFFFFFFF0, v41  }
0xde: {  	v3 =	vor.u32 v3, v4  }
0xdf: {  	v4 =	vperm.xlane v3, v0;
	_ =	sdelay $0x1  }
0xe0: {  	v3 =	vperm.xlane v3, v2;
	v4 =	vadd.s32 v1, v4;
	_ =	sdelay $0x1  }
0xe1: {  	v3 =	vadd.s32 v1, v3;
	_ =	sdelay $0x2  }
0xe2: {  	[tilespmem:s17], [sflag:$0x1] =	stream.indirect_vreg.gather [hbm4b:s1+s3], $0x80, v4, vm0, $0xb8;
	[tilespmem:$0x8080] =	vst v63  }
0xe3: {  	_ = 	snop  }
0xe4: {  	[tilespmem:s18], [sflag:$0x1] =	stream.indirect_vreg.gather [hbm4b:s1+s3], $0x80, v3, vm0, $0xb8;
	[tilespmem:$0x8080] =	vst v63  }
0xe5: {  	v3 =	vld [tilespmem:$0x20];
	_ =	sdelay $0x4  }
0xe6: {  	v42 =	vshll.u32 v3, $0x1  }
0xe7: {  	v3 =	vand.u32 $0x7, v3;
	v4 =	vand.u32 $0xFFFFFFF0, v42  }
0xe8: {  	v3 =	vor.u32 v3, v4  }
0xe9: {  	v4 =	vperm.xlane v3, v0;
	_ =	sdelay $0x1  }
0xea: {  	v3 =	vperm.xlane v3, v2;
	v4 =	vadd.s32 v1, v4;
	_ =	sdelay $0x1  }
0xeb: {  	v3 =	vadd.s32 v1, v3;
	_ =	sdelay $0x2  }
0xec: {  	[tilespmem:s19], [sflag:$0x1] =	stream.indirect_vreg.gather [hbm4b:s1+s3], $0x80, v4, vm0, $0xb8;
	[tilespmem:$0x8080] =	vst v63  }
0xed: {  	_ = 	snop  }
0xee: {  	[tilespmem:s20], [sflag:$0x1] =	stream.indirect_vreg.gather [hbm4b:s1+s3], $0x80, v3, vm0, $0xb8;
	[tilespmem:$0x8080] =	vst v63  }
0xef: {  	v3 =	vld [tilespmem:$0x30];
	_ =	sdelay $0x4  }
0xf0: {  	v43 =	vshll.u32 v3, $0x1  }
0xf1: {  	v3 =	vand.u32 $0x7, v3;
	v4 =	vand.u32 $0xFFFFFFF0, v43  }
0xf2: {  	v3 =	vor.u32 v3, v4  }
0xf3: {  	v4 =	vperm.xlane v3, v0;
	_ =	sdelay $0x1  }
0xf4: {  	v3 =	vperm.xlane v3, v2;
	v4 =	vadd.s32 v1, v4;
	_ =	sdelay $0x1  }
0xf5: {  	v3 =	vadd.s32 v1, v3;
	_ =	sdelay $0x2  }
0xf6: {  	[tilespmem:s21], [sflag:$0x1] =	stream.indirect_vreg.gather [hbm4b:s1+s3], $0x80, v4, vm0, $0xb8;
	[tilespmem:$0x8080] =	vst v63  }
0xf7: {  	_ = 	snop  }
0xf8: {  	[tilespmem:s22], [sflag:$0x1] =	stream.indirect_vreg.gather [hbm4b:s1+s3], $0x80, v3, vm0, $0xb8;
	[tilespmem:$0x8080] =	vst v63  }
0xf9: {  	v3 =	vld [tilespmem:$0x40];
	_ =	sdelay $0x4  }
0xfa: {  	v44 =	vshll.u32 v3, $0x1  }
0xfb: {  	v3 =	vand.u32 $0x7, v3;
	v4 =	vand.u32 $0xFFFFFFF0, v44  }
0xfc: {  	v3 =	vor.u32 v3, v4  }
0xfd: {  	v4 =	vperm.xlane v3, v0;
	_ =	sdelay $0x1  }
0xfe: {  	v3 =	vperm.xlane v3, v2;
	v4 =	vadd.s32 v1, v4;
	_ =	sdelay $0x1  }
0xff: {  	v3 =	vadd.s32 v1, v3;
	_ =	sdelay $0x2  }
0x100: {  	[tilespmem:s23], [sflag:$0x1] =	stream.indirect_vreg.gather [hbm4b:s1+s3], $0x80, v4, vm0, $0xb8;
	[tilespmem:$0x8080] =	vst v63  }
0x101: {  	_ = 	snop  }
0x102: {  	[tilespmem:s24], [sflag:$0x1] =	stream.indirect_vreg.gather [hbm4b:s1+s3], $0x80, v3, vm0, $0xb8;
	[tilespmem:$0x8080] =	vst v63  }
0x103: {  	v3 =	vld [tilespmem:$0x50];
	_ =	sdelay $0x4  }
0x104: {  	v45 =	vshll.u32 v3, $0x1  }
0x105: {  	v3 =	vand.u32 $0x7, v3;
	v4 =	vand.u32 $0xFFFFFFF0, v45  }
0x106: {  	v3 =	vor.u32 v3, v4  }
0x107: {  	v4 =	vperm.xlane v3, v0;
	_ =	sdelay $0x1  }
0x108: {  	v3 =	vperm.xlane v3, v2;
	v4 =	vadd.s32 v1, v4;
	_ =	sdelay $0x1  }
0x109: {  	v3 =	vadd.s32 v1, v3;
	_ =	sdelay $0x2  }
0x10a: {  	[tilespmem:s25], [sflag:$0x1] =	stream.indirect_vreg.gather [hbm4b:s1+s3], $0x80, v4, vm0, $0xb8;
	[tilespmem:$0x8080] =	vst v63  }
0x10b: {  	_ = 	snop  }
0x10c: {  	[tilespmem:s26], [sflag:$0x1] =	stream.indirect_vreg.gather [hbm4b:s1+s3], $0x80, v3, vm0, $0xb8;
	[tilespmem:$0x8080] =	vst v63  }
0x10d: {  	v3 =	vld [tilespmem:$0x60];
	_ =	sdelay $0x4  }
0x10e: {  	v46 =	vshll.u32 v3, $0x1  }
0x10f: {  	v3 =	vand.u32 $0x7, v3;
	v4 =	vand.u32 $0xFFFFFFF0, v46  }
0x110: {  	v3 =	vor.u32 v3, v4  }
0x111: {  	v4 =	vperm.xlane v3, v0;
	_ =	sdelay $0x1  }
0x112: {  	v3 =	vperm.xlane v3, v2;
	v4 =	vadd.s32 v1, v4;
	_ =	sdelay $0x1  }
0x113: {  	v3 =	vadd.s32 v1, v3;
	_ =	sdelay $0x2  }
0x114: {  	[tilespmem:s28], [sflag:$0x1] =	stream.indirect_vreg.gather [hbm4b:s1+s3], $0x80, v4, vm0, $0xb8;
	[tilespmem:$0x8080] =	vst v63  }
0x115: {  	_ = 	snop  }
0x116: {  	[tilespmem:s29], [sflag:$0x1] =	stream.indirect_vreg.gather [hbm4b:s1+s3], $0x80, v3, vm0, $0xb8;
	[tilespmem:$0x8080] =	vst v63  }
0x117: {  	v3 =	vld [tilespmem:$0x70];
	_ =	sdelay $0x4  }
0x118: {  	v47 =	vshll.u32 v3, $0x1  }
0x119: {  	v3 =	vand.u32 $0x7, v3;
	v4 =	vand.u32 $0xFFFFFFF0, v47  }
0x11a: {  	v3 =	vor.u32 v3, v4  }
0x11b: {  	v4 =	vperm.xlane v3, v0;
	_ =	sdelay $0x1  }
0x11c: {  	v3 =	vperm.xlane v3, v2;
	v4 =	vadd.s32 v1, v4;
	_ =	sdelay $0x1  }
0x11d: {  	v3 =	vadd.s32 v1, v3;
	_ =	sdelay $0x2  }
0x11e: {  	[tilespmem:s30], [sflag:$0x1] =	stream.indirect_vreg.gather [hbm4b:s1+s3], $0x80, v4, vm0, $0xb8;
	[tilespmem:$0x8080] =	vst v63  }
0x11f: {  	_ = 	snop  }
0x120: {  	[tilespmem:s31], [sflag:$0x1] =	stream.indirect_vreg.gather [hbm4b:s1+s3], $0x80, v3, vm0, $0xb8;
	[tilespmem:$0x8080] =	vst v63  }
0x121: {  	_ =	swait.ge [sflag:s2], $0x8000  }
0x122: {  	[sflag:s2] =	ssyncset.done $0x0  }
0x123: {  	[sflag:s2] =	ssyncadd.s32 $0xFFFF8000  }
0x124: {  	[hbm4b:s8+s3] =	stream.linear.scatter [tilespmem:s15], [sflag:$0x2], $0x8000, $0x38;
	[tilespmem:$0x8080] =	vst v63  }
0x125: {  	_ =	swait.ge [sflag:s14], $0x8000  }
0x126: {  	[sflag:s14] =	ssyncset.done $0x0  }
0x127: {  	[sflag:s14] =	ssyncadd.s32 $0xFFFF8000  }
0x128: {  	[tilespmem:s3], [sflag:$0x2] =	stream.linear.gather [hbm4b:s9+s3], $0x80, $0x38;
	[tilespmem:$0x8080] =	vst v63  }
0x129: {  	_ =	swait.ge [sflag:s14], $0x80  }
0x12a: {  	[sflag:s14] =	ssyncset.done $0x0  }
0x12b: {  	[sflag:s14] =	ssyncadd.s32 $0xFFFFFF80  }
0x12c: {  	v3 =	vld [tilespmem:$0x0];
	_ =	sdelay $0x4  }
0x12d: {  	v48 =	vshll.u32 v3, $0x1  }
0x12e: {  	v3 =	vand.u32 $0x7, v3;
	v4 =	vand.u32 $0xFFFFFFF0, v48  }
0x12f: {  	v3 =	vor.u32 v3, v4  }
0x130: {  	v4 =	vperm.xlane v3, v0;
	_ =	sdelay $0x1  }
0x131: {  	v3 =	vperm.xlane v3, v2;
	v4 =	vadd.s32 v1, v4;
	_ =	sdelay $0x1  }
0x132: {  	v3 =	vadd.s32 v1, v3;
	_ =	sdelay $0x2  }
0x133: {  	[tilespmem:s15], [sflag:$0x1] =	stream.indirect_vreg.gather [hbm4b:s1+s3], $0x80, v4, vm0, $0xb8;
	[tilespmem:$0x8080] =	vst v63  }
0x134: {  	_ = 	snop  }
0x135: {  	[tilespmem:s16], [sflag:$0x1] =	stream.indirect_vreg.gather [hbm4b:s1+s3], $0x80, v3, vm0, $0xb8;
	[tilespmem:$0x8080] =	vst v63  }
0x136: {  	v3 =	vld [tilespmem:$0x10];
	_ =	sdelay $0x4  }
0x137: {  	v49 =	vshll.u32 v3, $0x1  }
0x138: {  	v3 =	vand.u32 $0x7, v3;
	v4 =	vand.u32 $0xFFFFFFF0, v49  }
0x139: {  	v3 =	vor.u32 v3, v4  }
0x13a: {  	v4 =	vperm.xlane v3, v0;
	_ =	sdelay $0x1  }
0x13b: {  	v3 =	vperm.xlane v3, v2;
	v4 =	vadd.s32 v1, v4;
	_ =	sdelay $0x1  }
0x13c: {  	v3 =	vadd.s32 v1, v3;
	_ =	sdelay $0x2  }
0x13d: {  	[tilespmem:s17], [sflag:$0x1] =	stream.indirect_vreg.gather [hbm4b:s1+s3], $0x80, v4, vm0, $0xb8;
	[tilespmem:$0x8080] =	vst v63  }
0x13e: {  	_ = 	snop  }
0x13f: {  	[tilespmem:s18], [sflag:$0x1] =	stream.indirect_vreg.gather [hbm4b:s1+s3], $0x80, v3, vm0, $0xb8;
	[tilespmem:$0x8080] =	vst v63  }
0x140: {  	v3 =	vld [tilespmem:$0x20];
	_ =	sdelay $0x4  }
0x141: {  	v50 =	vshll.u32 v3, $0x1  }
0x142: {  	v3 =	vand.u32 $0x7, v3;
	v4 =	vand.u32 $0xFFFFFFF0, v50  }
0x143: {  	v3 =	vor.u32 v3, v4  }
0x144: {  	v4 =	vperm.xlane v3, v0;
	_ =	sdelay $0x1  }
0x145: {  	v3 =	vperm.xlane v3, v2;
	v4 =	vadd.s32 v1, v4;
	_ =	sdelay $0x1  }
0x146: {  	v3 =	vadd.s32 v1, v3;
	_ =	sdelay $0x2  }
0x147: {  	[tilespmem:s19], [sflag:$0x1] =	stream.indirect_vreg.gather [hbm4b:s1+s3], $0x80, v4, vm0, $0xb8;
	[tilespmem:$0x8080] =	vst v63  }
0x148: {  	_ = 	snop  }
0x149: {  	[tilespmem:s20], [sflag:$0x1] =	stream.indirect_vreg.gather [hbm4b:s1+s3], $0x80, v3, vm0, $0xb8;
	[tilespmem:$0x8080] =	vst v63  }
0x14a: {  	v3 =	vld [tilespmem:$0x30];
	_ =	sdelay $0x4  }
0x14b: {  	v51 =	vshll.u32 v3, $0x1  }
0x14c: {  	v3 =	vand.u32 $0x7, v3;
	v4 =	vand.u32 $0xFFFFFFF0, v51  }
0x14d: {  	v3 =	vor.u32 v3, v4  }
0x14e: {  	v4 =	vperm.xlane v3, v0;
	_ =	sdelay $0x1  }
0x14f: {  	v3 =	vperm.xlane v3, v2;
	v4 =	vadd.s32 v1, v4;
	_ =	sdelay $0x1  }
0x150: {  	v3 =	vadd.s32 v1, v3;
	_ =	sdelay $0x2  }
0x151: {  	[tilespmem:s21], [sflag:$0x1] =	stream.indirect_vreg.gather [hbm4b:s1+s3], $0x80, v4, vm0, $0xb8;
	[tilespmem:$0x8080] =	vst v63  }
0x152: {  	_ = 	snop  }
0x153: {  	[tilespmem:s22], [sflag:$0x1] =	stream.indirect_vreg.gather [hbm4b:s1+s3], $0x80, v3, vm0, $0xb8;
	[tilespmem:$0x8080] =	vst v63  }
0x154: {  	v3 =	vld [tilespmem:$0x40];
	_ =	sdelay $0x4  }
0x155: {  	v52 =	vshll.u32 v3, $0x1  }
0x156: {  	v3 =	vand.u32 $0x7, v3;
	v4 =	vand.u32 $0xFFFFFFF0, v52  }
0x157: {  	v3 =	vor.u32 v3, v4  }
0x158: {  	v4 =	vperm.xlane v3, v0;
	_ =	sdelay $0x1  }
0x159: {  	v3 =	vperm.xlane v3, v2;
	v4 =	vadd.s32 v1, v4;
	_ =	sdelay $0x1  }
0x15a: {  	v3 =	vadd.s32 v1, v3;
	_ =	sdelay $0x2  }
0x15b: {  	[tilespmem:s23], [sflag:$0x1] =	stream.indirect_vreg.gather [hbm4b:s1+s3], $0x80, v4, vm0, $0xb8;
	[tilespmem:$0x8080] =	vst v63  }
0x15c: {  	_ = 	snop  }
0x15d: {  	[tilespmem:s24], [sflag:$0x1] =	stream.indirect_vreg.gather [hbm4b:s1+s3], $0x80, v3, vm0, $0xb8;
	[tilespmem:$0x8080] =	vst v63  }
0x15e: {  	v3 =	vld [tilespmem:$0x50];
	_ =	sdelay $0x4  }
0x15f: {  	v53 =	vshll.u32 v3, $0x1  }
0x160: {  	v3 =	vand.u32 $0x7, v3;
	v4 =	vand.u32 $0xFFFFFFF0, v53  }
0x161: {  	v3 =	vor.u32 v3, v4  }
0x162: {  	v4 =	vperm.xlane v3, v0;
	_ =	sdelay $0x1  }
0x163: {  	v3 =	vperm.xlane v3, v2;
	v4 =	vadd.s32 v1, v4;
	_ =	sdelay $0x1  }
0x164: {  	v3 =	vadd.s32 v1, v3;
	_ =	sdelay $0x2  }
0x165: {  	[tilespmem:s25], [sflag:$0x1] =	stream.indirect_vreg.gather [hbm4b:s1+s3], $0x80, v4, vm0, $0xb8;
	[tilespmem:$0x8080] =	vst v63  }
0x166: {  	_ = 	snop  }
0x167: {  	[tilespmem:s26], [sflag:$0x1] =	stream.indirect_vreg.gather [hbm4b:s1+s3], $0x80, v3, vm0, $0xb8;
	[tilespmem:$0x8080] =	vst v63  }
0x168: {  	v3 =	vld [tilespmem:$0x60];
	_ =	sdelay $0x4  }
0x169: {  	v54 =	vshll.u32 v3, $0x1  }
0x16a: {  	v3 =	vand.u32 $0x7, v3;
	v4 =	vand.u32 $0xFFFFFFF0, v54  }
0x16b: {  	v3 =	vor.u32 v3, v4  }
0x16c: {  	v4 =	vperm.xlane v3, v0;
	_ =	sdelay $0x1  }
0x16d: {  	v3 =	vperm.xlane v3, v2;
	v4 =	vadd.s32 v1, v4;
	_ =	sdelay $0x1  }
0x16e: {  	v3 =	vadd.s32 v1, v3;
	_ =	sdelay $0x2  }
0x16f: {  	[tilespmem:s28], [sflag:$0x1] =	stream.indirect_vreg.gather [hbm4b:s1+s3], $0x80, v4, vm0, $0xb8;
	[tilespmem:$0x8080] =	vst v63  }
0x170: {  	_ = 	snop  }
0x171: {  	[tilespmem:s29], [sflag:$0x1] =	stream.indirect_vreg.gather [hbm4b:s1+s3], $0x80, v3, vm0, $0xb8;
	[tilespmem:$0x8080] =	vst v63  }
0x172: {  	v3 =	vld [tilespmem:$0x70];
	_ =	sdelay $0x4  }
0x173: {  	v55 =	vshll.u32 v3, $0x1  }
0x174: {  	v3 =	vand.u32 $0x7, v3;
	v4 =	vand.u32 $0xFFFFFFF0, v55  }
0x175: {  	v3 =	vor.u32 v3, v4  }
0x176: {  	v4 =	vperm.xlane v3, v0;
	_ =	sdelay $0x1  }
0x177: {  	v3 =	vperm.xlane v3, v2;
	v4 =	vadd.s32 v1, v4;
	_ =	sdelay $0x1  }
0x178: {  	v3 =	vadd.s32 v1, v3;
	_ =	sdelay $0x2  }
0x179: {  	[tilespmem:s30], [sflag:$0x1] =	stream.indirect_vreg.gather [hbm4b:s1+s3], $0x80, v4, vm0, $0xb8;
	[tilespmem:$0x8080] =	vst v63  }
0x17a: {  	_ = 	snop  }
0x17b: {  	[tilespmem:s31], [sflag:$0x1] =	stream.indirect_vreg.gather [hbm4b:s1+s3], $0x80, v3, vm0, $0xb8;
	[tilespmem:$0x8080] =	vst v63  }
0x17c: {  	_ =	swait.ge [sflag:s2], $0x8000  }
0x17d: {  	[sflag:s2] =	ssyncset.done $0x0  }
0x17e: {  	[sflag:s2] =	ssyncadd.s32 $0xFFFF8000  }
0x17f: {  	[hbm4b:s10+s3] =	stream.linear.scatter [tilespmem:s15], [sflag:$0x2], $0x8000, $0x38;
	[tilespmem:$0x8080] =	vst v63  }
0x180: {  	_ =	swait.ge [sflag:s14], $0x8000  }
0x181: {  	[sflag:s14] =	ssyncset.done $0x0  }
0x182: {  	[sflag:s14] =	ssyncadd.s32 $0xFFFF8000  }
0x183: {  	[tilespmem:s3], [sflag:$0x2] =	stream.linear.gather [hbm4b:s11+s3], $0x80, $0x38;
	[tilespmem:$0x8080] =	vst v63  }
0x184: {  	_ =	swait.ge [sflag:s14], $0x80  }
0x185: {  	[sflag:s14] =	ssyncset.done $0x0  }
0x186: {  	[sflag:s14] =	ssyncadd.s32 $0xFFFFFF80  }
0x187: {  	v3 =	vld [tilespmem:$0x0];
	_ =	sdelay $0x4  }
0x188: {  	v56 =	vshll.u32 v3, $0x1  }
0x189: {  	v3 =	vand.u32 $0x7, v3;
	v4 =	vand.u32 $0xFFFFFFF0, v56  }
0x18a: {  	v3 =	vor.u32 v3, v4  }
0x18b: {  	v4 =	vperm.xlane v3, v0;
	_ =	sdelay $0x1  }
0x18c: {  	v3 =	vperm.xlane v3, v2;
	v4 =	vadd.s32 v1, v4;
	_ =	sdelay $0x1  }
0x18d: {  	v3 =	vadd.s32 v1, v3;
	_ =	sdelay $0x2  }
0x18e: {  	[tilespmem:s15], [sflag:$0x1] =	stream.indirect_vreg.gather [hbm4b:s1+s3], $0x80, v4, vm0, $0xb8;
	[tilespmem:$0x8080] =	vst v63  }
0x18f: {  	_ = 	snop  }
0x190: {  	[tilespmem:s16], [sflag:$0x1] =	stream.indirect_vreg.gather [hbm4b:s1+s3], $0x80, v3, vm0, $0xb8;
	[tilespmem:$0x8080] =	vst v63  }
0x191: {  	v3 =	vld [tilespmem:$0x10];
	_ =	sdelay $0x4  }
0x192: {  	v57 =	vshll.u32 v3, $0x1  }
0x193: {  	v3 =	vand.u32 $0x7, v3;
	v4 =	vand.u32 $0xFFFFFFF0, v57  }
0x194: {  	v3 =	vor.u32 v3, v4  }
0x195: {  	v4 =	vperm.xlane v3, v0;
	_ =	sdelay $0x1  }
0x196: {  	v3 =	vperm.xlane v3, v2;
	v4 =	vadd.s32 v1, v4;
	_ =	sdelay $0x1  }
0x197: {  	v3 =	vadd.s32 v1, v3;
	_ =	sdelay $0x2  }
0x198: {  	[tilespmem:s17], [sflag:$0x1] =	stream.indirect_vreg.gather [hbm4b:s1+s3], $0x80, v4, vm0, $0xb8;
	[tilespmem:$0x8080] =	vst v63  }
0x199: {  	_ = 	snop  }
0x19a: {  	[tilespmem:s18], [sflag:$0x1] =	stream.indirect_vreg.gather [hbm4b:s1+s3], $0x80, v3, vm0, $0xb8;
	[tilespmem:$0x8080] =	vst v63  }
0x19b: {  	v3 =	vld [tilespmem:$0x20];
	_ =	sdelay $0x4  }
0x19c: {  	v58 =	vshll.u32 v3, $0x1  }
0x19d: {  	v3 =	vand.u32 $0x7, v3;
	v4 =	vand.u32 $0xFFFFFFF0, v58  }
0x19e: {  	v3 =	vor.u32 v3, v4  }
0x19f: {  	v4 =	vperm.xlane v3, v0;
	_ =	sdelay $0x1  }
0x1a0: {  	v3 =	vperm.xlane v3, v2;
	v4 =	vadd.s32 v1, v4;
	_ =	sdelay $0x1  }
0x1a1: {  	v3 =	vadd.s32 v1, v3;
	_ =	sdelay $0x2  }
0x1a2: {  	[tilespmem:s19], [sflag:$0x1] =	stream.indirect_vreg.gather [hbm4b:s1+s3], $0x80, v4, vm0, $0xb8;
	[tilespmem:$0x8080] =	vst v63  }
0x1a3: {  	_ = 	snop  }
0x1a4: {  	[tilespmem:s20], [sflag:$0x1] =	stream.indirect_vreg.gather [hbm4b:s1+s3], $0x80, v3, vm0, $0xb8;
	[tilespmem:$0x8080] =	vst v63  }
0x1a5: {  	v3 =	vld [tilespmem:$0x30];
	_ =	sdelay $0x4  }
0x1a6: {  	v59 =	vshll.u32 v3, $0x1  }
0x1a7: {  	v3 =	vand.u32 $0x7, v3;
	v4 =	vand.u32 $0xFFFFFFF0, v59  }
0x1a8: {  	v3 =	vor.u32 v3, v4  }
0x1a9: {  	v4 =	vperm.xlane v3, v0;
	_ =	sdelay $0x1  }
0x1aa: {  	v3 =	vperm.xlane v3, v2;
	v4 =	vadd.s32 v1, v4;
	_ =	sdelay $0x1  }
0x1ab: {  	v3 =	vadd.s32 v1, v3;
	_ =	sdelay $0x2  }
0x1ac: {  	[tilespmem:s21], [sflag:$0x1] =	stream.indirect_vreg.gather [hbm4b:s1+s3], $0x80, v4, vm0, $0xb8;
	[tilespmem:$0x8080] =	vst v63  }
0x1ad: {  	_ = 	snop  }
0x1ae: {  	[tilespmem:s22], [sflag:$0x1] =	stream.indirect_vreg.gather [hbm4b:s1+s3], $0x80, v3, vm0, $0xb8;
	[tilespmem:$0x8080] =	vst v63  }
0x1af: {  	v3 =	vld [tilespmem:$0x40];
	_ =	sdelay $0x4  }
0x1b0: {  	v60 =	vshll.u32 v3, $0x1  }
0x1b1: {  	v3 =	vand.u32 $0x7, v3;
	v4 =	vand.u32 $0xFFFFFFF0, v60  }
0x1b2: {  	v3 =	vor.u32 v3, v4  }
0x1b3: {  	v4 =	vperm.xlane v3, v0;
	_ =	sdelay $0x1  }
0x1b4: {  	v3 =	vperm.xlane v3, v2;
	v4 =	vadd.s32 v1, v4;
	_ =	sdelay $0x1  }
0x1b5: {  	v3 =	vadd.s32 v1, v3;
	_ =	sdelay $0x2  }
0x1b6: {  	[tilespmem:s23], [sflag:$0x1] =	stream.indirect_vreg.gather [hbm4b:s1+s3], $0x80, v4, vm0, $0xb8;
	[tilespmem:$0x8080] =	vst v63  }
0x1b7: {  	_ = 	snop  }
0x1b8: {  	[tilespmem:s24], [sflag:$0x1] =	stream.indirect_vreg.gather [hbm4b:s1+s3], $0x80, v3, vm0, $0xb8;
	[tilespmem:$0x8080] =	vst v63  }
0x1b9: {  	v3 =	vld [tilespmem:$0x50];
	_ =	sdelay $0x4  }
0x1ba: {  	v61 =	vshll.u32 v3, $0x1  }
0x1bb: {  	v3 =	vand.u32 $0x7, v3;
	v4 =	vand.u32 $0xFFFFFFF0, v61  }
0x1bc: {  	v3 =	vor.u32 v3, v4  }
0x1bd: {  	v4 =	vperm.xlane v3, v0;
	_ =	sdelay $0x1  }
0x1be: {  	v3 =	vperm.xlane v3, v2;
	v4 =	vadd.s32 v1, v4;
	_ =	sdelay $0x1  }
0x1bf: {  	v3 =	vadd.s32 v1, v3;
	_ =	sdelay $0x2  }
0x1c0: {  	[tilespmem:s25], [sflag:$0x1] =	stream.indirect_vreg.gather [hbm4b:s1+s3], $0x80, v4, vm0, $0xb8;
	[tilespmem:$0x8080] =	vst v63  }
0x1c1: {  	_ = 	snop  }
0x1c2: {  	[tilespmem:s26], [sflag:$0x1] =	stream.indirect_vreg.gather [hbm4b:s1+s3], $0x80, v3, vm0, $0xb8;
	[tilespmem:$0x8080] =	vst v63  }
0x1c3: {  	v3 =	vld [tilespmem:$0x60];
	_ =	sdelay $0x4  }
0x1c4: {  	v62 =	vshll.u32 v3, $0x1  }
0x1c5: {  	v3 =	vand.u32 $0x7, v3;
	v4 =	vand.u32 $0xFFFFFFF0, v62  }
0x1c6: {  	v3 =	vor.u32 v3, v4  }
0x1c7: {  	v4 =	vperm.xlane v3, v0;
	_ =	sdelay $0x1  }
0x1c8: {  	v3 =	vperm.xlane v3, v2;
	v4 =	vadd.s32 v1, v4;
	_ =	sdelay $0x1  }
0x1c9: {  	v3 =	vadd.s32 v1, v3;
	_ =	sdelay $0x2  }
0x1ca: {  	[tilespmem:s28], [sflag:$0x1] =	stream.indirect_vreg.gather [hbm4b:s1+s3], $0x80, v4, vm0, $0xb8;
	[tilespmem:$0x8080] =	vst v63  }
0x1cb: {  	_ = 	snop  }
0x1cc: {  	[tilespmem:s29], [sflag:$0x1] =	stream.indirect_vreg.gather [hbm4b:s1+s3], $0x80, v3, vm0, $0xb8;
	[tilespmem:$0x8080] =	vst v63  }
0x1cd: {  	v3 =	vld [tilespmem:$0x70];
	_ =	sdelay $0x4  }
0x1ce: {  	v63 =	vshll.u32 v3, $0x1  }
0x1cf: {  	v3 =	vand.u32 $0x7, v3;
	v4 =	vand.u32 $0xFFFFFFF0, v63  }
0x1d0: {  	v3 =	vor.u32 v3, v4  }
0x1d1: {  	v4 =	vperm.xlane v3, v0;
	_ =	sdelay $0x1  }
0x1d2: {  	v3 =	vperm.xlane v3, v2;
	v4 =	vadd.s32 v1, v4;
	_ =	sdelay $0x1  }
0x1d3: {  	v3 =	vadd.s32 v1, v3;
	_ =	sdelay $0x2  }
0x1d4: {  	[tilespmem:s30], [sflag:$0x1] =	stream.indirect_vreg.gather [hbm4b:s1+s3], $0x80, v4, vm0, $0xb8;
	[tilespmem:$0x8080] =	vst v63  }
0x1d5: {  	_ = 	snop  }
0x1d6: {  	[tilespmem:s31], [sflag:$0x1] =	stream.indirect_vreg.gather [hbm4b:s1+s3], $0x80, v3, vm0, $0xb8;
	[tilespmem:$0x8080] =	vst v63  }
0x1d7: {  	_ =	swait.ge [sflag:s2], $0x8000  }
0x1d8: {  	p0 =	sne.s32 s13, $0x1;
	[sflag:s2] =	ssyncset.done $0x0  }
.Ltmp0:
0x1d9: {  	[sflag:s2] =	ssyncadd.s32 $0xFFFF8000;
	(pc) =	sbr.rel @p0 .LBB2_1-.Ltmp0, $4  }
0x1da: {  	[hbm4b:s12+s3] =	stream.linear.scatter [tilespmem:s15], [sflag:$0x2], $0x8000, $0x38;
	[tilespmem:$0x8080] =	vst v63  }
0x1db: {  	_ =	swait.ge [sflag:s14], $0x8000  }
0x1dc: {  	[sflag:s14] =	ssyncset.done $0x0  }
0x1dd: {  	s13 =	sadd.s32 $0xFFFFFFFF, s13;
	[sflag:s14] =	ssyncadd.s32 $0xFFFF8000  }
0x1de: {  	_ =	sfence.sel $0x180000  }
0x1df: {  	[bflag:$0x0] =	sbarrier.arrive $0xFFFF  }
0x1e0: {  	_ =	strace $0x9000004A  }
0x1e1: {  	s0 =	stileid.u32;
	[bflag:$0x2] =	sbarrier.arrive $0xFFFF  }
0x1e2: {  	p0 =	sne.s32 s0, $0x0;
	s0 =	rddreg [dreg:$0x3]  }
0x1e3: {  	s0 =	sadd.s32 @!p0 $0x100000, s0  }
0x1e4: {  	[sflag:s0] =	ssyncadd.tile.s32 @!p0 $0x1;
	_ =	shalt  }
.Lfunc_end2:
_tile_overlayer_lowered:
.L_overlay_start_2:
0x1e5: {  	(tag) =	ssettag $0x2  }
0x1e6: {  	s0 =	rddreg [dreg:$0x0];
	s2 =	stileid.u32  }
0x1e7: {  	s1 =	rddreg [dreg:$0x1];
	p0 =	sne.s32 s2, $0x0  }
0x1e8: {  	s3 =	rddreg [dreg:$0x2];
	[bflag:$0x3] =	sbarrier.arrive $0xFFFF;
	s2 =	simm.s32 @!p0 $0x1C02  }
0x1e9: {  	[timem:s3], [sflag:s2] =	dma.local @!p0 [hbm:s0], s1  }
0x1ea: {  	s0 =	simm.s32 @!p0 $0x2  }
0x1eb: {  	_ =	swait.ge @!p0 [sflag:s0], s1  }
0x1ec: {  	s1 =	ssub.s32 @!p0 $0x0, s1;
	[sflag:s0] =	ssyncset.done @!p0 $0x0  }
0x1ed: {  	[sflag:s0] =	ssyncadd.s32 @!p0 s1  }
0x1ee: {  	[bflag:$0x3] =	sbarrier.arrive $0xFFFF  }
0x1ef: {  	_ =	shalt  }

// kernel: kernel.8.cloned.1.call-start
scs
__scs_entry_jumppad:
0x0: {  	(pc) =	sbr.rel $0x88, $3  }
0x1: {  	(tag) =	ssettag $0x0;
	lr =	simm.s32 $0x1  }
0x2: {  	[smem:$0x3F9F] =	sst lr;
	_ =	strace $0xD0000000  }
0x3: {  	_ = 	snop  }
0x4: {  	_ = 	snop  }
0x5: {  	_ = 	snop  }
0x6: {  	_ = 	snop  }
0x7: {  	_ = 	snop  }
__scs_overlays_trampoline_lowered:
0x8: {  	[smem:$0x3FAE] =	sst s0  }
0x9: {  	[smem:$0x3FAF] =	sst s1  }
0xa: {  	[smem:$0x3FB0] =	sst s2  }
0xb: {  	[smem:$0x3FB1] =	sst s3  }
0xc: {  	[smem:$0x3FB2] =	sst s4  }
0xd: {  	[smem:$0x3FB3] =	sst s5  }
0xe: {  	[smem:$0x3FB4] =	sst s6  }
0xf: {  	[smem:$0x3FB5] =	sst s7  }
0x10: {  	[smem:$0x3FB6] =	sst s8  }
0x11: {  	[smem:$0x3FB7] =	sst s9;
	s0 =	simm.s32 @!p0 $0x0  }
0x12: {  	s1 =	sld [smem:$0x3F9D];
	s0 =	simm.s32 @p0 $0x1  }
0x13: {  	[smem:$0x3FB8] =	sst s0;
	s0 =	simm.s32 @!p1 $0x0  }
0x14: {  	s2 =	sld [smem:$0x3F9C];
	s0 =	simm.s32 @p1 $0x1  }
0x15: {  	[smem:$0x3FB9] =	sst s0;
	s0 =	simm.s32 @!p2 $0x0  }
0x16: {  	s3 =	sld [smem:$0x3FDB];
	s0 =	simm.s32 @p2 $0x1  }
0x17: {  	s4 =	simm.s32 $0x1BF5;
	[smem:$0x3FBB] =	sst s0  }
0x18: {  	s0 =	sld [smem:$0x3F9E];
	_ =	swait.ge [sflag:s4], $0x0  }
0x19: {  	s7 =	sld [smem:$0x3F9F]  }
0x1a: {  	s8 =	sadd.s32 $0xFFFFE003, lr  }
0x1b: {  	s9 =	sadd.s32 $0xFFFFFEF7, lr;
	s5 =	simm.s32 $0xFFFFFFFF;
	p2 =	slt.u32 s8, $0xFFFFF086  }
0x1c: {  	p1 =	slt.u32 s9, $0xF7A;
	s5 =	simm.s32 @!p2 $0x0  }
0x1d: {  	s5 =	simm.s32 @p1 $0x1;
	p0 =	seq.s32 s7, s2  }
0x1e: {  	s7 =	smul.u32 @!p0 $0xF7A, s2;
	p2 =	seq.s32 @!p0 s5, $0x0  }
0x1f: {  	s9 =	smul.u32 $0xF7A, s1;
	s8 =	simm.s32 @!p0 $0x1BF5;
	p2 =	por !p2, p0  }
0x20: {  	[sflag:s8] =	ssyncset.s32 @!p0 $0xFFFFF086;
	s6 =	sadd.s32 @!p0 s3, s7;
	s7 =	simm.s32 @!p0 $0x108  }
0x21: {  	s3 =	sadd.s32 s3, s9;
	s6 =	sadd.s32 @!p0 $0x88, s6;
	s7 =	simm.s32 @p2 $0x1082  }
0x22: {  	[simem:s7], [sflag:s8] =	dma.local @!p0 [hbm:s6], $0xF7A  }
0x23: {  	s9 =	sor.u32 $0xD0000000, s2;
	s6 =	simm.s32 $0x108;
	_ =	swait.ge @!p0 [sflag:s8], $0x0  }
0x24: {  	s3 =	sadd.s32 $0x88, s3;
	s6 =	simm.s32 @!p1 $0x1082;
	[sflag:s4] =	ssyncset.s32 $0xFFFFF086  }
0x25: {  	[simem:s6], [sflag:s4] =	dma.local [hbm:s3], $0xF7A  }
0x26: {  	[smem:$0x3F9F] =	sst s1;
	(tag) =	ssettag s2;
	_ =	strace s9  }
0x27: {  	s1 =	sld [smem:$0x3FAF]  }
0x28: {  	s2 =	sld [smem:$0x3FB0]  }
0x29: {  	s4 =	sld [smem:$0x3FB2]  }
0x2a: {  	p0 =	seq.s32 s5, $0x0;
	s5 =	sld [smem:$0x3FB3]  }
0x2b: {  	s6 =	sld [smem:$0x3FB4]  }
0x2c: {  	s7 =	sld [smem:$0x3FB5]  }
0x2d: {  	s3 =	simm.s32 $0x108;
	s8 =	sld [smem:$0x3FB6]  }
0x2e: {  	s3 =	simm.s32 @!p0 $0x1082;
	s9 =	sld [smem:$0x3FB7]  }
0x2f: {  	lr =	sadd.s32 s0, s3;
	s0 =	sld [smem:$0x3FAE]  }
0x30: {  	s3 =	sld [smem:$0x3FB1]  }
0x31: {  	[smem:$0x3FBA] =	sst s10  }
0x32: {  	s10 =	sld [smem:$0x3FB8];
	_ =	sdelay $0x3  }
0x33: {  	p0 =	seq.s32 s10, $0x1;
	s10 =	sld [smem:$0x3FBA];
	_ =	sdelay $0x3  }
0x34: {  	[smem:$0x3FBA] =	sst s10  }
0x35: {  	s10 =	sld [smem:$0x3FB9];
	_ =	sdelay $0x3  }
0x36: {  	p1 =	seq.s32 s10, $0x1;
	s10 =	sld [smem:$0x3FBA];
	_ =	sdelay $0x3  }
0x37: {  	[smem:$0x3FBA] =	sst s10  }
0x38: {  	s10 =	sld [smem:$0x3FBB]  }
0x39: {  	_ = 	snop;
	(pc) =	sbr.ind lr, $3  }
0x3a: {  	_ = 	snop  }
0x3b: {  	_ = 	snop  }
0x3c: {  	p2 =	seq.s32 s10, $0x1;
	s10 =	sld [smem:$0x3FBA]  }
0x3d: {  	_ =	shalt  }
0x3e: {  	_ =	shalt  }
0x3f: {  	_ =	shalt  }
0x40: {  	_ =	shalt  }
0x41: {  	_ =	shalt  }
0x42: {  	_ =	shalt  }
0x43: {  	_ =	shalt  }
0x44: {  	_ =	shalt  }
0x45: {  	_ =	shalt  }
0x46: {  	_ =	shalt  }
0x47: {  	_ =	shalt  }
0x48: {  	_ =	shalt  }
0x49: {  	_ =	shalt  }
0x4a: {  	_ =	shalt  }
0x4b: {  	_ =	shalt  }
0x4c: {  	_ =	shalt  }
0x4d: {  	_ =	shalt  }
0x4e: {  	_ =	shalt  }
0x4f: {  	_ =	shalt  }
0x50: {  	_ =	shalt  }
0x51: {  	_ =	shalt  }
0x52: {  	_ =	shalt  }
0x53: {  	_ =	shalt  }
0x54: {  	_ =	shalt  }
0x55: {  	_ =	shalt  }
0x56: {  	_ =	shalt  }
0x57: {  	_ =	shalt  }
0x58: {  	_ =	shalt  }
0x59: {  	_ =	shalt  }
0x5a: {  	_ =	shalt  }
0x5b: {  	_ =	shalt  }
0x5c: {  	_ =	shalt  }
0x5d: {  	_ =	shalt  }
0x5e: {  	_ =	shalt  }
0x5f: {  	_ =	shalt  }
0x60: {  	_ =	shalt  }
0x61: {  	_ =	shalt  }
0x62: {  	_ =	shalt  }
0x63: {  	_ =	shalt  }
0x64: {  	_ =	shalt  }
0x65: {  	_ =	shalt  }
0x66: {  	_ =	shalt  }
0x67: {  	_ =	shalt  }
0x68: {  	_ =	shalt  }
0x69: {  	_ =	shalt  }
0x6a: {  	_ =	shalt  }
0x6b: {  	_ =	shalt  }
0x6c: {  	_ =	shalt  }
0x6d: {  	_ =	shalt  }
0x6e: {  	_ =	shalt  }
0x6f: {  	_ =	shalt  }
0x70: {  	_ =	shalt  }
0x71: {  	_ =	shalt  }
0x72: {  	_ =	shalt  }
0x73: {  	_ =	shalt  }
0x74: {  	_ =	shalt  }
0x75: {  	_ =	shalt  }
0x76: {  	_ =	shalt  }
0x77: {  	_ =	shalt  }
0x78: {  	_ =	shalt  }
0x79: {  	_ =	shalt  }
0x7a: {  	_ =	shalt  }
0x7b: {  	_ =	shalt  }
0x7c: {  	_ =	shalt  }
0x7d: {  	_ =	shalt  }
0x7e: {  	_ =	shalt  }
0x7f: {  	_ =	shalt  }
0x80: {  	_ =	shalt  }
0x81: {  	_ =	shalt  }
0x82: {  	_ =	shalt  }
0x83: {  	_ =	shalt  }
0x84: {  	_ =	shalt  }
0x85: {  	_ =	shalt  }
0x86: {  	_ =	shalt  }
0x87: {  	_ =	shalt  }
.Lfunc_end0:
.L_simem_size_0:
called_computation_lowered:
.L_overlay_start_0:
0x88: {  	s2 =	sld [smem:$0x3FD9]  }
0x89: {  	s3 =	sld [smem:$0x3FFE];
	_ =	sdelay $0x1  }
0x8a: {  	s1 =	srdreg.scid  }
0x8b: {  	s0 =	sand.u32 $0x1, s1  }
0x8c: {  	s16 =	sshll.u32 s0, $0xA;
	s2 =	sadd.s32 s3, s2  }
0x8d: {  	s2 =	sadd.s32 s2, s16  }
0x8e: {  	[smem:$0x3FC6] =	sst s2  }
0x8f: {  	_ = 	snop  }
0x90: {  	(tm) =	ssettm $0x1  }
0x91: {  	s17 =	sld [smem:$0x3FFB];
	_ =	sdelay $0x3  }
0x92: {  	_ =	strace s17  }
0x93: {  	s2 =	sld [smem:$0x3FFC];
	_ =	sdelay $0x3  }
0x94: {  	_ =	strace s2  }
0x95: {  	s2 =	sld [smem:$0x3FFD];
	_ =	sdelay $0x3  }
0x96: {  	_ =	strace s2  }
0x97: {  	_ =	strace $0x8FFFFFFF  }
0x98: {  	s18 =	sld [smem:$0x3FDB];
	_ =	sdelay $0x1  }
0x99: {  	s19 =	simm.s32 $_scs_section_size  }
0x9a: {  	s4 =	simm.s32 $_size__tile_overlayer_lowered;
	s5 =	simm.s32 $_tile_overlayer_lowered  }
0x9b: {  	s22 =	simm.s32 $0x1BFF;
	s21 =	sshll.u32 s5, $0x1;
	s2 =	sadd.s32 s19, s18  }
0x9c: {  	s6 =	simm.s32 $0x0;
	s20 =	sshll.u32 s4, $0x1;
	s4 =	sadd.s32 s21, s2  }
0x9d: {  	[timem:s6], [sflag:s22] =	dma.local [hbm:s4], s20  }
0x9e: {  	_ =	swait.ge [sflag:s22], s20  }
0x9f: {  	s3 =	ssub.s32 $0x0, s20;
	[sflag:s22] =	ssyncset.done $0x0  }
0xa0: {  	[sflag:s22] =	ssyncadd.s32 s3;
	_ =	sdelay $0x1  }
0xa1: {  	s23 =	simm.s32 $0x1B8B  }
0xa2: {  	_ =	swait.ge [sflag:s23], $0x1  }
0xa3: {  	[sflag:s23] =	ssyncset.done $0x0  }
0xa4: {  	s25 =	simm.s32 $0x1B8E;
	s24 =	sld [smem:$0x3FFE];
	[sflag:s23] =	ssyncadd.s32 $0xFFFFFFFF  }
0xa5: {  	s26 =	simm.s32 $execute0_lowered;
	[smem:$0x3FD2] =	sst s25  }
0xa6: {  	s4 =	sshll.u32 s26, $0x1;
	_ =	strace $0x80000046;
	[dreg:$0x1] =	wrdreg $0xFFFFFFFF  }
0xa7: {  	s28 =	simm.s32 $_size_execute0_lowered;
	s2 =	sadd.s32 s2, s4;
	[dreg:$0x0] =	wrdreg $0x0  }
0xa8: {  	s4 =	sshll.u32 s28, $0x1;
	[dreg:$0x2] =	wrdreg s2  }
0xa9: {  	[dreg:$0x3] =	wrdreg s4  }
0xaa: {  	[dreg:$0x4] =	wrdreg $0xC0  }
0xab: {  	_ =	task [dreg:s6], $0x5FFFF  }
0xac: {  	[dreg:$0x1] =	wrdreg $0xFFFFFFFF  }
0xad: {  	[dreg:$0x0] =	wrdreg $0x60  }
0xae: {  	[dreg:$0x2] =	wrdreg s24  }
0xaf: {  	[dreg:$0x3] =	wrdreg $0x9  }
0xb0: {  	_ =	task.clear_ibuf [dreg:s6], $0x4FFFF;
	_ =	strace $0x90000046  }
0xb1: {  	s29 =	simm.s32 $0x9;
	_ =	strace $0x80000048  }
0xb2: {  	_ =	swait.ge [sflag:s29], $0x1  }
0xb3: {  	[sflag:s29] =	ssyncadd.s32 $0xFFFFFFFF  }
0xb4: {  	_ =	strace $0x90000048  }
0xb5: {  	_ =	sfence  }
0xb6: {  	s30 =	sld [smem:$0x0];
	_ =	sdelay $0x2  }
0xb7: {  	s31 =	sshll.u32 s1, $0xD;
	s1 =	sshrl.u32 s1, $0x2  }
0xb8: {  	s3 =	sand.u32 $0x4000, s31;
	s1 =	sadd.s32 s1, s30  }
0xb9: {  	s0 =	sor.u32 s3, s0;
	s1 =	sshll.u32 s1, $0x11  }
0xba: {  	s0 =	sor.u32 s1, s0  }
0xbb: {  	s0 =	sadd.s32 $0x8F2B, s0  }
0xbc: {  	[sflag:s0] =	ssyncadd.remote.s32 $0x1  }
0xbd: {  	_ =	sfence.sel $0xFFFF  }
0xbe: {  	[dreg:$0x0] =	wrdreg $0xFFFFFFFF;
	(pc) =	sbr.abs _section_cstart, $3  }
0xbf: {  	[dreg:$0x1] =	wrdreg $0xFFFFFFFF  }
0xc0: {  	_ =	task.clear_ibuf [dreg:s6], $0x2FFFF;
	_ =	strace $0x9FFFFFFF  }
0xc1: {  	(tm) =	ssettm $0x7FFFFFFF  }
tec
execute0_lowered:
.L_overlay_start_1:
0x0: {  	(tag) =	ssettag $0x1  }
0x1: {  	s1 =	srdreg.scid;
	s0 =	stileid.u32  }
0x2: {  	s16 =	sand.u32 $0x1, s1;
	s26 =	sshll.u32 s0, $0x1  }
0x3: {  	s8 =	sor.u32 s16, s26  }
0x4: {  	s9 =	rddreg [dreg:$0x0];
	s17 =	smul.u32 $0x280, s8  }
0x5: {  	s2 =	simm.s32 $0x0;
	s1 =	rddreg [dreg:$0x1]  }
0x6: {  	[smem:$0x7FF] =	sst s2;
	s15 =	sadd.s32 $0x1000, s9;
	s3 =	sshrl.u32 s17, $0x3  }
0x7: {  	_ =	strace $0x80000047;
	s4 =	sadd.s32 s15, s3;
	s3 =	simm.s32 $0x2  }
0x8: {  	[tilespmem:s2], [sflag:$0x2] =	stream.linear.gather [hbm4b:s4+s2], $0x80, $0x38;
	[tilespmem:$0x4080] =	vst v63  }
0x9: {  	_ =	swait.ge [sflag:s3], $0x80  }
0xa: {  	s6 =	simm.s32 $0x80;
	[sflag:s3] =	ssyncset.done $0x0  }
0xb: {  	s7 =	simm.s32 $0x1;
	s5 =	sadd.s32 $0x311000, s9;
	[sflag:s3] =	ssyncadd.s32 $0xFFFFFF80  }
0xc: {  	[tilespmem:s6], [sflag:$0x1] =	stream.indirect.gather [hbm4b:s5+s6], $0x80, s2, s6, $0xb8;
	[tilespmem:$0x4080] =	vst v63  }
0xd: {  	s8 =	smul.u32 $0x2800, s8;
	_ =	swait.ge [sflag:s7], $0x4000  }
0xe: {  	s18 =	sadd.s32 $0x1A00, s9;
	[sflag:s7] =	ssyncset.done $0x0  }
0xf: {  	s8 =	sadd.s32 s18, s8;
	[sflag:s7] =	ssyncadd.s32 $0xFFFFC000  }
0x10: {  	[hbm4b:s8+s2] =	stream.linear.scatter [tilespmem:s6], [sflag:$0x2], $0x4000, $0x38;
	[tilespmem:$0x4080] =	vst v63  }
0x11: {  	s10 =	sadd.s32 $0x80, s17;
	_ =	swait.ge [sflag:s3], $0x4000  }
0x12: {  	s28 =	sshrl.u32 s10, $0x3;
	[sflag:s3] =	ssyncset.done $0x0  }
0x13: {  	s9 =	sadd.s32 s15, s28;
	[sflag:s3] =	ssyncadd.s32 $0xFFFFC000  }
0x14: {  	[tilespmem:s2], [sflag:$0x2] =	stream.linear.gather [hbm4b:s9+s2], $0x80, $0x38;
	[tilespmem:$0x4080] =	vst v63  }
0x15: {  	_ =	swait.ge [sflag:s3], $0x80  }
0x16: {  	[sflag:s3] =	ssyncset.done $0x0  }
0x17: {  	[sflag:s3] =	ssyncadd.s32 $0xFFFFFF80  }
0x18: {  	[tilespmem:s6], [sflag:$0x1] =	stream.indirect.gather [hbm4b:s5+s6], $0x80, s2, s6, $0xb8;
	[tilespmem:$0x4080] =	vst v63  }
0x19: {  	_ =	swait.ge [sflag:s7], $0x4000  }
0x1a: {  	s10 =	sshll.u32 s10, $0x4;
	[sflag:s7] =	ssyncset.done $0x0  }
0x1b: {  	s10 =	sadd.s32 s18, s10;
	[sflag:s7] =	ssyncadd.s32 $0xFFFFC000  }
0x1c: {  	[hbm4b:s10+s2] =	stream.linear.scatter [tilespmem:s6], [sflag:$0x2], $0x4000, $0x38;
	[tilespmem:$0x4080] =	vst v63  }
0x1d: {  	s12 =	sadd.s32 $0x100, s17;
	_ =	swait.ge [sflag:s3], $0x4000  }
0x1e: {  	s11 =	sshrl.u32 s12, $0x3;
	[sflag:s3] =	ssyncset.done $0x0  }
0x1f: {  	s11 =	sadd.s32 s15, s11;
	[sflag:s3] =	ssyncadd.s32 $0xFFFFC000  }
0x20: {  	[tilespmem:s2], [sflag:$0x2] =	stream.linear.gather [hbm4b:s11+s2], $0x80, $0x38;
	[tilespmem:$0x4080] =	vst v63  }
0x21: {  	_ =	swait.ge [sflag:s3], $0x80  }
0x22: {  	[sflag:s3] =	ssyncset.done $0x0  }
0x23: {  	[sflag:s3] =	ssyncadd.s32 $0xFFFFFF80  }
0x24: {  	[tilespmem:s6], [sflag:$0x1] =	stream.indirect.gather [hbm4b:s5+s6], $0x80, s2, s6, $0xb8;
	[tilespmem:$0x4080] =	vst v63  }
0x25: {  	_ =	swait.ge [sflag:s7], $0x4000  }
0x26: {  	s12 =	sshll.u32 s12, $0x4;
	[sflag:s7] =	ssyncset.done $0x0  }
0x27: {  	s12 =	sadd.s32 s18, s12;
	[sflag:s7] =	ssyncadd.s32 $0xFFFFC000  }
0x28: {  	[hbm4b:s12+s2] =	stream.linear.scatter [tilespmem:s6], [sflag:$0x2], $0x4000, $0x38;
	[tilespmem:$0x4080] =	vst v63  }
0x29: {  	s14 =	sadd.s32 $0x180, s17;
	_ =	swait.ge [sflag:s3], $0x4000  }
0x2a: {  	s13 =	sshrl.u32 s14, $0x3;
	[sflag:s3] =	ssyncset.done $0x0  }
0x2b: {  	s13 =	sadd.s32 s15, s13;
	[sflag:s3] =	ssyncadd.s32 $0xFFFFC000  }
0x2c: {  	[tilespmem:s2], [sflag:$0x2] =	stream.linear.gather [hbm4b:s13+s2], $0x80, $0x38;
	[tilespmem:$0x4080] =	vst v63  }
0x2d: {  	_ =	swait.ge [sflag:s3], $0x80  }
0x2e: {  	[sflag:s3] =	ssyncset.done $0x0  }
0x2f: {  	[sflag:s3] =	ssyncadd.s32 $0xFFFFFF80  }
0x30: {  	[tilespmem:s6], [sflag:$0x1] =	stream.indirect.gather [hbm4b:s5+s6], $0x80, s2, s6, $0xb8;
	[tilespmem:$0x4080] =	vst v63  }
0x31: {  	_ =	swait.ge [sflag:s7], $0x4000  }
0x32: {  	s14 =	sshll.u32 s14, $0x4;
	[sflag:s7] =	ssyncset.done $0x0  }
0x33: {  	s14 =	sadd.s32 s18, s14;
	[sflag:s7] =	ssyncadd.s32 $0xFFFFC000  }
0x34: {  	[hbm4b:s14+s2] =	stream.linear.scatter [tilespmem:s6], [sflag:$0x2], $0x4000, $0x38;
	[tilespmem:$0x4080] =	vst v63  }
0x35: {  	s17 =	sadd.s32 $0x200, s17;
	_ =	swait.ge [sflag:s3], $0x4000  }
0x36: {  	s19 =	sshrl.u32 s17, $0x3;
	[sflag:s3] =	ssyncset.done $0x0  }
0x37: {  	s16 =	ssub.s32 $0x2, s16;
	s15 =	sadd.s32 s15, s19;
	[sflag:s3] =	ssyncadd.s32 $0xFFFFC000  }
0x38: {  	[tilespmem:s2], [sflag:$0x2] =	stream.linear.gather [hbm4b:s15+s2], $0x80, $0x38;
	[tilespmem:$0x4080] =	vst v63  }
0x39: {  	s29 =	sshrl.u32 s16, $0x1;
	_ =	swait.ge [sflag:s3], $0x80  }
0x3a: {  	s19 =	ssub.s32 s16, s29;
	[sflag:s3] =	ssyncset.done $0x0  }
0x3b: {  	s31 =	smax.u32 s19, $0x1;
	[sflag:s3] =	ssyncadd.s32 $0xFFFFFF80  }
0x3c: {  	[tilespmem:s6], [sflag:$0x1] =	stream.indirect.gather [hbm4b:s5+s6], $0x80, s2, s6, $0xb8;
	[tilespmem:$0x4080] =	vst v63  }
0x3d: {  	p0 =	sne.s32 s31, $0x1;
	_ =	swait.ge [sflag:s7], $0x4000  }
.Ltmp0:
0x3e: {  	s30 =	sshll.u32 s17, $0x4;
	[sflag:s7] =	ssyncset.done $0x0;
	(pc) =	sbr.rel @!p0 .LBB2_2-.Ltmp0, $4  }
0x3f: {  	s16 =	sadd.s32 s18, s30;
	[sflag:s7] =	ssyncadd.s32 $0xFFFFC000  }
0x40: {  	[hbm4b:s16+s2] =	stream.linear.scatter [tilespmem:s6], [sflag:$0x2], $0x4000, $0x38;
	[tilespmem:$0x4080] =	vst v63  }
0x41: {  	_ =	swait.ge [sflag:s3], $0x4000  }
0x42: {  	s17 =	sadd.s32 $0xFFFFFFFF, s31;
	[sflag:s3] =	ssyncset.done $0x0  }
.LBB2_1:
0x43: {  	p0 =	sne.s32 s17, $0x1;
	s17 =	sadd.s32 $0xFFFFFFFF, s17;
	[sflag:s3] =	ssyncadd.s32 $0xFFFFC000  }
0x44: {  	[tilespmem:s2], [sflag:$0x2] =	stream.linear.gather [hbm4b:s4+s2], $0x80, $0x38;
	[tilespmem:$0x4080] =	vst v63  }
0x45: {  	_ =	swait.ge [sflag:s3], $0x80  }
0x46: {  	[sflag:s3] =	ssyncset.done $0x0  }
0x47: {  	[sflag:s3] =	ssyncadd.s32 $0xFFFFFF80  }
0x48: {  	[tilespmem:s6], [sflag:$0x1] =	stream.indirect.gather [hbm4b:s5+s6], $0x80, s2, s6, $0xb8;
	[tilespmem:$0x4080] =	vst v63  }
0x49: {  	_ =	swait.ge [sflag:s7], $0x4000  }
0x4a: {  	[sflag:s7] =	ssyncset.done $0x0  }
0x4b: {  	[sflag:s7] =	ssyncadd.s32 $0xFFFFC000  }
0x4c: {  	[hbm4b:s8+s2] =	stream.linear.scatter [tilespmem:s6], [sflag:$0x2], $0x4000, $0x38;
	[tilespmem:$0x4080] =	vst v63  }
0x4d: {  	_ =	swait.ge [sflag:s3], $0x4000  }
0x4e: {  	[sflag:s3] =	ssyncset.done $0x0  }
0x4f: {  	[sflag:s3] =	ssyncadd.s32 $0xFFFFC000  }
0x50: {  	[tilespmem:s2], [sflag:$0x2] =	stream.linear.gather [hbm4b:s9+s2], $0x80, $0x38;
	[tilespmem:$0x4080] =	vst v63  }
0x51: {  	_ =	swait.ge [sflag:s3], $0x80  }
0x52: {  	[sflag:s3] =	ssyncset.done $0x0  }
0x53: {  	[sflag:s3] =	ssyncadd.s32 $0xFFFFFF80  }
0x54: {  	[tilespmem:s6], [sflag:$0x1] =	stream.indirect.gather [hbm4b:s5+s6], $0x80, s2, s6, $0xb8;
	[tilespmem:$0x4080] =	vst v63  }
0x55: {  	_ =	swait.ge [sflag:s7], $0x4000  }
0x56: {  	[sflag:s7] =	ssyncset.done $0x0  }
0x57: {  	[sflag:s7] =	ssyncadd.s32 $0xFFFFC000  }
0x58: {  	[hbm4b:s10+s2] =	stream.linear.scatter [tilespmem:s6], [sflag:$0x2], $0x4000, $0x38;
	[tilespmem:$0x4080] =	vst v63  }
0x59: {  	_ =	swait.ge [sflag:s3], $0x4000  }
0x5a: {  	[sflag:s3] =	ssyncset.done $0x0  }
0x5b: {  	[sflag:s3] =	ssyncadd.s32 $0xFFFFC000  }
0x5c: {  	[tilespmem:s2], [sflag:$0x2] =	stream.linear.gather [hbm4b:s11+s2], $0x80, $0x38;
	[tilespmem:$0x4080] =	vst v63  }
0x5d: {  	_ =	swait.ge [sflag:s3], $0x80  }
0x5e: {  	[sflag:s3] =	ssyncset.done $0x0  }
0x5f: {  	[sflag:s3] =	ssyncadd.s32 $0xFFFFFF80  }
0x60: {  	[tilespmem:s6], [sflag:$0x1] =	stream.indirect.gather [hbm4b:s5+s6], $0x80, s2, s6, $0xb8;
	[tilespmem:$0x4080] =	vst v63  }
0x61: {  	_ =	swait.ge [sflag:s7], $0x4000  }
0x62: {  	[sflag:s7] =	ssyncset.done $0x0  }
0x63: {  	[sflag:s7] =	ssyncadd.s32 $0xFFFFC000  }
0x64: {  	[hbm4b:s12+s2] =	stream.linear.scatter [tilespmem:s6], [sflag:$0x2], $0x4000, $0x38;
	[tilespmem:$0x4080] =	vst v63  }
0x65: {  	_ =	swait.ge [sflag:s3], $0x4000  }
0x66: {  	[sflag:s3] =	ssyncset.done $0x0  }
0x67: {  	[sflag:s3] =	ssyncadd.s32 $0xFFFFC000  }
0x68: {  	[tilespmem:s2], [sflag:$0x2] =	stream.linear.gather [hbm4b:s13+s2], $0x80, $0x38;
	[tilespmem:$0x4080] =	vst v63  }
0x69: {  	_ =	swait.ge [sflag:s3], $0x80  }
0x6a: {  	[sflag:s3] =	ssyncset.done $0x0  }
0x6b: {  	[sflag:s3] =	ssyncadd.s32 $0xFFFFFF80  }
0x6c: {  	[tilespmem:s6], [sflag:$0x1] =	stream.indirect.gather [hbm4b:s5+s6], $0x80, s2, s6, $0xb8;
	[tilespmem:$0x4080] =	vst v63  }
0x6d: {  	_ =	swait.ge [sflag:s7], $0x4000  }
0x6e: {  	[sflag:s7] =	ssyncset.done $0x0  }
0x6f: {  	[sflag:s7] =	ssyncadd.s32 $0xFFFFC000  }
0x70: {  	[hbm4b:s14+s2] =	stream.linear.scatter [tilespmem:s6], [sflag:$0x2], $0x4000, $0x38;
	[tilespmem:$0x4080] =	vst v63  }
0x71: {  	_ =	swait.ge [sflag:s3], $0x4000  }
0x72: {  	[sflag:s3] =	ssyncset.done $0x0  }
0x73: {  	[sflag:s3] =	ssyncadd.s32 $0xFFFFC000  }
0x74: {  	[tilespmem:s2], [sflag:$0x2] =	stream.linear.gather [hbm4b:s15+s2], $0x80, $0x38;
	[tilespmem:$0x4080] =	vst v63  }
0x75: {  	_ =	swait.ge [sflag:s3], $0x80  }
0x76: {  	[sflag:s3] =	ssyncset.done $0x0  }
0x77: {  	[sflag:s3] =	ssyncadd.s32 $0xFFFFFF80  }
0x78: {  	[tilespmem:s6], [sflag:$0x1] =	stream.indirect.gather [hbm4b:s5+s6], $0x80, s2, s6, $0xb8;
	[tilespmem:$0x4080] =	vst v63  }
0x79: {  	_ =	swait.ge [sflag:s7], $0x4000  }
.Ltmp1:
0x7a: {  	[sflag:s7] =	ssyncset.done $0x0;
	(pc) =	sbr.rel @p0 .LBB2_1-.Ltmp1, $4  }
0x7b: {  	[sflag:s7] =	ssyncadd.s32 $0xFFFFC000  }
0x7c: {  	[hbm4b:s16+s2] =	stream.linear.scatter [tilespmem:s6], [sflag:$0x2], $0x4000, $0x38;
	[tilespmem:$0x4080] =	vst v63  }
0x7d: {  	_ =	swait.ge [sflag:s3], $0x4000  }
0x7e: {  	[sflag:s3] =	ssyncset.done $0x0  }
.LBB2_2:
0x7f: {  	[sflag:s3] =	ssyncadd.s32 $0xFFFFC000  }
0x80: {  	_ =	sfence.sel $0x180000  }
0x81: {  	[bflag:$0x0] =	sbarrier.arrive $0xFFFF  }
0x82: {  	p0 =	sne.s32 s0, $0x0;
	_ =	strace $0x90000047  }
0x83: {  	s0 =	sadd.s32 @!p0 $0x100000, s1;
	[bflag:$0x2] =	sbarrier.arrive $0xFFFF  }
0x84: {  	[sflag:s0] =	ssyncadd.tile.s32 @!p0 $0x1;
	_ =	shalt  }
.Lfunc_end2:
_tile_overlayer_lowered:
.L_overlay_start_2:
0x85: {  	(tag) =	ssettag $0x2  }
0x86: {  	s0 =	rddreg [dreg:$0x0];
	s2 =	stileid.u32  }
0x87: {  	s1 =	rddreg [dreg:$0x1];
	p0 =	sne.s32 s2, $0x0  }
0x88: {  	s3 =	rddreg [dreg:$0x2];
	[bflag:$0x3] =	sbarrier.arrive $0xFFFF;
	s2 =	simm.s32 @!p0 $0x1C02  }
0x89: {  	[timem:s3], [sflag:s2] =	dma.local @!p0 [hbm:s0], s1  }
0x8a: {  	s0 =	simm.s32 @!p0 $0x2  }
0x8b: {  	_ =	swait.ge @!p0 [sflag:s0], s1  }
0x8c: {  	s1 =	ssub.s32 @!p0 $0x0, s1;
	[sflag:s0] =	ssyncset.done @!p0 $0x0  }
0x8d: {  	[sflag:s0] =	ssyncadd.s32 @!p0 s1  }
0x8e: {  	[bflag:$0x3] =	sbarrier.arrive $0xFFFF  }
0x8f: {  	_ =	shalt  }

</sc_bundles>
